<compile_context>
chip_gen: v7x
topology: tpu7x:2x2x1
jax: 0.10.2.dev20260603
libtpu: 0.0.44.dev20260713+nightly
codegen_flags: <defaults>
</compile_context>

<pallas_src>
import functools

import jax
import jax.numpy as jnp
from jax import lax
from jax.experimental import pallas as pl
from jax.experimental.pallas import tpu as pltpu
from jax.experimental.pallas import tpu_sc as plsc

_N = 10000
_E = 320000
_NPAD = 10240
_NW = 32
_C = 128
_NCHUNK = 80
_EPAD = _C * _NCHUNK * _NW
_RPT = _NPAD // 16
_D = 128
_MB = 512
_GRID_M = _NPAD // _MB

_mesh = plsc.VectorSubcoreMesh(core_axis_name="c", subcore_axis_name="s")


@functools.partial(
    pl.kernel, mesh=_mesh,
    out_type=jax.ShapeDtypeStruct((2, _NPAD, _D), jnp.float32),
    scratch_types=[
        pltpu.VMEM((_NCHUNK, _C), jnp.int32),
        pltpu.VMEM((8, _C), jnp.int32),
        pltpu.VMEM((8, _C), jnp.int32),
        pltpu.VMEM((_C, _D), jnp.float32),
        pltpu.VMEM((_C, _D), jnp.float32),
        pltpu.VMEM_SHARED((_NPAD, _D), jnp.float32),
        pltpu.SemaphoreType.DMA,
        pltpu.SemaphoreType.DMA,
        pltpu.SemaphoreType.DMA,
        pltpu.SemaphoreType.DMA,
        pltpu.SemaphoreType.DMA,
        pltpu.SemaphoreType.DMA,
    ])
def _agg(vals_hbm, src_hbm, dst_hbm, part_hbm, dst_v, si0, si1, r0, r1,
         acc_sh, ssi0, ssi1, sg0, sg1, ss0, ss1):
  cid = lax.axis_index("c")
  sid = lax.axis_index("s")
  wid = cid * 16 + sid
  nrc = _RPT // _C
  zero16 = jnp.zeros((16,), jnp.float32)
  srcs = (si0, si1)
  rows = (r0, r1)
  sis = (ssi0, ssi1)
  sgs = (sg0, sg1)
  sss = (ss0, ss1)

  def src_copy(j, b):
    return pltpu.make_async_copy(src_hbm.at[wid, pl.ds(j, 1)],
                                 srcs[b].at[pl.ds(0, 1)], sis[b])

  def gather(j_ref_b, b):
    return pltpu.make_async_copy(vals_hbm.at[srcs[b].at[0]], rows[b], sgs[b])

  def scatter(j, b):
    return pltpu.async_copy(rows[b], acc_sh.at[dst_v.at[j]], sss[b], add=True)

  pltpu.sync_copy(dst_hbm.at[wid], dst_v)
  src_copy(0, 0).start()
  src_copy(1, 1).start()

  @pl.loop(0, _C)
  def _(i):
    @pl.loop(0, _D, step=16)
    def _(j):
      r0[i, pl.ds(j, 16)] = zero16
  for t in range(nrc):
    pltpu.sync_copy(r0, acc_sh.at[pl.ds(sid * _RPT + t * _C, _C)])

  plsc.subcore_barrier()

  src_copy(0, 0).wait()
  gather(0, 0).start()

  @pl.loop(0, _NCHUNK // 2)
  def _(u):
    a = 2 * u
    b = a + 1
    gather(a, 0).wait()
    @pl.when(a + 2 < _NCHUNK)
    def _():
      src_copy(a + 2, 0).start()
    src_copy(b, 1).wait()
    gather(b, 1).start()
    scatter(a, 0).wait()
    gather(b, 1).wait()
    @pl.when(b + 2 < _NCHUNK)
    def _():
      src_copy(b + 2, 1).start()
    @pl.when(a + 2 < _NCHUNK)
    def _():
      src_copy(a + 2, 0).wait()
      gather(a + 2, 0).start()
    scatter(b, 1).wait()

  plsc.subcore_barrier()

  for t in range(nrc):
    rs = pl.ds(sid * _RPT + t * _C, _C)
    pltpu.sync_copy(acc_sh.at[rs], r0)
    pltpu.sync_copy(r0, part_hbm.at[cid, rs])


def _tc_proj1(xp, Wl1, Wr1, bl1r):
  def body(x_ref, wl_ref, wr_ref, b_ref, p_ref, r_ref):
    xb = x_ref[...]
    p1 = jnp.dot(xb, wl_ref[...], preferred_element_type=jnp.float32)
    ones = jnp.ones((_MB, 1), jnp.float32)
    zeros = jnp.zeros((_MB, _D - 17), jnp.float32)
    p_ref[...] = jnp.concatenate([p1, ones, zeros], axis=1)
    r_ref[...] = (jnp.dot(xb, wr_ref[...], preferred_element_type=jnp.float32)
                  + b_ref[...])
  return pl.pallas_call(
      body,
      grid=(_GRID_M,),
      in_specs=[pl.BlockSpec((_MB, 128), lambda i: (i, 0)),
                pl.BlockSpec((128, 16), lambda i: (0, 0)),
                pl.BlockSpec((128, 16), lambda i: (0, 0)),
                pl.BlockSpec((1, 16), lambda i: (0, 0))],
      out_specs=[pl.BlockSpec((_MB, _D), lambda i: (i, 0)),
                 pl.BlockSpec((_MB, 16), lambda i: (i, 0))],
      out_shape=(jax.ShapeDtypeStruct((_NPAD, _D), jnp.float32),
                 jax.ShapeDtypeStruct((_NPAD, 16), jnp.float32)),
  )(xp, Wl1, Wr1, bl1r)


def _tc_layer1(part1, r1):
  def body(p_ref, r_ref, h_ref, c_ref):
    s = p_ref[0] + p_ref[1]
    cnt = jnp.maximum(s[:, 16:17], 1.0)
    mean = s[:, 0:16] / cnt
    h = jnp.maximum(mean + r_ref[...], 0.0)
    h_ref[...] = jnp.concatenate(
        [h, jnp.zeros((_MB, _D - 16), jnp.float32)], axis=1)
    c_ref[...] = jnp.broadcast_to(cnt, (_MB, 16))
  return pl.pallas_call(
      body,
      grid=(_GRID_M,),
      in_specs=[pl.BlockSpec((2, _MB, _D), lambda i: (0, i, 0)),
                pl.BlockSpec((_MB, 16), lambda i: (i, 0))],
      out_specs=[pl.BlockSpec((_MB, _D), lambda i: (i, 0)),
                 pl.BlockSpec((_MB, 16), lambda i: (i, 0))],
      out_shape=(jax.ShapeDtypeStruct((_NPAD, _D), jnp.float32),
                 jax.ShapeDtypeStruct((_NPAD, 16), jnp.float32)),
  )(part1, r1)


def _tc_layer2(part2, cnt16, h128, Wl2, Wr2, bl2r):
  def body(p_ref, c_ref, h_ref, wl_ref, wr_ref, b_ref, color_ref, ps_ref):
    i = pl.program_id(0)
    cnt = c_ref[:, 0:1]
    mean = (p_ref[0] + p_ref[1])[:, 0:16] / cnt
    h2 = (jnp.dot(mean, wl_ref[...], preferred_element_type=jnp.float32)
          + jnp.dot(h_ref[:, 0:16], wr_ref[...],
                    preferred_element_type=jnp.float32)
          + b_ref[...])
    color = jnp.maximum(h2, 0.0)
    color_ref[...] = jnp.concatenate(
        [color, jnp.zeros((_MB, _D - 32), jnp.float32)], axis=1)
    row = i * _MB + lax.broadcasted_iota(jnp.int32, (_MB, 1), 0)
    ps_ref[0] = jnp.sum(jnp.where(row < _N, h2, 0.0), axis=0, keepdims=True)
  return pl.pallas_call(
      body,
      grid=(_GRID_M,),
      in_specs=[pl.BlockSpec((2, _MB, _D), lambda i: (0, i, 0)),
                pl.BlockSpec((_MB, 16), lambda i: (i, 0)),
                pl.BlockSpec((_MB, _D), lambda i: (i, 0)),
                pl.BlockSpec((16, 32), lambda i: (0, 0)),
                pl.BlockSpec((16, 32), lambda i: (0, 0)),
                pl.BlockSpec((1, 32), lambda i: (0, 0))],
      out_specs=[pl.BlockSpec((_MB, _D), lambda i: (i, 0)),
                 pl.BlockSpec((1, 1, 32), lambda i: (i, 0, 0))],
      out_shape=(jax.ShapeDtypeStruct((_NPAD, _D), jnp.float32),
                 jax.ShapeDtypeStruct((_GRID_M, 1, 32), jnp.float32)),
  )(part2, cnt16, h128, Wl2, Wr2, bl2r)


def _tc_layer3(part3, cnt16, color128, psum, Wl3p, Wr3p, bl3r, Wcp, bcr):
  def body(p_ref, c_ref, col_ref, ps_ref, wl_ref, wr_ref, b_ref, wc_ref,
           bc_ref, out_ref, cls_ref):
    i = pl.program_id(0)
    cnt = c_ref[:, 0:1]
    mean = (p_ref[0] + p_ref[1])[:, 0:32] / cnt
    out_ref[...] = (
        jnp.dot(mean, wl_ref[...], preferred_element_type=jnp.float32)
        + jnp.dot(col_ref[:, 0:32], wr_ref[...],
                  preferred_element_type=jnp.float32)
        + b_ref[...])
    @pl.when(i == 0)
    def _():
      pooled = jnp.sum(ps_ref[...], axis=(0, 1)).reshape(1, 32) * (1.0 / _N)
      cls_ref[...] = (jnp.dot(pooled, wc_ref[...],
                              preferred_element_type=jnp.float32)
                      + bc_ref[...])
  return pl.pallas_call(
      body,
      grid=(_GRID_M,),
      in_specs=[pl.BlockSpec((2, _MB, _D), lambda i: (0, i, 0)),
                pl.BlockSpec((_MB, 16), lambda i: (i, 0)),
                pl.BlockSpec((_MB, _D), lambda i: (i, 0)),
                pl.BlockSpec((_GRID_M, 1, 32), lambda i: (0, 0, 0)),
                pl.BlockSpec((32, 32), lambda i: (0, 0)),
                pl.BlockSpec((32, 32), lambda i: (0, 0)),
                pl.BlockSpec((1, 32), lambda i: (0, 0)),
                pl.BlockSpec((32, 16), lambda i: (0, 0)),
                pl.BlockSpec((1, 16), lambda i: (0, 0))],
      out_specs=[pl.BlockSpec((_MB, 32), lambda i: (i, 0)),
                 pl.BlockSpec((1, 16), lambda i: (0, 0))],
      out_shape=(jax.ShapeDtypeStruct((_NPAD, 32), jnp.float32),
                 jax.ShapeDtypeStruct((1, 16), jnp.float32)),
  )(part3, cnt16, color128, psum, Wl3p, Wr3p, bl3r, Wcp, bcr)


def kernel(x, edge_index, batch, Wl1, bl1, Wr1, Wl2, bl2, Wr2, Wl3, bl3, Wr3,
           Wc, bc):
  xp = jnp.pad(x, ((0, _NPAD - _N), (0, 0)))
  src = edge_index[0]
  dst = edge_index[1]
  npad = _EPAD - _E
  fill = jnp.arange(npad, dtype=jnp.int32)
  src3 = jnp.concatenate([src, fill % _N]).reshape(_NW, _NCHUNK, _C)
  dst3 = jnp.concatenate([dst, _N + fill % (_NPAD - _N)]).reshape(
      _NW, _NCHUNK, _C)

  p1aug, r1 = _tc_proj1(xp, Wl1, Wr1, bl1.reshape(1, 16))
  part1 = _agg(p1aug, src3, dst3)
  h128, cnt16 = _tc_layer1(part1, r1)
  part2 = _agg(h128, src3, dst3)
  color128, psum = _tc_layer2(part2, cnt16, h128, Wl2, Wr2, bl2.reshape(1, 32))
  part3 = _agg(color128, src3, dst3)
  Wl3p = jnp.pad(Wl3, ((0, 0), (0, 11)))
  Wr3p = jnp.pad(Wr3, ((0, 0), (0, 11)))
  bl3r = jnp.pad(bl3, (0, 11)).reshape(1, 32)
  Wcp = jnp.pad(Wc, ((0, 0), (0, 6)))
  bcr = jnp.pad(bc, (0, 6)).reshape(1, 16)
  color_out, cls = _tc_layer3(part3, cnt16, color128, psum, Wl3p, Wr3p, bl3r,
                              Wcp, bcr)
  return (cls[:, :10], color_out[:_N, :21])

# --- scband reference (transcript-rebuilt; emitter-appended) ---
"""Pipeline reference for scband-simple-net-36704790511896 (READ-ONLY COPY).

The authoritative reference and input builder live on the scoring server;
editing this copy changes nothing except your own understanding.
"""

import jax, jax.numpy as jnp
import numpy as np

N = 10000
E = 320000
F_IN = 128
H1 = 16
H2 = 32
CH = 21
NC = 10


def setup_inputs(seed: int = 0) -> dict:
    key = jax.random.key(seed)
    ks = jax.random.split(key, 16)
    x = jax.random.normal(ks[0], (N, F_IN), dtype=jnp.float32)
    edge_index = jax.random.randint(ks[1], (2, E), 0, N, dtype=jnp.int32)
    batch = jnp.zeros((N,), dtype=jnp.int32)

    def lin(k, fi, fo):
        return jax.random.normal(k, (fi, fo), dtype=jnp.float32) * (1.0 / np.sqrt(fi))

    inp = {
        'x': x,
        'edge_index': edge_index,
        'batch': batch,
        'Wl1': lin(ks[2], F_IN, H1), 'bl1': jnp.zeros((H1,), jnp.float32), 'Wr1': lin(ks[3], F_IN, H1),
        'Wl2': lin(ks[4], H1, H2),   'bl2': jnp.zeros((H2,), jnp.float32), 'Wr2': lin(ks[5], H1, H2),
        'Wl3': lin(ks[6], H2, CH),   'bl3': jnp.zeros((CH,), jnp.float32), 'Wr3': lin(ks[7], H2, CH),
        'Wc':  lin(ks[8], H2, NC),   'bc':  jnp.zeros((NC,), jnp.float32),
    }
    return inp


def _sage(x, src, dst, Wl, bl, Wr):
    # PyG SAGEConv with mean aggregation: out = lin_l(mean_j x_j) + lin_r(x)
    msg = x[src]
    s = jax.ops.segment_sum(msg, dst, num_segments=N)
    cnt = jax.ops.segment_sum(jnp.ones((src.shape[0], 1), x.dtype), dst, num_segments=N)
    mean = s / jnp.maximum(cnt, 1.0)
    return mean @ Wl + bl + x @ Wr


def reference(x, edge_index, batch, Wl1, bl1, Wr1, Wl2, bl2, Wr2, Wl3, bl3, Wr3, Wc, bc):
    src = edge_index[0]
    dst = edge_index[1]
    h = jax.nn.relu(_sage(x, src, dst, Wl1, bl1, Wr1))
    h2 = _sage(h, src, dst, Wl2, bl2, Wr2)  # pre-relu output feeds the pool
    color = jax.nn.relu(h2)
    color = _sage(color, src, dst, Wl3, bl3, Wr3)
    # global_mean_pool over graphs indicated by batch (single graph here)
    num_graphs = 1
    pooled_sum = jax.ops.segment_sum(h2, batch, num_segments=num_graphs)
    counts = jax.ops.segment_sum(jnp.ones((N, 1), h2.dtype), batch, num_segments=num_graphs)
    classif = pooled_sum / jnp.maximum(counts, 1.0)
    # dropout p=0.3 is identity in eval mode
    classif = classif @ Wc + bc
    return (classif, color)

if __name__ == "__main__":
    import jax
    _d = setup_inputs()
    print(jax.jit(kernel)(*tuple(_d.values())))

</pallas_src>

<mosaic_0001>
#map = affine_map<(d0, d1) -> (0, 0)>
#map1 = affine_map<(d0, d1) -> (0, 0, 0)>
module attributes {stable_mosaic.version = 14 : i64} {
  func.func @_agg(%arg0: i32, %arg1: i32, %arg2: memref<10240x128xf32, #tpu.memory_space<hbm>>, %arg3: memref<32x80x128xi32, #tpu.memory_space<hbm>>, %arg4: memref<32x80x128xi32, #tpu.memory_space<hbm>>, %arg5: memref<2x10240x128xf32, #tpu.memory_space<hbm>>, %arg6: memref<80x128xi32, #tpu.memory_space<vmem>>, %arg7: memref<8x128xi32, #tpu.memory_space<vmem>>, %arg8: memref<8x128xi32, #tpu.memory_space<vmem>>, %arg9: memref<128x128xf32, #tpu.memory_space<vmem>>, %arg10: memref<128x128xf32, #tpu.memory_space<vmem>>, %arg11: memref<10240x128xf32, #tpu.memory_space<vmem_shared>>, %arg12: memref<!tpu.dma_semaphore, #tpu.memory_space<semaphore_mem>>, %arg13: memref<!tpu.dma_semaphore, #tpu.memory_space<semaphore_mem>>, %arg14: memref<!tpu.dma_semaphore, #tpu.memory_space<semaphore_mem>>, %arg15: memref<!tpu.dma_semaphore, #tpu.memory_space<semaphore_mem>>, %arg16: memref<!tpu.dma_semaphore, #tpu.memory_space<semaphore_mem>>, %arg17: memref<!tpu.dma_semaphore, #tpu.memory_space<semaphore_mem>>) attributes {dimension_semantics = [#tpu.dimension_semantics<core_parallel>, #tpu.dimension_semantics<subcore_parallel>], iteration_bounds = array<i64: 2, 16>, scalar_prefetch = 0 : i64, scratch_operands = 12 : i64, tpu.core_type = #tpu.core_type<sc_vector_subcore>, window_params = [{transform_indices = #map}, {transform_indices = #map1}, {transform_indices = #map1}, {transform_indices = #map1}]} {
    %mul3A = arith.constant 16 : i32
    %mul3A_0 = arith.muli %arg0, %mul3A : i32
    %add3A = arith.addi %mul3A_0, %arg1 : i32
    %broadcast_in_dim3A = arith.constant 0.000000e+00 : f32
    %broadcast_in_dim3A_1 = vector.broadcast %broadcast_in_dim3A : f32 to vector<16xf32>
    "tpu.region"() ({
      %run_scoped3A = tpu.sem_alloc : memref<!tpu.dma_semaphore, #tpu.memory_space<semaphore_mem>>
      %dma_start3A_99 = arith.constant 0 : i32
      %dma_start3A_100 = arith.constant 0 : i32
      %dma_start3A_101 = tpu.memref_slice %arg4[%add3A, %dma_start3A_99, %dma_start3A_100] : memref<32x80x128xi32, #tpu.memory_space<hbm>> -> memref<1x80x128xi32, #tpu.memory_space<hbm>>
      %dma_start3A_102 = tpu.memref_squeeze %dma_start3A_101 : memref<1x80x128xi32, #tpu.memory_space<hbm>> -> memref<80x128xi32, #tpu.memory_space<hbm>>
      %dma_start3A_103 = arith.constant 0 : i32
      %dma_start3A_104 = arith.constant 0 : i32
      %dma_start3A_105 = tpu.memref_slice %arg4[%add3A, %dma_start3A_103, %dma_start3A_104] : memref<32x80x128xi32, #tpu.memory_space<hbm>> -> memref<1x80x128xi32, #tpu.memory_space<hbm>>
      %dma_start3A_106 = tpu.memref_squeeze %dma_start3A_105 : memref<1x80x128xi32, #tpu.memory_space<hbm>> -> memref<80x128xi32, #tpu.memory_space<hbm>>
      tpu.enqueue_dma source(%dma_start3A_106 : memref<80x128xi32, #tpu.memory_space<hbm>>) target(%arg6 : memref<80x128xi32, #tpu.memory_space<vmem>>) target_semaphore(%run_scoped3A : memref<!tpu.dma_semaphore, #tpu.memory_space<semaphore_mem>>)
      %dma_wait3A_107 = arith.constant 0 : i32
      %dma_wait3A_108 = arith.constant 0 : i32
      %dma_wait3A_109 = tpu.memref_slice %arg4[%add3A, %dma_wait3A_107, %dma_wait3A_108] : memref<32x80x128xi32, #tpu.memory_space<hbm>> -> memref<1x80x128xi32, #tpu.memory_space<hbm>>
      %dma_wait3A_110 = tpu.memref_squeeze %dma_wait3A_109 : memref<1x80x128xi32, #tpu.memory_space<hbm>> -> memref<80x128xi32, #tpu.memory_space<hbm>>
      %dma_wait3A_111 = arith.constant 0 : i32
      %dma_wait3A_112 = arith.constant 0 : i32
      %dma_wait3A_113 = tpu.memref_slice %arg4[%add3A, %dma_wait3A_111, %dma_wait3A_112] : memref<32x80x128xi32, #tpu.memory_space<hbm>> -> memref<1x80x128xi32, #tpu.memory_space<hbm>>
      %dma_wait3A_114 = tpu.memref_squeeze %dma_wait3A_113 : memref<1x80x128xi32, #tpu.memory_space<hbm>> -> memref<80x128xi32, #tpu.memory_space<hbm>>
      tpu.wait_dma2 semaphore(%run_scoped3A : memref<!tpu.dma_semaphore, #tpu.memory_space<semaphore_mem>>) src(%dma_wait3A_114 : memref<80x128xi32, #tpu.memory_space<hbm>>) dst(%arg6 : memref<80x128xi32, #tpu.memory_space<vmem>>)
      tpu.yield
    }) : () -> ()
    %dma_start3A = arith.constant 0 : i32
    %dma_start3A_2 = arith.constant 0 : i32
    %dma_start3A_3 = tpu.memref_slice %arg7[%dma_start3A, %dma_start3A_2] : memref<8x128xi32, #tpu.memory_space<vmem>> -> memref<1x128xi32, #tpu.memory_space<vmem>>
    %dma_start3A_4 = arith.constant 0 : i32
    %dma_start3A_5 = arith.constant 0 : i32
    %dma_start3A_6 = tpu.memref_slice %arg3[%add3A, %dma_start3A_4, %dma_start3A_5] : memref<32x80x128xi32, #tpu.memory_space<hbm>> -> memref<1x1x128xi32, #tpu.memory_space<hbm>>
    %dma_start3A_7 = tpu.memref_squeeze %dma_start3A_6 : memref<1x1x128xi32, #tpu.memory_space<hbm>> -> memref<1x128xi32, #tpu.memory_space<hbm>>
    %dma_start3A_8 = arith.constant 0 : i32
    %dma_start3A_9 = arith.constant 0 : i32
    %dma_start3A_10 = tpu.memref_slice %arg7[%dma_start3A_8, %dma_start3A_9] : memref<8x128xi32, #tpu.memory_space<vmem>> -> memref<1x128xi32, #tpu.memory_space<vmem>>
    %dma_start3A_11 = arith.constant 0 : i32
    %dma_start3A_12 = arith.constant 0 : i32
    %dma_start3A_13 = tpu.memref_slice %arg3[%add3A, %dma_start3A_11, %dma_start3A_12] : memref<32x80x128xi32, #tpu.memory_space<hbm>> -> memref<1x1x128xi32, #tpu.memory_space<hbm>>
    %dma_start3A_14 = tpu.memref_squeeze %dma_start3A_13 : memref<1x1x128xi32, #tpu.memory_space<hbm>> -> memref<1x128xi32, #tpu.memory_space<hbm>>
    tpu.enqueue_dma source(%dma_start3A_14 : memref<1x128xi32, #tpu.memory_space<hbm>>) target(%dma_start3A_10 : memref<1x128xi32, #tpu.memory_space<vmem>>) target_semaphore(%arg12 : memref<!tpu.dma_semaphore, #tpu.memory_space<semaphore_mem>>)
    %dma_start3A_15 = arith.constant 0 : i32
    %dma_start3A_16 = arith.constant 0 : i32
    %dma_start3A_17 = tpu.memref_slice %arg8[%dma_start3A_15, %dma_start3A_16] : memref<8x128xi32, #tpu.memory_space<vmem>> -> memref<1x128xi32, #tpu.memory_space<vmem>>
    %dma_start3A_18 = arith.constant 1 : i32
    %dma_start3A_19 = arith.constant 0 : i32
    %dma_start3A_20 = tpu.memref_slice %arg3[%add3A, %dma_start3A_18, %dma_start3A_19] : memref<32x80x128xi32, #tpu.memory_space<hbm>> -> memref<1x1x128xi32, #tpu.memory_space<hbm>>
    %dma_start3A_21 = tpu.memref_squeeze %dma_start3A_20 : memref<1x1x128xi32, #tpu.memory_space<hbm>> -> memref<1x128xi32, #tpu.memory_space<hbm>>
    %dma_start3A_22 = arith.constant 0 : i32
    %dma_start3A_23 = arith.constant 0 : i32
    %dma_start3A_24 = tpu.memref_slice %arg8[%dma_start3A_22, %dma_start3A_23] : memref<8x128xi32, #tpu.memory_space<vmem>> -> memref<1x128xi32, #tpu.memory_space<vmem>>
    %dma_start3A_25 = arith.constant 1 : i32
    %dma_start3A_26 = arith.constant 0 : i32
    %dma_start3A_27 = tpu.memref_slice %arg3[%add3A, %dma_start3A_25, %dma_start3A_26] : memref<32x80x128xi32, #tpu.memory_space<hbm>> -> memref<1x1x128xi32, #tpu.memory_space<hbm>>
    %dma_start3A_28 = tpu.memref_squeeze %dma_start3A_27 : memref<1x1x128xi32, #tpu.memory_space<hbm>> -> memref<1x128xi32, #tpu.memory_space<hbm>>
    tpu.enqueue_dma source(%dma_start3A_28 : memref<1x128xi32, #tpu.memory_space<hbm>>) target(%dma_start3A_24 : memref<1x128xi32, #tpu.memory_space<vmem>>) target_semaphore(%arg13 : memref<!tpu.dma_semaphore, #tpu.memory_space<semaphore_mem>>)
    %scan3A = arith.constant 0 : i32
    %scan3A_29 = arith.constant 128 : i32
    %scan3A_30 = arith.addi %scan3A, %scan3A_29 : i32
    %scan3A_31 = arith.constant 1 : i32
    scf.for %scan3A_99 = %scan3A to %scan3A_30 step %scan3A_31  : i32 {
      %mul3A_100 = arith.constant 1 : i32
      %mul3A_101 = arith.muli %scan3A_99, %mul3A_100 : i32
      %add3A_102 = arith.constant 0 : i32
      %add3A_103 = arith.addi %add3A_102, %mul3A_101 : i32
      %scan3A_104 = arith.constant 0 : i32
      %scan3A_105 = arith.constant 8 : i32
      %scan3A_106 = arith.addi %scan3A_104, %scan3A_105 : i32
      %scan3A_107 = arith.constant 1 : i32
      scf.for %scan3A_109 = %scan3A_104 to %scan3A_106 step %scan3A_107  : i32 {
        %mul3A_110 = arith.constant 16 : i32
        %mul3A_111 = arith.muli %scan3A_109, %mul3A_110 : i32
        %add3A_112 = arith.constant 0 : i32
        %add3A_113 = arith.addi %add3A_112, %mul3A_111 : i32
        %swap3A = arith.index_cast %add3A_103 : i32 to index
        %swap3A_114 = arith.index_cast %add3A_113 : i32 to index
        %swap3A_115 = tpu.vector_load %arg9[%swap3A, %swap3A_114] {strides = array<i32>} : memref<128x128xf32, #tpu.memory_space<vmem>>, vector<1x16xf32>,
        %swap3A_116 = vector.shape_cast %swap3A_115 : vector<1x16xf32> to vector<16xf32>
        %swap3A_117 = vector.shape_cast %broadcast_in_dim3A_1 : vector<16xf32> to vector<1x16xf32>
        tpu.vector_store %arg9[%swap3A, %swap3A_114], %swap3A_117 {strides = array<i32>} : memref<128x128xf32, #tpu.memory_space<vmem>>, vector<1x16xf32>,
      }
      %scan3A_108 = arith.constant 8 : i32
    }
    %scan3A_32 = arith.constant 128 : i32
    %mul3A_33 = arith.constant 640 : i32
    %mul3A_34 = arith.muli %arg1, %mul3A_33 : i32
    %add3A_35 = arith.constant 0 : i32
    %add3A_36 = arith.addi %mul3A_34, %add3A_35 : i32
    "tpu.region"() ({
      %run_scoped3A = tpu.sem_alloc : memref<!tpu.dma_semaphore, #tpu.memory_space<semaphore_mem>>
      %dma_start3A_99 = arith.constant 0 : i32
      %dma_start3A_100 = tpu.memref_slice %arg11[%add3A_36, %dma_start3A_99] : memref<10240x128xf32, #tpu.memory_space<vmem_shared>> -> memref<128x128xf32, #tpu.memory_space<vmem_shared>>
      %dma_start3A_101 = arith.constant 0 : i32
      %dma_start3A_102 = tpu.memref_slice %arg11[%add3A_36, %dma_start3A_101] : memref<10240x128xf32, #tpu.memory_space<vmem_shared>> -> memref<128x128xf32, #tpu.memory_space<vmem_shared>>
      tpu.enqueue_dma source(%arg9 : memref<128x128xf32, #tpu.memory_space<vmem>>) target(%dma_start3A_102 : memref<128x128xf32, #tpu.memory_space<vmem_shared>>) target_semaphore(%run_scoped3A : memref<!tpu.dma_semaphore, #tpu.memory_space<semaphore_mem>>)
      %dma_wait3A_103 = arith.constant 0 : i32
      %dma_wait3A_104 = tpu.memref_slice %arg11[%add3A_36, %dma_wait3A_103] : memref<10240x128xf32, #tpu.memory_space<vmem_shared>> -> memref<128x128xf32, #tpu.memory_space<vmem_shared>>
      %dma_wait3A_105 = arith.constant 0 : i32
      %dma_wait3A_106 = tpu.memref_slice %arg11[%add3A_36, %dma_wait3A_105] : memref<10240x128xf32, #tpu.memory_space<vmem_shared>> -> memref<128x128xf32, #tpu.memory_space<vmem_shared>>
      tpu.wait_dma2 semaphore(%run_scoped3A : memref<!tpu.dma_semaphore, #tpu.memory_space<semaphore_mem>>) src(%arg9 : memref<128x128xf32, #tpu.memory_space<vmem>>) dst(%dma_wait3A_106 : memref<128x128xf32, #tpu.memory_space<vmem_shared>>)
      tpu.yield
    }) : () -> ()
    %mul3A_37 = arith.constant 640 : i32
    %mul3A_38 = arith.muli %arg1, %mul3A_37 : i32
    %add3A_39 = arith.constant 128 : i32
    %add3A_40 = arith.addi %mul3A_38, %add3A_39 : i32
    "tpu.region"() ({
      %run_scoped3A = tpu.sem_alloc : memref<!tpu.dma_semaphore, #tpu.memory_space<semaphore_mem>>
      %dma_start3A_99 = arith.constant 0 : i32
      %dma_start3A_100 = tpu.memref_slice %arg11[%add3A_40, %dma_start3A_99] : memref<10240x128xf32, #tpu.memory_space<vmem_shared>> -> memref<128x128xf32, #tpu.memory_space<vmem_shared>>
      %dma_start3A_101 = arith.constant 0 : i32
      %dma_start3A_102 = tpu.memref_slice %arg11[%add3A_40, %dma_start3A_101] : memref<10240x128xf32, #tpu.memory_space<vmem_shared>> -> memref<128x128xf32, #tpu.memory_space<vmem_shared>>
      tpu.enqueue_dma source(%arg9 : memref<128x128xf32, #tpu.memory_space<vmem>>) target(%dma_start3A_102 : memref<128x128xf32, #tpu.memory_space<vmem_shared>>) target_semaphore(%run_scoped3A : memref<!tpu.dma_semaphore, #tpu.memory_space<semaphore_mem>>)
      %dma_wait3A_103 = arith.constant 0 : i32
      %dma_wait3A_104 = tpu.memref_slice %arg11[%add3A_40, %dma_wait3A_103] : memref<10240x128xf32, #tpu.memory_space<vmem_shared>> -> memref<128x128xf32, #tpu.memory_space<vmem_shared>>
      %dma_wait3A_105 = arith.constant 0 : i32
      %dma_wait3A_106 = tpu.memref_slice %arg11[%add3A_40, %dma_wait3A_105] : memref<10240x128xf32, #tpu.memory_space<vmem_shared>> -> memref<128x128xf32, #tpu.memory_space<vmem_shared>>
      tpu.wait_dma2 semaphore(%run_scoped3A : memref<!tpu.dma_semaphore, #tpu.memory_space<semaphore_mem>>) src(%arg9 : memref<128x128xf32, #tpu.memory_space<vmem>>) dst(%dma_wait3A_106 : memref<128x128xf32, #tpu.memory_space<vmem_shared>>)
      tpu.yield
    }) : () -> ()
    %mul3A_41 = arith.constant 640 : i32
    %mul3A_42 = arith.muli %arg1, %mul3A_41 : i32
    %add3A_43 = arith.constant 256 : i32
    %add3A_44 = arith.addi %mul3A_42, %add3A_43 : i32
    "tpu.region"() ({
      %run_scoped3A = tpu.sem_alloc : memref<!tpu.dma_semaphore, #tpu.memory_space<semaphore_mem>>
      %dma_start3A_99 = arith.constant 0 : i32
      %dma_start3A_100 = tpu.memref_slice %arg11[%add3A_44, %dma_start3A_99] : memref<10240x128xf32, #tpu.memory_space<vmem_shared>> -> memref<128x128xf32, #tpu.memory_space<vmem_shared>>
      %dma_start3A_101 = arith.constant 0 : i32
      %dma_start3A_102 = tpu.memref_slice %arg11[%add3A_44, %dma_start3A_101] : memref<10240x128xf32, #tpu.memory_space<vmem_shared>> -> memref<128x128xf32, #tpu.memory_space<vmem_shared>>
      tpu.enqueue_dma source(%arg9 : memref<128x128xf32, #tpu.memory_space<vmem>>) target(%dma_start3A_102 : memref<128x128xf32, #tpu.memory_space<vmem_shared>>) target_semaphore(%run_scoped3A : memref<!tpu.dma_semaphore, #tpu.memory_space<semaphore_mem>>)
      %dma_wait3A_103 = arith.constant 0 : i32
      %dma_wait3A_104 = tpu.memref_slice %arg11[%add3A_44, %dma_wait3A_103] : memref<10240x128xf32, #tpu.memory_space<vmem_shared>> -> memref<128x128xf32, #tpu.memory_space<vmem_shared>>
      %dma_wait3A_105 = arith.constant 0 : i32
      %dma_wait3A_106 = tpu.memref_slice %arg11[%add3A_44, %dma_wait3A_105] : memref<10240x128xf32, #tpu.memory_space<vmem_shared>> -> memref<128x128xf32, #tpu.memory_space<vmem_shared>>
      tpu.wait_dma2 semaphore(%run_scoped3A : memref<!tpu.dma_semaphore, #tpu.memory_space<semaphore_mem>>) src(%arg9 : memref<128x128xf32, #tpu.memory_space<vmem>>) dst(%dma_wait3A_106 : memref<128x128xf32, #tpu.memory_space<vmem_shared>>)
      tpu.yield
    }) : () -> ()
    %mul3A_45 = arith.constant 640 : i32
    %mul3A_46 = arith.muli %arg1, %mul3A_45 : i32
    %add3A_47 = arith.constant 384 : i32
    %add3A_48 = arith.addi %mul3A_46, %add3A_47 : i32
    "tpu.region"() ({
      %run_scoped3A = tpu.sem_alloc : memref<!tpu.dma_semaphore, #tpu.memory_space<semaphore_mem>>
      %dma_start3A_99 = arith.constant 0 : i32
      %dma_start3A_100 = tpu.memref_slice %arg11[%add3A_48, %dma_start3A_99] : memref<10240x128xf32, #tpu.memory_space<vmem_shared>> -> memref<128x128xf32, #tpu.memory_space<vmem_shared>>
      %dma_start3A_101 = arith.constant 0 : i32
      %dma_start3A_102 = tpu.memref_slice %arg11[%add3A_48, %dma_start3A_101] : memref<10240x128xf32, #tpu.memory_space<vmem_shared>> -> memref<128x128xf32, #tpu.memory_space<vmem_shared>>
      tpu.enqueue_dma source(%arg9 : memref<128x128xf32, #tpu.memory_space<vmem>>) target(%dma_start3A_102 : memref<128x128xf32, #tpu.memory_space<vmem_shared>>) target_semaphore(%run_scoped3A : memref<!tpu.dma_semaphore, #tpu.memory_space<semaphore_mem>>)
      %dma_wait3A_103 = arith.constant 0 : i32
      %dma_wait3A_104 = tpu.memref_slice %arg11[%add3A_48, %dma_wait3A_103] : memref<10240x128xf32, #tpu.memory_space<vmem_shared>> -> memref<128x128xf32, #tpu.memory_space<vmem_shared>>
      %dma_wait3A_105 = arith.constant 0 : i32
      %dma_wait3A_106 = tpu.memref_slice %arg11[%add3A_48, %dma_wait3A_105] : memref<10240x128xf32, #tpu.memory_space<vmem_shared>> -> memref<128x128xf32, #tpu.memory_space<vmem_shared>>
      tpu.wait_dma2 semaphore(%run_scoped3A : memref<!tpu.dma_semaphore, #tpu.memory_space<semaphore_mem>>) src(%arg9 : memref<128x128xf32, #tpu.memory_space<vmem>>) dst(%dma_wait3A_106 : memref<128x128xf32, #tpu.memory_space<vmem_shared>>)
      tpu.yield
    }) : () -> ()
    %mul3A_49 = arith.constant 640 : i32
    %mul3A_50 = arith.muli %arg1, %mul3A_49 : i32
    %add3A_51 = arith.constant 512 : i32
    %add3A_52 = arith.addi %mul3A_50, %add3A_51 : i32
    "tpu.region"() ({
      %run_scoped3A = tpu.sem_alloc : memref<!tpu.dma_semaphore, #tpu.memory_space<semaphore_mem>>
      %dma_start3A_99 = arith.constant 0 : i32
      %dma_start3A_100 = tpu.memref_slice %arg11[%add3A_52, %dma_start3A_99] : memref<10240x128xf32, #tpu.memory_space<vmem_shared>> -> memref<128x128xf32, #tpu.memory_space<vmem_shared>>
      %dma_start3A_101 = arith.constant 0 : i32
      %dma_start3A_102 = tpu.memref_slice %arg11[%add3A_52, %dma_start3A_101] : memref<10240x128xf32, #tpu.memory_space<vmem_shared>> -> memref<128x128xf32, #tpu.memory_space<vmem_shared>>
      tpu.enqueue_dma source(%arg9 : memref<128x128xf32, #tpu.memory_space<vmem>>) target(%dma_start3A_102 : memref<128x128xf32, #tpu.memory_space<vmem_shared>>) target_semaphore(%run_scoped3A : memref<!tpu.dma_semaphore, #tpu.memory_space<semaphore_mem>>)
      %dma_wait3A_103 = arith.constant 0 : i32
      %dma_wait3A_104 = tpu.memref_slice %arg11[%add3A_52, %dma_wait3A_103] : memref<10240x128xf32, #tpu.memory_space<vmem_shared>> -> memref<128x128xf32, #tpu.memory_space<vmem_shared>>
      %dma_wait3A_105 = arith.constant 0 : i32
      %dma_wait3A_106 = tpu.memref_slice %arg11[%add3A_52, %dma_wait3A_105] : memref<10240x128xf32, #tpu.memory_space<vmem_shared>> -> memref<128x128xf32, #tpu.memory_space<vmem_shared>>
      tpu.wait_dma2 semaphore(%run_scoped3A : memref<!tpu.dma_semaphore, #tpu.memory_space<semaphore_mem>>) src(%arg9 : memref<128x128xf32, #tpu.memory_space<vmem>>) dst(%dma_wait3A_106 : memref<128x128xf32, #tpu.memory_space<vmem_shared>>)
      tpu.yield
    }) : () -> ()
    %barrier3A = arith.constant 0 : index
    tpu.barrier barrier_id(%barrier3A)
    %dma_wait3A = arith.constant 0 : i32
    %dma_wait3A_53 = arith.constant 0 : i32
    %dma_wait3A_54 = tpu.memref_slice %arg7[%dma_wait3A, %dma_wait3A_53] : memref<8x128xi32, #tpu.memory_space<vmem>> -> memref<1x128xi32, #tpu.memory_space<vmem>>
    %dma_wait3A_55 = arith.constant 0 : i32
    %dma_wait3A_56 = arith.constant 0 : i32
    %dma_wait3A_57 = tpu.memref_slice %arg3[%add3A, %dma_wait3A_55, %dma_wait3A_56] : memref<32x80x128xi32, #tpu.memory_space<hbm>> -> memref<1x1x128xi32, #tpu.memory_space<hbm>>
    %dma_wait3A_58 = tpu.memref_squeeze %dma_wait3A_57 : memref<1x1x128xi32, #tpu.memory_space<hbm>> -> memref<1x128xi32, #tpu.memory_space<hbm>>
    %dma_wait3A_59 = arith.constant 0 : i32
    %dma_wait3A_60 = arith.constant 0 : i32
    %dma_wait3A_61 = tpu.memref_slice %arg7[%dma_wait3A_59, %dma_wait3A_60] : memref<8x128xi32, #tpu.memory_space<vmem>> -> memref<1x128xi32, #tpu.memory_space<vmem>>
    %dma_wait3A_62 = arith.constant 0 : i32
    %dma_wait3A_63 = arith.constant 0 : i32
    %dma_wait3A_64 = tpu.memref_slice %arg3[%add3A, %dma_wait3A_62, %dma_wait3A_63] : memref<32x80x128xi32, #tpu.memory_space<hbm>> -> memref<1x1x128xi32, #tpu.memory_space<hbm>>
    %dma_wait3A_65 = tpu.memref_squeeze %dma_wait3A_64 : memref<1x1x128xi32, #tpu.memory_space<hbm>> -> memref<1x128xi32, #tpu.memory_space<hbm>>
    tpu.wait_dma2 semaphore(%arg12 : memref<!tpu.dma_semaphore, #tpu.memory_space<semaphore_mem>>) src(%dma_wait3A_65 : memref<1x128xi32, #tpu.memory_space<hbm>>) dst(%dma_wait3A_61 : memref<1x128xi32, #tpu.memory_space<vmem>>)
    %dma_start3A_66 = arith.constant 0 : i32
    %dma_start3A_67 = arith.constant 0 : i32
    %dma_start3A_68 = tpu.memref_slice %arg7[%dma_start3A_66, %dma_start3A_67] : memref<8x128xi32, #tpu.memory_space<vmem>> -> memref<1x128xi32, #tpu.memory_space<vmem>>
    %dma_start3A_69 = tpu.memref_squeeze %dma_start3A_68 : memref<1x128xi32, #tpu.memory_space<vmem>> -> memref<128xi32, #tpu.memory_space<vmem>>
    %dma_start3A_70 = arith.constant 0 : i32
    %dma_start3A_71 = arith.constant 0 : i32
    %dma_start3A_72 = tpu.memref_slice %arg2[%dma_start3A_70, %dma_start3A_71] : memref<10240x128xf32, #tpu.memory_space<hbm>> -> memref<10240x128xf32, #tpu.memory_space<hbm>>
    tpu.enqueue_indirect_dma source(%dma_start3A_72 : memref<10240x128xf32, #tpu.memory_space<hbm>>) target(%arg9 : memref<128x128xf32, #tpu.memory_space<vmem>>) offsets(%dma_start3A_69 : memref<128xi32, #tpu.memory_space<vmem>>) semaphore(%arg14 : memref<!tpu.dma_semaphore, #tpu.memory_space<semaphore_mem>>)
    %scan3A_73 = arith.constant 0 : i32
    %scan3A_74 = arith.constant 40 : i32
    %scan3A_75 = arith.addi %scan3A_73, %scan3A_74 : i32
    %scan3A_76 = arith.constant 1 : i32
    scf.for %scan3A_99 = %scan3A_73 to %scan3A_75 step %scan3A_76  : i32 {
      %mul3A_100 = arith.constant 1 : i32
      %mul3A_101 = arith.muli %scan3A_99, %mul3A_100 : i32
      %add3A_102 = arith.constant 0 : i32
      %add3A_103 = arith.addi %add3A_102, %mul3A_101 : i32
      %mul3A_104 = arith.constant 2 : i32
      %mul3A_105 = arith.muli %mul3A_104, %add3A_103 : i32
      %add3A_106 = arith.constant 1 : i32
      %add3A_107 = arith.addi %mul3A_105, %add3A_106 : i32
      %dma_wait3A_108 = arith.constant 0 : i32
      %dma_wait3A_109 = arith.constant 0 : i32
      %dma_wait3A_110 = tpu.memref_slice %arg7[%dma_wait3A_108, %dma_wait3A_109] : memref<8x128xi32, #tpu.memory_space<vmem>> -> memref<1x128xi32, #tpu.memory_space<vmem>>
      %dma_wait3A_111 = tpu.memref_squeeze %dma_wait3A_110 : memref<1x128xi32, #tpu.memory_space<vmem>> -> memref<128xi32, #tpu.memory_space<vmem>>
      %dma_wait3A_112 = arith.constant 0 : i32
      %dma_wait3A_113 = arith.constant 0 : i32
      %dma_wait3A_114 = tpu.memref_slice %arg2[%dma_wait3A_112, %dma_wait3A_113] : memref<10240x128xf32, #tpu.memory_space<hbm>> -> memref<10240x128xf32, #tpu.memory_space<hbm>>
      tpu.wait_indirect_dma semaphore(%arg14 : memref<!tpu.dma_semaphore, #tpu.memory_space<semaphore_mem>>) src(%dma_wait3A_114 : memref<10240x128xf32, #tpu.memory_space<hbm>>) dst(%arg9 : memref<128x128xf32, #tpu.memory_space<vmem>>)
      %add3A_115 = arith.constant 2 : i32
      %add3A_116 = arith.addi %mul3A_105, %add3A_115 : i32
      %lt3A = arith.constant 80 : i32
      %lt3A_117 = arith.cmpi slt, %add3A_116, %lt3A : i32
      %convert_element_type3A = arith.extui %lt3A_117 : i1 to i32
      %cond3A = arith.constant 0 : i32
      %cond3A_118 = arith.cmpi ne, %convert_element_type3A, %cond3A : i32
      scf.if %cond3A_118 {
        %add3A_183 = arith.constant 2 : i32
        %add3A_184 = arith.addi %mul3A_105, %add3A_183 : i32
        %dma_start3A_185 = arith.constant 0 : i32
        %dma_start3A_186 = arith.constant 0 : i32
        %dma_start3A_187 = tpu.memref_slice %arg7[%dma_start3A_185, %dma_start3A_186] : memref<8x128xi32, #tpu.memory_space<vmem>> -> memref<1x128xi32, #tpu.memory_space<vmem>>
        %dma_start3A_188 = arith.constant 0 : i32
        %dma_start3A_189 = tpu.memref_slice %arg3[%add3A, %add3A_184, %dma_start3A_188] : memref<32x80x128xi32, #tpu.memory_space<hbm>> -> memref<1x1x128xi32, #tpu.memory_space<hbm>>
        %dma_start3A_190 = tpu.memref_squeeze %dma_start3A_189 : memref<1x1x128xi32, #tpu.memory_space<hbm>> -> memref<1x128xi32, #tpu.memory_space<hbm>>
        %dma_start3A_191 = arith.constant 0 : i32
        %dma_start3A_192 = arith.constant 0 : i32
        %dma_start3A_193 = tpu.memref_slice %arg7[%dma_start3A_191, %dma_start3A_192] : memref<8x128xi32, #tpu.memory_space<vmem>> -> memref<1x128xi32, #tpu.memory_space<vmem>>
        %dma_start3A_194 = arith.constant 0 : i32
        %dma_start3A_195 = tpu.memref_slice %arg3[%add3A, %add3A_184, %dma_start3A_194] : memref<32x80x128xi32, #tpu.memory_space<hbm>> -> memref<1x1x128xi32, #tpu.memory_space<hbm>>
        %dma_start3A_196 = tpu.memref_squeeze %dma_start3A_195 : memref<1x1x128xi32, #tpu.memory_space<hbm>> -> memref<1x128xi32, #tpu.memory_space<hbm>>
        tpu.enqueue_dma source(%dma_start3A_196 : memref<1x128xi32, #tpu.memory_space<hbm>>) target(%dma_start3A_193 : memref<1x128xi32, #tpu.memory_space<vmem>>) target_semaphore(%arg12 : memref<!tpu.dma_semaphore, #tpu.memory_space<semaphore_mem>>)
      } else {
      }
      %dma_wait3A_119 = arith.constant 0 : i32
      %dma_wait3A_120 = arith.constant 0 : i32
      %dma_wait3A_121 = tpu.memref_slice %arg8[%dma_wait3A_119, %dma_wait3A_120] : memref<8x128xi32, #tpu.memory_space<vmem>> -> memref<1x128xi32, #tpu.memory_space<vmem>>
      %dma_wait3A_122 = arith.constant 0 : i32
      %dma_wait3A_123 = tpu.memref_slice %arg3[%add3A, %add3A_107, %dma_wait3A_122] : memref<32x80x128xi32, #tpu.memory_space<hbm>> -> memref<1x1x128xi32, #tpu.memory_space<hbm>>
      %dma_wait3A_124 = tpu.memref_squeeze %dma_wait3A_123 : memref<1x1x128xi32, #tpu.memory_space<hbm>> -> memref<1x128xi32, #tpu.memory_space<hbm>>
      %dma_wait3A_125 = arith.constant 0 : i32
      %dma_wait3A_126 = arith.constant 0 : i32
      %dma_wait3A_127 = tpu.memref_slice %arg8[%dma_wait3A_125, %dma_wait3A_126] : memref<8x128xi32, #tpu.memory_space<vmem>> -> memref<1x128xi32, #tpu.memory_space<vmem>>
      %dma_wait3A_128 = arith.constant 0 : i32
      %dma_wait3A_129 = tpu.memref_slice %arg3[%add3A, %add3A_107, %dma_wait3A_128] : memref<32x80x128xi32, #tpu.memory_space<hbm>> -> memref<1x1x128xi32, #tpu.memory_space<hbm>>
      %dma_wait3A_130 = tpu.memref_squeeze %dma_wait3A_129 : memref<1x1x128xi32, #tpu.memory_space<hbm>> -> memref<1x128xi32, #tpu.memory_space<hbm>>
      tpu.wait_dma2 semaphore(%arg13 : memref<!tpu.dma_semaphore, #tpu.memory_space<semaphore_mem>>) src(%dma_wait3A_130 : memref<1x128xi32, #tpu.memory_space<hbm>>) dst(%dma_wait3A_127 : memref<1x128xi32, #tpu.memory_space<vmem>>)
      %dma_start3A_131 = arith.constant 0 : i32
      %dma_start3A_132 = arith.constant 0 : i32
      %dma_start3A_133 = tpu.memref_slice %arg8[%dma_start3A_131, %dma_start3A_132] : memref<8x128xi32, #tpu.memory_space<vmem>> -> memref<1x128xi32, #tpu.memory_space<vmem>>
      %dma_start3A_134 = tpu.memref_squeeze %dma_start3A_133 : memref<1x128xi32, #tpu.memory_space<vmem>> -> memref<128xi32, #tpu.memory_space<vmem>>
      %dma_start3A_135 = arith.constant 0 : i32
      %dma_start3A_136 = arith.constant 0 : i32
      %dma_start3A_137 = tpu.memref_slice %arg2[%dma_start3A_135, %dma_start3A_136] : memref<10240x128xf32, #tpu.memory_space<hbm>> -> memref<10240x128xf32, #tpu.memory_space<hbm>>
      tpu.enqueue_indirect_dma source(%dma_start3A_137 : memref<10240x128xf32, #tpu.memory_space<hbm>>) target(%arg10 : memref<128x128xf32, #tpu.memory_space<vmem>>) offsets(%dma_start3A_134 : memref<128xi32, #tpu.memory_space<vmem>>) semaphore(%arg15 : memref<!tpu.dma_semaphore, #tpu.memory_space<semaphore_mem>>)
      %dma_start3A_138 = arith.constant 0 : i32
      %dma_start3A_139 = tpu.memref_slice %arg6[%mul3A_105, %dma_start3A_138] : memref<80x128xi32, #tpu.memory_space<vmem>> -> memref<1x128xi32, #tpu.memory_space<vmem>>
      %dma_start3A_140 = tpu.memref_squeeze %dma_start3A_139 : memref<1x128xi32, #tpu.memory_space<vmem>> -> memref<128xi32, #tpu.memory_space<vmem>>
      %dma_start3A_141 = arith.constant 0 : i32
      %dma_start3A_142 = arith.constant 0 : i32
      %dma_start3A_143 = tpu.memref_slice %arg11[%dma_start3A_141, %dma_start3A_142] : memref<10240x128xf32, #tpu.memory_space<vmem_shared>> -> memref<10240x128xf32, #tpu.memory_space<vmem_shared>>
      tpu.enqueue_indirect_dma source(%arg9 : memref<128x128xf32, #tpu.memory_space<vmem>>) target(%dma_start3A_143 : memref<10240x128xf32, #tpu.memory_space<vmem_shared>>) offsets(%dma_start3A_140 : memref<128xi32, #tpu.memory_space<vmem>>) semaphore(%arg16 : memref<!tpu.dma_semaphore, #tpu.memory_space<semaphore_mem>>) {add = true}
      %dma_wait3A_144 = arith.constant 0 : i32
      %dma_wait3A_145 = tpu.memref_slice %arg6[%mul3A_105, %dma_wait3A_144] : memref<80x128xi32, #tpu.memory_space<vmem>> -> memref<1x128xi32, #tpu.memory_space<vmem>>
      %dma_wait3A_146 = tpu.memref_squeeze %dma_wait3A_145 : memref<1x128xi32, #tpu.memory_space<vmem>> -> memref<128xi32, #tpu.memory_space<vmem>>
      %dma_wait3A_147 = arith.constant 0 : i32
      %dma_wait3A_148 = arith.constant 0 : i32
      %dma_wait3A_149 = tpu.memref_slice %arg11[%dma_wait3A_147, %dma_wait3A_148] : memref<10240x128xf32, #tpu.memory_space<vmem_shared>> -> memref<10240x128xf32, #tpu.memory_space<vmem_shared>>
      tpu.wait_indirect_dma semaphore(%arg16 : memref<!tpu.dma_semaphore, #tpu.memory_space<semaphore_mem>>) src(%arg9 : memref<128x128xf32, #tpu.memory_space<vmem>>) dst(%dma_wait3A_149 : memref<10240x128xf32, #tpu.memory_space<vmem_shared>>)
      %dma_wait3A_150 = arith.constant 0 : i32
      %dma_wait3A_151 = arith.constant 0 : i32
      %dma_wait3A_152 = tpu.memref_slice %arg8[%dma_wait3A_150, %dma_wait3A_151] : memref<8x128xi32, #tpu.memory_space<vmem>> -> memref<1x128xi32, #tpu.memory_space<vmem>>
      %dma_wait3A_153 = tpu.memref_squeeze %dma_wait3A_152 : memref<1x128xi32, #tpu.memory_space<vmem>> -> memref<128xi32, #tpu.memory_space<vmem>>
      %dma_wait3A_154 = arith.constant 0 : i32
      %dma_wait3A_155 = arith.constant 0 : i32
      %dma_wait3A_156 = tpu.memref_slice %arg2[%dma_wait3A_154, %dma_wait3A_155] : memref<10240x128xf32, #tpu.memory_space<hbm>> -> memref<10240x128xf32, #tpu.memory_space<hbm>>
      tpu.wait_indirect_dma semaphore(%arg15 : memref<!tpu.dma_semaphore, #tpu.memory_space<semaphore_mem>>) src(%dma_wait3A_156 : memref<10240x128xf32, #tpu.memory_space<hbm>>) dst(%arg10 : memref<128x128xf32, #tpu.memory_space<vmem>>)
      %add3A_157 = arith.constant 2 : i32
      %add3A_158 = arith.addi %add3A_107, %add3A_157 : i32
      %lt3A_159 = arith.constant 80 : i32
      %lt3A_160 = arith.cmpi slt, %add3A_158, %lt3A_159 : i32
      %convert_element_type3A_161 = arith.extui %lt3A_160 : i1 to i32
      %cond3A_162 = arith.constant 0 : i32
      %cond3A_163 = arith.cmpi ne, %convert_element_type3A_161, %cond3A_162 : i32
      scf.if %cond3A_163 {
        %add3A_183 = arith.constant 2 : i32
        %add3A_184 = arith.addi %add3A_107, %add3A_183 : i32
        %dma_start3A_185 = arith.constant 0 : i32
        %dma_start3A_186 = arith.constant 0 : i32
        %dma_start3A_187 = tpu.memref_slice %arg8[%dma_start3A_185, %dma_start3A_186] : memref<8x128xi32, #tpu.memory_space<vmem>> -> memref<1x128xi32, #tpu.memory_space<vmem>>
        %dma_start3A_188 = arith.constant 0 : i32
        %dma_start3A_189 = tpu.memref_slice %arg3[%add3A, %add3A_184, %dma_start3A_188] : memref<32x80x128xi32, #tpu.memory_space<hbm>> -> memref<1x1x128xi32, #tpu.memory_space<hbm>>
        %dma_start3A_190 = tpu.memref_squeeze %dma_start3A_189 : memref<1x1x128xi32, #tpu.memory_space<hbm>> -> memref<1x128xi32, #tpu.memory_space<hbm>>
        %dma_start3A_191 = arith.constant 0 : i32
        %dma_start3A_192 = arith.constant 0 : i32
        %dma_start3A_193 = tpu.memref_slice %arg8[%dma_start3A_191, %dma_start3A_192] : memref<8x128xi32, #tpu.memory_space<vmem>> -> memref<1x128xi32, #tpu.memory_space<vmem>>
        %dma_start3A_194 = arith.constant 0 : i32
        %dma_start3A_195 = tpu.memref_slice %arg3[%add3A, %add3A_184, %dma_start3A_194] : memref<32x80x128xi32, #tpu.memory_space<hbm>> -> memref<1x1x128xi32, #tpu.memory_space<hbm>>
        %dma_start3A_196 = tpu.memref_squeeze %dma_start3A_195 : memref<1x1x128xi32, #tpu.memory_space<hbm>> -> memref<1x128xi32, #tpu.memory_space<hbm>>
        tpu.enqueue_dma source(%dma_start3A_196 : memref<1x128xi32, #tpu.memory_space<hbm>>) target(%dma_start3A_193 : memref<1x128xi32, #tpu.memory_space<vmem>>) target_semaphore(%arg13 : memref<!tpu.dma_semaphore, #tpu.memory_space<semaphore_mem>>)
      } else {
      }
      %add3A_164 = arith.constant 2 : i32
      %add3A_165 = arith.addi %mul3A_105, %add3A_164 : i32
      %lt3A_166 = arith.constant 80 : i32
      %lt3A_167 = arith.cmpi slt, %add3A_165, %lt3A_166 : i32
      %convert_element_type3A_168 = arith.extui %lt3A_167 : i1 to i32
      %cond3A_169 = arith.constant 0 : i32
      %cond3A_170 = arith.cmpi ne, %convert_element_type3A_168, %cond3A_169 : i32
      scf.if %cond3A_170 {
        %add3A_183 = arith.constant 2 : i32
        %add3A_184 = arith.addi %mul3A_105, %add3A_183 : i32
        %dma_wait3A_185 = arith.constant 0 : i32
        %dma_wait3A_186 = arith.constant 0 : i32
        %dma_wait3A_187 = tpu.memref_slice %arg7[%dma_wait3A_185, %dma_wait3A_186] : memref<8x128xi32, #tpu.memory_space<vmem>> -> memref<1x128xi32, #tpu.memory_space<vmem>>
        %dma_wait3A_188 = arith.constant 0 : i32
        %dma_wait3A_189 = tpu.memref_slice %arg3[%add3A, %add3A_184, %dma_wait3A_188] : memref<32x80x128xi32, #tpu.memory_space<hbm>> -> memref<1x1x128xi32, #tpu.memory_space<hbm>>
        %dma_wait3A_190 = tpu.memref_squeeze %dma_wait3A_189 : memref<1x1x128xi32, #tpu.memory_space<hbm>> -> memref<1x128xi32, #tpu.memory_space<hbm>>
        %dma_wait3A_191 = arith.constant 0 : i32
        %dma_wait3A_192 = arith.constant 0 : i32
        %dma_wait3A_193 = tpu.memref_slice %arg7[%dma_wait3A_191, %dma_wait3A_192] : memref<8x128xi32, #tpu.memory_space<vmem>> -> memref<1x128xi32, #tpu.memory_space<vmem>>
        %dma_wait3A_194 = arith.constant 0 : i32
        %dma_wait3A_195 = tpu.memref_slice %arg3[%add3A, %add3A_184, %dma_wait3A_194] : memref<32x80x128xi32, #tpu.memory_space<hbm>> -> memref<1x1x128xi32, #tpu.memory_space<hbm>>
        %dma_wait3A_196 = tpu.memref_squeeze %dma_wait3A_195 : memref<1x1x128xi32, #tpu.memory_space<hbm>> -> memref<1x128xi32, #tpu.memory_space<hbm>>
        tpu.wait_dma2 semaphore(%arg12 : memref<!tpu.dma_semaphore, #tpu.memory_space<semaphore_mem>>) src(%dma_wait3A_196 : memref<1x128xi32, #tpu.memory_space<hbm>>) dst(%dma_wait3A_193 : memref<1x128xi32, #tpu.memory_space<vmem>>)
        %add3A_197 = arith.constant 2 : i32
        %add3A_198 = arith.addi %mul3A_105, %add3A_197 : i32
        %dma_start3A_199 = arith.constant 0 : i32
        %dma_start3A_200 = arith.constant 0 : i32
        %dma_start3A_201 = tpu.memref_slice %arg7[%dma_start3A_199, %dma_start3A_200] : memref<8x128xi32, #tpu.memory_space<vmem>> -> memref<1x128xi32, #tpu.memory_space<vmem>>
        %dma_start3A_202 = tpu.memref_squeeze %dma_start3A_201 : memref<1x128xi32, #tpu.memory_space<vmem>> -> memref<128xi32, #tpu.memory_space<vmem>>
        %dma_start3A_203 = arith.constant 0 : i32
        %dma_start3A_204 = arith.constant 0 : i32
        %dma_start3A_205 = tpu.memref_slice %arg2[%dma_start3A_203, %dma_start3A_204] : memref<10240x128xf32, #tpu.memory_space<hbm>> -> memref<10240x128xf32, #tpu.memory_space<hbm>>
        tpu.enqueue_indirect_dma source(%dma_start3A_205 : memref<10240x128xf32, #tpu.memory_space<hbm>>) target(%arg9 : memref<128x128xf32, #tpu.memory_space<vmem>>) offsets(%dma_start3A_202 : memref<128xi32, #tpu.memory_space<vmem>>) semaphore(%arg14 : memref<!tpu.dma_semaphore, #tpu.memory_space<semaphore_mem>>)
      } else {
      }
      %dma_start3A_171 = arith.constant 0 : i32
      %dma_start3A_172 = tpu.memref_slice %arg6[%add3A_107, %dma_start3A_171] : memref<80x128xi32, #tpu.memory_space<vmem>> -> memref<1x128xi32, #tpu.memory_space<vmem>>
      %dma_start3A_173 = tpu.memref_squeeze %dma_start3A_172 : memref<1x128xi32, #tpu.memory_space<vmem>> -> memref<128xi32, #tpu.memory_space<vmem>>
      %dma_start3A_174 = arith.constant 0 : i32
      %dma_start3A_175 = arith.constant 0 : i32
      %dma_start3A_176 = tpu.memref_slice %arg11[%dma_start3A_174, %dma_start3A_175] : memref<10240x128xf32, #tpu.memory_space<vmem_shared>> -> memref<10240x128xf32, #tpu.memory_space<vmem_shared>>
      tpu.enqueue_indirect_dma source(%arg10 : memref<128x128xf32, #tpu.memory_space<vmem>>) target(%dma_start3A_176 : memref<10240x128xf32, #tpu.memory_space<vmem_shared>>) offsets(%dma_start3A_173 : memref<128xi32, #tpu.memory_space<vmem>>) semaphore(%arg17 : memref<!tpu.dma_semaphore, #tpu.memory_space<semaphore_mem>>) {add = true}
      %dma_wait3A_177 = arith.constant 0 : i32
      %dma_wait3A_178 = tpu.memref_slice %arg6[%add3A_107, %dma_wait3A_177] : memref<80x128xi32, #tpu.memory_space<vmem>> -> memref<1x128xi32, #tpu.memory_space<vmem>>
      %dma_wait3A_179 = tpu.memref_squeeze %dma_wait3A_178 : memref<1x128xi32, #tpu.memory_space<vmem>> -> memref<128xi32, #tpu.memory_space<vmem>>
      %dma_wait3A_180 = arith.constant 0 : i32
      %dma_wait3A_181 = arith.constant 0 : i32
      %dma_wait3A_182 = tpu.memref_slice %arg11[%dma_wait3A_180, %dma_wait3A_181] : memref<10240x128xf32, #tpu.memory_space<vmem_shared>> -> memref<10240x128xf32, #tpu.memory_space<vmem_shared>>
      tpu.wait_indirect_dma semaphore(%arg17 : memref<!tpu.dma_semaphore, #tpu.memory_space<semaphore_mem>>) src(%arg10 : memref<128x128xf32, #tpu.memory_space<vmem>>) dst(%dma_wait3A_182 : memref<10240x128xf32, #tpu.memory_space<vmem_shared>>)
    }
    %scan3A_77 = arith.constant 40 : i32
    %barrier3A_78 = arith.constant 0 : index
    tpu.barrier barrier_id(%barrier3A_78)
    %mul3A_79 = arith.constant 640 : i32
    %mul3A_80 = arith.muli %arg1, %mul3A_79 : i32
    %add3A_81 = arith.constant 0 : i32
    %add3A_82 = arith.addi %mul3A_80, %add3A_81 : i32
    "tpu.region"() ({
      %run_scoped3A = tpu.sem_alloc : memref<!tpu.dma_semaphore, #tpu.memory_space<semaphore_mem>>
      %dma_start3A_99 = arith.constant 0 : i32
      %dma_start3A_100 = tpu.memref_slice %arg11[%add3A_82, %dma_start3A_99] : memref<10240x128xf32, #tpu.memory_space<vmem_shared>> -> memref<128x128xf32, #tpu.memory_space<vmem_shared>>
      %dma_start3A_101 = arith.constant 0 : i32
      %dma_start3A_102 = tpu.memref_slice %arg11[%add3A_82, %dma_start3A_101] : memref<10240x128xf32, #tpu.memory_space<vmem_shared>> -> memref<128x128xf32, #tpu.memory_space<vmem_shared>>
      tpu.enqueue_dma source(%dma_start3A_102 : memref<128x128xf32, #tpu.memory_space<vmem_shared>>) target(%arg9 : memref<128x128xf32, #tpu.memory_space<vmem>>) target_semaphore(%run_scoped3A : memref<!tpu.dma_semaphore, #tpu.memory_space<semaphore_mem>>)
      %dma_wait3A_103 = arith.constant 0 : i32
      %dma_wait3A_104 = tpu.memref_slice %arg11[%add3A_82, %dma_wait3A_103] : memref<10240x128xf32, #tpu.memory_space<vmem_shared>> -> memref<128x128xf32, #tpu.memory_space<vmem_shared>>
      %dma_wait3A_105 = arith.constant 0 : i32
      %dma_wait3A_106 = tpu.memref_slice %arg11[%add3A_82, %dma_wait3A_105] : memref<10240x128xf32, #tpu.memory_space<vmem_shared>> -> memref<128x128xf32, #tpu.memory_space<vmem_shared>>
      tpu.wait_dma2 semaphore(%run_scoped3A : memref<!tpu.dma_semaphore, #tpu.memory_space<semaphore_mem>>) src(%dma_wait3A_106 : memref<128x128xf32, #tpu.memory_space<vmem_shared>>) dst(%arg9 : memref<128x128xf32, #tpu.memory_space<vmem>>)
      tpu.yield
    }) : () -> ()
    "tpu.region"() ({
      %run_scoped3A = tpu.sem_alloc : memref<!tpu.dma_semaphore, #tpu.memory_space<semaphore_mem>>
      %dma_start3A_99 = arith.constant 0 : i32
      %dma_start3A_100 = tpu.memref_slice %arg5[%arg0, %add3A_82, %dma_start3A_99] : memref<2x10240x128xf32, #tpu.memory_space<hbm>> -> memref<1x128x128xf32, #tpu.memory_space<hbm>>
      %dma_start3A_101 = tpu.memref_squeeze %dma_start3A_100 : memref<1x128x128xf32, #tpu.memory_space<hbm>> -> memref<128x128xf32, #tpu.memory_space<hbm>>
      %dma_start3A_102 = arith.constant 0 : i32
      %dma_start3A_103 = tpu.memref_slice %arg5[%arg0, %add3A_82, %dma_start3A_102] : memref<2x10240x128xf32, #tpu.memory_space<hbm>> -> memref<1x128x128xf32, #tpu.memory_space<hbm>>
      %dma_start3A_104 = tpu.memref_squeeze %dma_start3A_103 : memref<1x128x128xf32, #tpu.memory_space<hbm>> -> memref<128x128xf32, #tpu.memory_space<hbm>>
      tpu.enqueue_dma source(%arg9 : memref<128x128xf32, #tpu.memory_space<vmem>>) target(%dma_start3A_104 : memref<128x128xf32, #tpu.memory_space<hbm>>) target_semaphore(%run_scoped3A : memref<!tpu.dma_semaphore, #tpu.memory_space<semaphore_mem>>)
      %dma_wait3A_105 = arith.constant 0 : i32
      %dma_wait3A_106 = tpu.memref_slice %arg5[%arg0, %add3A_82, %dma_wait3A_105] : memref<2x10240x128xf32, #tpu.memory_space<hbm>> -> memref<1x128x128xf32, #tpu.memory_space<hbm>>
      %dma_wait3A_107 = tpu.memref_squeeze %dma_wait3A_106 : memref<1x128x128xf32, #tpu.memory_space<hbm>> -> memref<128x128xf32, #tpu.memory_space<hbm>>
      %dma_wait3A_108 = arith.constant 0 : i32
      %dma_wait3A_109 = tpu.memref_slice %arg5[%arg0, %add3A_82, %dma_wait3A_108] : memref<2x10240x128xf32, #tpu.memory_space<hbm>> -> memref<1x128x128xf32, #tpu.memory_space<hbm>>
      %dma_wait3A_110 = tpu.memref_squeeze %dma_wait3A_109 : memref<1x128x128xf32, #tpu.memory_space<hbm>> -> memref<128x128xf32, #tpu.memory_space<hbm>>
      tpu.wait_dma2 semaphore(%run_scoped3A : memref<!tpu.dma_semaphore, #tpu.memory_space<semaphore_mem>>) src(%arg9 : memref<128x128xf32, #tpu.memory_space<vmem>>) dst(%dma_wait3A_110 : memref<128x128xf32, #tpu.memory_space<hbm>>)
      tpu.yield
    }) : () -> ()
    %mul3A_83 = arith.constant 640 : i32
    %mul3A_84 = arith.muli %arg1, %mul3A_83 : i32
    %add3A_85 = arith.constant 128 : i32
    %add3A_86 = arith.addi %mul3A_84, %add3A_85 : i32
    "tpu.region"() ({
      %run_scoped3A = tpu.sem_alloc : memref<!tpu.dma_semaphore, #tpu.memory_space<semaphore_mem>>
      %dma_start3A_99 = arith.constant 0 : i32
      %dma_start3A_100 = tpu.memref_slice %arg11[%add3A_86, %dma_start3A_99] : memref<10240x128xf32, #tpu.memory_space<vmem_shared>> -> memref<128x128xf32, #tpu.memory_space<vmem_shared>>
      %dma_start3A_101 = arith.constant 0 : i32
      %dma_start3A_102 = tpu.memref_slice %arg11[%add3A_86, %dma_start3A_101] : memref<10240x128xf32, #tpu.memory_space<vmem_shared>> -> memref<128x128xf32, #tpu.memory_space<vmem_shared>>
      tpu.enqueue_dma source(%dma_start3A_102 : memref<128x128xf32, #tpu.memory_space<vmem_shared>>) target(%arg9 : memref<128x128xf32, #tpu.memory_space<vmem>>) target_semaphore(%run_scoped3A : memref<!tpu.dma_semaphore, #tpu.memory_space<semaphore_mem>>)
      %dma_wait3A_103 = arith.constant 0 : i32
      %dma_wait3A_104 = tpu.memref_slice %arg11[%add3A_86, %dma_wait3A_103] : memref<10240x128xf32, #tpu.memory_space<vmem_shared>> -> memref<128x128xf32, #tpu.memory_space<vmem_shared>>
      %dma_wait3A_105 = arith.constant 0 : i32
      %dma_wait3A_106 = tpu.memref_slice %arg11[%add3A_86, %dma_wait3A_105] : memref<10240x128xf32, #tpu.memory_space<vmem_shared>> -> memref<128x128xf32, #tpu.memory_space<vmem_shared>>
      tpu.wait_dma2 semaphore(%run_scoped3A : memref<!tpu.dma_semaphore, #tpu.memory_space<semaphore_mem>>) src(%dma_wait3A_106 : memref<128x128xf32, #tpu.memory_space<vmem_shared>>) dst(%arg9 : memref<128x128xf32, #tpu.memory_space<vmem>>)
      tpu.yield
    }) : () -> ()
    "tpu.region"() ({
      %run_scoped3A = tpu.sem_alloc : memref<!tpu.dma_semaphore, #tpu.memory_space<semaphore_mem>>
      %dma_start3A_99 = arith.constant 0 : i32
      %dma_start3A_100 = tpu.memref_slice %arg5[%arg0, %add3A_86, %dma_start3A_99] : memref<2x10240x128xf32, #tpu.memory_space<hbm>> -> memref<1x128x128xf32, #tpu.memory_space<hbm>>
      %dma_start3A_101 = tpu.memref_squeeze %dma_start3A_100 : memref<1x128x128xf32, #tpu.memory_space<hbm>> -> memref<128x128xf32, #tpu.memory_space<hbm>>
      %dma_start3A_102 = arith.constant 0 : i32
      %dma_start3A_103 = tpu.memref_slice %arg5[%arg0, %add3A_86, %dma_start3A_102] : memref<2x10240x128xf32, #tpu.memory_space<hbm>> -> memref<1x128x128xf32, #tpu.memory_space<hbm>>
      %dma_start3A_104 = tpu.memref_squeeze %dma_start3A_103 : memref<1x128x128xf32, #tpu.memory_space<hbm>> -> memref<128x128xf32, #tpu.memory_space<hbm>>
      tpu.enqueue_dma source(%arg9 : memref<128x128xf32, #tpu.memory_space<vmem>>) target(%dma_start3A_104 : memref<128x128xf32, #tpu.memory_space<hbm>>) target_semaphore(%run_scoped3A : memref<!tpu.dma_semaphore, #tpu.memory_space<semaphore_mem>>)
      %dma_wait3A_105 = arith.constant 0 : i32
      %dma_wait3A_106 = tpu.memref_slice %arg5[%arg0, %add3A_86, %dma_wait3A_105] : memref<2x10240x128xf32, #tpu.memory_space<hbm>> -> memref<1x128x128xf32, #tpu.memory_space<hbm>>
      %dma_wait3A_107 = tpu.memref_squeeze %dma_wait3A_106 : memref<1x128x128xf32, #tpu.memory_space<hbm>> -> memref<128x128xf32, #tpu.memory_space<hbm>>
      %dma_wait3A_108 = arith.constant 0 : i32
      %dma_wait3A_109 = tpu.memref_slice %arg5[%arg0, %add3A_86, %dma_wait3A_108] : memref<2x10240x128xf32, #tpu.memory_space<hbm>> -> memref<1x128x128xf32, #tpu.memory_space<hbm>>
      %dma_wait3A_110 = tpu.memref_squeeze %dma_wait3A_109 : memref<1x128x128xf32, #tpu.memory_space<hbm>> -> memref<128x128xf32, #tpu.memory_space<hbm>>
      tpu.wait_dma2 semaphore(%run_scoped3A : memref<!tpu.dma_semaphore, #tpu.memory_space<semaphore_mem>>) src(%arg9 : memref<128x128xf32, #tpu.memory_space<vmem>>) dst(%dma_wait3A_110 : memref<128x128xf32, #tpu.memory_space<hbm>>)
      tpu.yield
    }) : () -> ()
    %mul3A_87 = arith.constant 640 : i32
    %mul3A_88 = arith.muli %arg1, %mul3A_87 : i32
    %add3A_89 = arith.constant 256 : i32
    %add3A_90 = arith.addi %mul3A_88, %add3A_89 : i32
    "tpu.region"() ({
      %run_scoped3A = tpu.sem_alloc : memref<!tpu.dma_semaphore, #tpu.memory_space<semaphore_mem>>
      %dma_start3A_99 = arith.constant 0 : i32
      %dma_start3A_100 = tpu.memref_slice %arg11[%add3A_90, %dma_start3A_99] : memref<10240x128xf32, #tpu.memory_space<vmem_shared>> -> memref<128x128xf32, #tpu.memory_space<vmem_shared>>
      %dma_start3A_101 = arith.constant 0 : i32
      %dma_start3A_102 = tpu.memref_slice %arg11[%add3A_90, %dma_start3A_101] : memref<10240x128xf32, #tpu.memory_space<vmem_shared>> -> memref<128x128xf32, #tpu.memory_space<vmem_shared>>
      tpu.enqueue_dma source(%dma_start3A_102 : memref<128x128xf32, #tpu.memory_space<vmem_shared>>) target(%arg9 : memref<128x128xf32, #tpu.memory_space<vmem>>) target_semaphore(%run_scoped3A : memref<!tpu.dma_semaphore, #tpu.memory_space<semaphore_mem>>)
      %dma_wait3A_103 = arith.constant 0 : i32
      %dma_wait3A_104 = tpu.memref_slice %arg11[%add3A_90, %dma_wait3A_103] : memref<10240x128xf32, #tpu.memory_space<vmem_shared>> -> memref<128x128xf32, #tpu.memory_space<vmem_shared>>
      %dma_wait3A_105 = arith.constant 0 : i32
      %dma_wait3A_106 = tpu.memref_slice %arg11[%add3A_90, %dma_wait3A_105] : memref<10240x128xf32, #tpu.memory_space<vmem_shared>> -> memref<128x128xf32, #tpu.memory_space<vmem_shared>>
      tpu.wait_dma2 semaphore(%run_scoped3A : memref<!tpu.dma_semaphore, #tpu.memory_space<semaphore_mem>>) src(%dma_wait3A_106 : memref<128x128xf32, #tpu.memory_space<vmem_shared>>) dst(%arg9 : memref<128x128xf32, #tpu.memory_space<vmem>>)
      tpu.yield
    }) : () -> ()
    "tpu.region"() ({
      %run_scoped3A = tpu.sem_alloc : memref<!tpu.dma_semaphore, #tpu.memory_space<semaphore_mem>>
      %dma_start3A_99 = arith.constant 0 : i32
      %dma_start3A_100 = tpu.memref_slice %arg5[%arg0, %add3A_90, %dma_start3A_99] : memref<2x10240x128xf32, #tpu.memory_space<hbm>> -> memref<1x128x128xf32, #tpu.memory_space<hbm>>
      %dma_start3A_101 = tpu.memref_squeeze %dma_start3A_100 : memref<1x128x128xf32, #tpu.memory_space<hbm>> -> memref<128x128xf32, #tpu.memory_space<hbm>>
      %dma_start3A_102 = arith.constant 0 : i32
      %dma_start3A_103 = tpu.memref_slice %arg5[%arg0, %add3A_90, %dma_start3A_102] : memref<2x10240x128xf32, #tpu.memory_space<hbm>> -> memref<1x128x128xf32, #tpu.memory_space<hbm>>
      %dma_start3A_104 = tpu.memref_squeeze %dma_start3A_103 : memref<1x128x128xf32, #tpu.memory_space<hbm>> -> memref<128x128xf32, #tpu.memory_space<hbm>>
      tpu.enqueue_dma source(%arg9 : memref<128x128xf32, #tpu.memory_space<vmem>>) target(%dma_start3A_104 : memref<128x128xf32, #tpu.memory_space<hbm>>) target_semaphore(%run_scoped3A : memref<!tpu.dma_semaphore, #tpu.memory_space<semaphore_mem>>)
      %dma_wait3A_105 = arith.constant 0 : i32
      %dma_wait3A_106 = tpu.memref_slice %arg5[%arg0, %add3A_90, %dma_wait3A_105] : memref<2x10240x128xf32, #tpu.memory_space<hbm>> -> memref<1x128x128xf32, #tpu.memory_space<hbm>>
      %dma_wait3A_107 = tpu.memref_squeeze %dma_wait3A_106 : memref<1x128x128xf32, #tpu.memory_space<hbm>> -> memref<128x128xf32, #tpu.memory_space<hbm>>
      %dma_wait3A_108 = arith.constant 0 : i32
      %dma_wait3A_109 = tpu.memref_slice %arg5[%arg0, %add3A_90, %dma_wait3A_108] : memref<2x10240x128xf32, #tpu.memory_space<hbm>> -> memref<1x128x128xf32, #tpu.memory_space<hbm>>
      %dma_wait3A_110 = tpu.memref_squeeze %dma_wait3A_109 : memref<1x128x128xf32, #tpu.memory_space<hbm>> -> memref<128x128xf32, #tpu.memory_space<hbm>>
      tpu.wait_dma2 semaphore(%run_scoped3A : memref<!tpu.dma_semaphore, #tpu.memory_space<semaphore_mem>>) src(%arg9 : memref<128x128xf32, #tpu.memory_space<vmem>>) dst(%dma_wait3A_110 : memref<128x128xf32, #tpu.memory_space<hbm>>)
      tpu.yield
    }) : () -> ()
    %mul3A_91 = arith.constant 640 : i32
    %mul3A_92 = arith.muli %arg1, %mul3A_91 : i32
    %add3A_93 = arith.constant 384 : i32
    %add3A_94 = arith.addi %mul3A_92, %add3A_93 : i32
    "tpu.region"() ({
      %run_scoped3A = tpu.sem_alloc : memref<!tpu.dma_semaphore, #tpu.memory_space<semaphore_mem>>
      %dma_start3A_99 = arith.constant 0 : i32
      %dma_start3A_100 = tpu.memref_slice %arg11[%add3A_94, %dma_start3A_99] : memref<10240x128xf32, #tpu.memory_space<vmem_shared>> -> memref<128x128xf32, #tpu.memory_space<vmem_shared>>
      %dma_start3A_101 = arith.constant 0 : i32
      %dma_start3A_102 = tpu.memref_slice %arg11[%add3A_94, %dma_start3A_101] : memref<10240x128xf32, #tpu.memory_space<vmem_shared>> -> memref<128x128xf32, #tpu.memory_space<vmem_shared>>
      tpu.enqueue_dma source(%dma_start3A_102 : memref<128x128xf32, #tpu.memory_space<vmem_shared>>) target(%arg9 : memref<128x128xf32, #tpu.memory_space<vmem>>) target_semaphore(%run_scoped3A : memref<!tpu.dma_semaphore, #tpu.memory_space<semaphore_mem>>)
      %dma_wait3A_103 = arith.constant 0 : i32
      %dma_wait3A_104 = tpu.memref_slice %arg11[%add3A_94, %dma_wait3A_103] : memref<10240x128xf32, #tpu.memory_space<vmem_shared>> -> memref<128x128xf32, #tpu.memory_space<vmem_shared>>
      %dma_wait3A_105 = arith.constant 0 : i32
      %dma_wait3A_106 = tpu.memref_slice %arg11[%add3A_94, %dma_wait3A_105] : memref<10240x128xf32, #tpu.memory_space<vmem_shared>> -> memref<128x128xf32, #tpu.memory_space<vmem_shared>>
      tpu.wait_dma2 semaphore(%run_scoped3A : memref<!tpu.dma_semaphore, #tpu.memory_space<semaphore_mem>>) src(%dma_wait3A_106 : memref<128x128xf32, #tpu.memory_space<vmem_shared>>) dst(%arg9 : memref<128x128xf32, #tpu.memory_space<vmem>>)
      tpu.yield
    }) : () -> ()
    "tpu.region"() ({
      %run_scoped3A = tpu.sem_alloc : memref<!tpu.dma_semaphore, #tpu.memory_space<semaphore_mem>>
      %dma_start3A_99 = arith.constant 0 : i32
      %dma_start3A_100 = tpu.memref_slice %arg5[%arg0, %add3A_94, %dma_start3A_99] : memref<2x10240x128xf32, #tpu.memory_space<hbm>> -> memref<1x128x128xf32, #tpu.memory_space<hbm>>
      %dma_start3A_101 = tpu.memref_squeeze %dma_start3A_100 : memref<1x128x128xf32, #tpu.memory_space<hbm>> -> memref<128x128xf32, #tpu.memory_space<hbm>>
      %dma_start3A_102 = arith.constant 0 : i32
      %dma_start3A_103 = tpu.memref_slice %arg5[%arg0, %add3A_94, %dma_start3A_102] : memref<2x10240x128xf32, #tpu.memory_space<hbm>> -> memref<1x128x128xf32, #tpu.memory_space<hbm>>
      %dma_start3A_104 = tpu.memref_squeeze %dma_start3A_103 : memref<1x128x128xf32, #tpu.memory_space<hbm>> -> memref<128x128xf32, #tpu.memory_space<hbm>>
      tpu.enqueue_dma source(%arg9 : memref<128x128xf32, #tpu.memory_space<vmem>>) target(%dma_start3A_104 : memref<128x128xf32, #tpu.memory_space<hbm>>) target_semaphore(%run_scoped3A : memref<!tpu.dma_semaphore, #tpu.memory_space<semaphore_mem>>)
      %dma_wait3A_105 = arith.constant 0 : i32
      %dma_wait3A_106 = tpu.memref_slice %arg5[%arg0, %add3A_94, %dma_wait3A_105] : memref<2x10240x128xf32, #tpu.memory_space<hbm>> -> memref<1x128x128xf32, #tpu.memory_space<hbm>>
      %dma_wait3A_107 = tpu.memref_squeeze %dma_wait3A_106 : memref<1x128x128xf32, #tpu.memory_space<hbm>> -> memref<128x128xf32, #tpu.memory_space<hbm>>
      %dma_wait3A_108 = arith.constant 0 : i32
      %dma_wait3A_109 = tpu.memref_slice %arg5[%arg0, %add3A_94, %dma_wait3A_108] : memref<2x10240x128xf32, #tpu.memory_space<hbm>> -> memref<1x128x128xf32, #tpu.memory_space<hbm>>
      %dma_wait3A_110 = tpu.memref_squeeze %dma_wait3A_109 : memref<1x128x128xf32, #tpu.memory_space<hbm>> -> memref<128x128xf32, #tpu.memory_space<hbm>>
      tpu.wait_dma2 semaphore(%run_scoped3A : memref<!tpu.dma_semaphore, #tpu.memory_space<semaphore_mem>>) src(%arg9 : memref<128x128xf32, #tpu.memory_space<vmem>>) dst(%dma_wait3A_110 : memref<128x128xf32, #tpu.memory_space<hbm>>)
      tpu.yield
    }) : () -> ()
    %mul3A_95 = arith.constant 640 : i32
    %mul3A_96 = arith.muli %arg1, %mul3A_95 : i32
    %add3A_97 = arith.constant 512 : i32
    %add3A_98 = arith.addi %mul3A_96, %add3A_97 : i32
    "tpu.region"() ({
      %run_scoped3A = tpu.sem_alloc : memref<!tpu.dma_semaphore, #tpu.memory_space<semaphore_mem>>
      %dma_start3A_99 = arith.constant 0 : i32
      %dma_start3A_100 = tpu.memref_slice %arg11[%add3A_98, %dma_start3A_99] : memref<10240x128xf32, #tpu.memory_space<vmem_shared>> -> memref<128x128xf32, #tpu.memory_space<vmem_shared>>
      %dma_start3A_101 = arith.constant 0 : i32
      %dma_start3A_102 = tpu.memref_slice %arg11[%add3A_98, %dma_start3A_101] : memref<10240x128xf32, #tpu.memory_space<vmem_shared>> -> memref<128x128xf32, #tpu.memory_space<vmem_shared>>
      tpu.enqueue_dma source(%dma_start3A_102 : memref<128x128xf32, #tpu.memory_space<vmem_shared>>) target(%arg9 : memref<128x128xf32, #tpu.memory_space<vmem>>) target_semaphore(%run_scoped3A : memref<!tpu.dma_semaphore, #tpu.memory_space<semaphore_mem>>)
      %dma_wait3A_103 = arith.constant 0 : i32
      %dma_wait3A_104 = tpu.memref_slice %arg11[%add3A_98, %dma_wait3A_103] : memref<10240x128xf32, #tpu.memory_space<vmem_shared>> -> memref<128x128xf32, #tpu.memory_space<vmem_shared>>
      %dma_wait3A_105 = arith.constant 0 : i32
      %dma_wait3A_106 = tpu.memref_slice %arg11[%add3A_98, %dma_wait3A_105] : memref<10240x128xf32, #tpu.memory_space<vmem_shared>> -> memref<128x128xf32, #tpu.memory_space<vmem_shared>>
      tpu.wait_dma2 semaphore(%run_scoped3A : memref<!tpu.dma_semaphore, #tpu.memory_space<semaphore_mem>>) src(%dma_wait3A_106 : memref<128x128xf32, #tpu.memory_space<vmem_shared>>) dst(%arg9 : memref<128x128xf32, #tpu.memory_space<vmem>>)
      tpu.yield
    }) : () -> ()
    "tpu.region"() ({
      %run_scoped3A = tpu.sem_alloc : memref<!tpu.dma_semaphore, #tpu.memory_space<semaphore_mem>>
      %dma_start3A_99 = arith.constant 0 : i32
      %dma_start3A_100 = tpu.memref_slice %arg5[%arg0, %add3A_98, %dma_start3A_99] : memref<2x10240x128xf32, #tpu.memory_space<hbm>> -> memref<1x128x128xf32, #tpu.memory_space<hbm>>
      %dma_start3A_101 = tpu.memref_squeeze %dma_start3A_100 : memref<1x128x128xf32, #tpu.memory_space<hbm>> -> memref<128x128xf32, #tpu.memory_space<hbm>>
      %dma_start3A_102 = arith.constant 0 : i32
      %dma_start3A_103 = tpu.memref_slice %arg5[%arg0, %add3A_98, %dma_start3A_102] : memref<2x10240x128xf32, #tpu.memory_space<hbm>> -> memref<1x128x128xf32, #tpu.memory_space<hbm>>
      %dma_start3A_104 = tpu.memref_squeeze %dma_start3A_103 : memref<1x128x128xf32, #tpu.memory_space<hbm>> -> memref<128x128xf32, #tpu.memory_space<hbm>>
      tpu.enqueue_dma source(%arg9 : memref<128x128xf32, #tpu.memory_space<vmem>>) target(%dma_start3A_104 : memref<128x128xf32, #tpu.memory_space<hbm>>) target_semaphore(%run_scoped3A : memref<!tpu.dma_semaphore, #tpu.memory_space<semaphore_mem>>)
      %dma_wait3A_105 = arith.constant 0 : i32
      %dma_wait3A_106 = tpu.memref_slice %arg5[%arg0, %add3A_98, %dma_wait3A_105] : memref<2x10240x128xf32, #tpu.memory_space<hbm>> -> memref<1x128x128xf32, #tpu.memory_space<hbm>>
      %dma_wait3A_107 = tpu.memref_squeeze %dma_wait3A_106 : memref<1x128x128xf32, #tpu.memory_space<hbm>> -> memref<128x128xf32, #tpu.memory_space<hbm>>
      %dma_wait3A_108 = arith.constant 0 : i32
      %dma_wait3A_109 = tpu.memref_slice %arg5[%arg0, %add3A_98, %dma_wait3A_108] : memref<2x10240x128xf32, #tpu.memory_space<hbm>> -> memref<1x128x128xf32, #tpu.memory_space<hbm>>
      %dma_wait3A_110 = tpu.memref_squeeze %dma_wait3A_109 : memref<1x128x128xf32, #tpu.memory_space<hbm>> -> memref<128x128xf32, #tpu.memory_space<hbm>>
      tpu.wait_dma2 semaphore(%run_scoped3A : memref<!tpu.dma_semaphore, #tpu.memory_space<semaphore_mem>>) src(%arg9 : memref<128x128xf32, #tpu.memory_space<vmem>>) dst(%dma_wait3A_110 : memref<128x128xf32, #tpu.memory_space<hbm>>)
      tpu.yield
    }) : () -> ()
    return
  }
}

#map = affine_map<(d0, d1) -> (0, 0)>
#map1 = affine_map<(d0, d1) -> (0, 0, 0)>
module attributes {stable_mosaic.version = 14 : i64} {
  func.func @_agg(%arg0: i32, %arg1: i32, %arg2: memref<10240x128xf32, #tpu.memory_space<hbm>>, %arg3: memref<32x80x128xi32, #tpu.memory_space<hbm>>, %arg4: memref<32x80x128xi32, #tpu.memory_space<hbm>>, %arg5: memref<2x10240x128xf32, #tpu.memory_space<hbm>>, %arg6: memref<80x128xi32, #tpu.memory_space<vmem>>, %arg7: memref<8x128xi32, #tpu.memory_space<vmem>>, %arg8: memref<8x128xi32, #tpu.memory_space<vmem>>, %arg9: memref<128x128xf32, #tpu.memory_space<vmem>>, %arg10: memref<128x128xf32, #tpu.memory_space<vmem>>, %arg11: memref<10240x128xf32, #tpu.memory_space<vmem_shared>>, %arg12: memref<!tpu.dma_semaphore, #tpu.memory_space<semaphore_mem>>, %arg13: memref<!tpu.dma_semaphore, #tpu.memory_space<semaphore_mem>>, %arg14: memref<!tpu.dma_semaphore, #tpu.memory_space<semaphore_mem>>, %arg15: memref<!tpu.dma_semaphore, #tpu.memory_space<semaphore_mem>>, %arg16: memref<!tpu.dma_semaphore, #tpu.memory_space<semaphore_mem>>, %arg17: memref<!tpu.dma_semaphore, #tpu.memory_space<semaphore_mem>>) attributes {dimension_semantics = [#tpu.dimension_semantics<core_parallel>, #tpu.dimension_semantics<subcore_parallel>], iteration_bounds = array<i64: 2, 16>, scalar_prefetch = 0 : i64, scratch_operands = 12 : i64, tpu.core_type = #tpu.core_type<sc_vector_subcore>, window_params = [{transform_indices = #map}, {transform_indices = #map1}, {transform_indices = #map1}, {transform_indices = #map1}]} {
    %mul3A = arith.constant 16 : i32
    %mul3A_0 = arith.muli %arg0, %mul3A : i32
    %add3A = arith.addi %mul3A_0, %arg1 : i32
    %broadcast_in_dim3A = arith.constant 0.000000e+00 : f32
    %broadcast_in_dim3A_1 = vector.broadcast %broadcast_in_dim3A : f32 to vector<16xf32>
    "tpu.region"() ({
      %run_scoped3A = tpu.sem_alloc : memref<!tpu.dma_semaphore, #tpu.memory_space<semaphore_mem>>
      %dma_start3A_99 = arith.constant 0 : i32
      %dma_start3A_100 = arith.constant 0 : i32
      %dma_start3A_101 = tpu.memref_slice %arg4[%add3A, %dma_start3A_99, %dma_start3A_100] : memref<32x80x128xi32, #tpu.memory_space<hbm>> -> memref<1x80x128xi32, #tpu.memory_space<hbm>>
      %dma_start3A_102 = tpu.memref_squeeze %dma_start3A_101 : memref<1x80x128xi32, #tpu.memory_space<hbm>> -> memref<80x128xi32, #tpu.memory_space<hbm>>
      %dma_start3A_103 = arith.constant 0 : i32
      %dma_start3A_104 = arith.constant 0 : i32
      %dma_start3A_105 = tpu.memref_slice %arg4[%add3A, %dma_start3A_103, %dma_start3A_104] : memref<32x80x128xi32, #tpu.memory_space<hbm>> -> memref<1x80x128xi32, #tpu.memory_space<hbm>>
      %dma_start3A_106 = tpu.memref_squeeze %dma_start3A_105 : memref<1x80x128xi32, #tpu.memory_space<hbm>> -> memref<80x128xi32, #tpu.memory_space<hbm>>
      tpu.enqueue_dma source(%dma_start3A_106 : memref<80x128xi32, #tpu.memory_space<hbm>>) target(%arg6 : memref<80x128xi32, #tpu.memory_space<vmem>>) target_semaphore(%run_scoped3A : memref<!tpu.dma_semaphore, #tpu.memory_space<semaphore_mem>>)
      %dma_wait3A_107 = arith.constant 0 : i32
      %dma_wait3A_108 = arith.constant 0 : i32
      %dma_wait3A_109 = tpu.memref_slice %arg4[%add3A, %dma_wait3A_107, %dma_wait3A_108] : memref<32x80x128xi32, #tpu.memory_space<hbm>> -> memref<1x80x128xi32, #tpu.memory_space<hbm>>
      %dma_wait3A_110 = tpu.memref_squeeze %dma_wait3A_109 : memref<1x80x128xi32, #tpu.memory_space<hbm>> -> memref<80x128xi32, #tpu.memory_space<hbm>>
      %dma_wait3A_111 = arith.constant 0 : i32
      %dma_wait3A_112 = arith.constant 0 : i32
      %dma_wait3A_113 = tpu.memref_slice %arg4[%add3A, %dma_wait3A_111, %dma_wait3A_112] : memref<32x80x128xi32, #tpu.memory_space<hbm>> -> memref<1x80x128xi32, #tpu.memory_space<hbm>>
      %dma_wait3A_114 = tpu.memref_squeeze %dma_wait3A_113 : memref<1x80x128xi32, #tpu.memory_space<hbm>> -> memref<80x128xi32, #tpu.memory_space<hbm>>
      tpu.wait_dma2 semaphore(%run_scoped3A : memref<!tpu.dma_semaphore, #tpu.memory_space<semaphore_mem>>) src(%dma_wait3A_114 : memref<80x128xi32, #tpu.memory_space<hbm>>) dst(%arg6 : memref<80x128xi32, #tpu.memory_space<vmem>>)
      tpu.yield
    }) : () -> ()
    %dma_start3A = arith.constant 0 : i32
    %dma_start3A_2 = arith.constant 0 : i32
    %dma_start3A_3 = tpu.memref_slice %arg7[%dma_start3A, %dma_start3A_2] : memref<8x128xi32, #tpu.memory_space<vmem>> -> memref<1x128xi32, #tpu.memory_space<vmem>>
    %dma_start3A_4 = arith.constant 0 : i32
    %dma_start3A_5 = arith.constant 0 : i32
    %dma_start3A_6 = tpu.memref_slice %arg3[%add3A, %dma_start3A_4, %dma_start3A_5] : memref<32x80x128xi32, #tpu.memory_space<hbm>> -> memref<1x1x128xi32, #tpu.memory_space<hbm>>
    %dma_start3A_7 = tpu.memref_squeeze %dma_start3A_6 : memref<1x1x128xi32, #tpu.memory_space<hbm>> -> memref<1x128xi32, #tpu.memory_space<hbm>>
    %dma_start3A_8 = arith.constant 0 : i32
    %dma_start3A_9 = arith.constant 0 : i32
    %dma_start3A_10 = tpu.memref_slice %arg7[%dma_start3A_8, %dma_start3A_9] : memref<8x128xi32, #tpu.memory_space<vmem>> -> memref<1x128xi32, #tpu.memory_space<vmem>>
    %dma_start3A_11 = arith.constant 0 : i32
    %dma_start3A_12 = arith.constant 0 : i32
    %dma_start3A_13 = tpu.memref_slice %arg3[%add3A, %dma_start3A_11, %dma_start3A_12] : memref<32x80x128xi32, #tpu.memory_space<hbm>> -> memref<1x1x128xi32, #tpu.memory_space<hbm>>
    %dma_start3A_14 = tpu.memref_squeeze %dma_start3A_13 : memref<1x1x128xi32, #tpu.memory_space<hbm>> -> memref<1x128xi32, #tpu.memory_space<hbm>>
    tpu.enqueue_dma source(%dma_start3A_14 : memref<1x128xi32, #tpu.memory_space<hbm>>) target(%dma_start3A_10 : memref<1x128xi32, #tpu.memory_space<vmem>>) target_semaphore(%arg12 : memref<!tpu.dma_semaphore, #tpu.memory_space<semaphore_mem>>)
    %dma_start3A_15 = arith.constant 0 : i32
    %dma_start3A_16 = arith.constant 0 : i32
    %dma_start3A_17 = tpu.memref_slice %arg8[%dma_start3A_15, %dma_start3A_16] : memref<8x128xi32, #tpu.memory_space<vmem>> -> memref<1x128xi32, #tpu.memory_space<vmem>>
    %dma_start3A_18 = arith.constant 1 : i32
    %dma_start3A_19 = arith.constant 0 : i32
    %dma_start3A_20 = tpu.memref_slice %arg3[%add3A, %dma_start3A_18, %dma_start3A_19] : memref<32x80x128xi32, #tpu.memory_space<hbm>> -> memref<1x1x128xi32, #tpu.memory_space<hbm>>
    %dma_start3A_21 = tpu.memref_squeeze %dma_start3A_20 : memref<1x1x128xi32, #tpu.memory_space<hbm>> -> memref<1x128xi32, #tpu.memory_space<hbm>>
    %dma_start3A_22 = arith.constant 0 : i32
    %dma_start3A_23 = arith.constant 0 : i32
    %dma_start3A_24 = tpu.memref_slice %arg8[%dma_start3A_22, %dma_start3A_23] : memref<8x128xi32, #tpu.memory_space<vmem>> -> memref<1x128xi32, #tpu.memory_space<vmem>>
    %dma_start3A_25 = arith.constant 1 : i32
    %dma_start3A_26 = arith.constant 0 : i32
    %dma_start3A_27 = tpu.memref_slice %arg3[%add3A, %dma_start3A_25, %dma_start3A_26] : memref<32x80x128xi32, #tpu.memory_space<hbm>> -> memref<1x1x128xi32, #tpu.memory_space<hbm>>
    %dma_start3A_28 = tpu.memref_squeeze %dma_start3A_27 : memref<1x1x128xi32, #tpu.memory_space<hbm>> -> memref<1x128xi32, #tpu.memory_space<hbm>>
    tpu.enqueue_dma source(%dma_start3A_28 : memref<1x128xi32, #tpu.memory_space<hbm>>) target(%dma_start3A_24 : memref<1x128xi32, #tpu.memory_space<vmem>>) target_semaphore(%arg13 : memref<!tpu.dma_semaphore, #tpu.memory_space<semaphore_mem>>)
    %scan3A = arith.constant 0 : i32
    %scan3A_29 = arith.constant 128 : i32
    %scan3A_30 = arith.addi %scan3A, %scan3A_29 : i32
    %scan3A_31 = arith.constant 1 : i32
    scf.for %scan3A_99 = %scan3A to %scan3A_30 step %scan3A_31  : i32 {
      %mul3A_100 = arith.constant 1 : i32
      %mul3A_101 = arith.muli %scan3A_99, %mul3A_100 : i32
      %add3A_102 = arith.constant 0 : i32
      %add3A_103 = arith.addi %add3A_102, %mul3A_101 : i32
      %scan3A_104 = arith.constant 0 : i32
      %scan3A_105 = arith.constant 8 : i32
      %scan3A_106 = arith.addi %scan3A_104, %scan3A_105 : i32
      %scan3A_107 = arith.constant 1 : i32
      scf.for %scan3A_109 = %scan3A_104 to %scan3A_106 step %scan3A_107  : i32 {
        %mul3A_110 = arith.constant 16 : i32
        %mul3A_111 = arith.muli %scan3A_109, %mul3A_110 : i32
        %add3A_112 = arith.constant 0 : i32
        %add3A_113 = arith.addi %add3A_112, %mul3A_111 : i32
        %swap3A = arith.index_cast %add3A_103 : i32 to index
        %swap3A_114 = arith.index_cast %add3A_113 : i32 to index
        %swap3A_115 = tpu.vector_load %arg9[%swap3A, %swap3A_114] {strides = array<i32>} : memref<128x128xf32, #tpu.memory_space<vmem>>, vector<1x16xf32>,
        %swap3A_116 = vector.shape_cast %swap3A_115 : vector<1x16xf32> to vector<16xf32>
        %swap3A_117 = vector.shape_cast %broadcast_in_dim3A_1 : vector<16xf32> to vector<1x16xf32>
        tpu.vector_store %arg9[%swap3A, %swap3A_114], %swap3A_117 {strides = array<i32>} : memref<128x128xf32, #tpu.memory_space<vmem>>, vector<1x16xf32>,
      }
      %scan3A_108 = arith.constant 8 : i32
    }
    %scan3A_32 = arith.constant 128 : i32
    %mul3A_33 = arith.constant 640 : i32
    %mul3A_34 = arith.muli %arg1, %mul3A_33 : i32
    %add3A_35 = arith.constant 0 : i32
    %add3A_36 = arith.addi %mul3A_34, %add3A_35 : i32
    "tpu.region"() ({
      %run_scoped3A = tpu.sem_alloc : memref<!tpu.dma_semaphore, #tpu.memory_space<semaphore_mem>>
      %dma_start3A_99 = arith.constant 0 : i32
      %dma_start3A_100 = tpu.memref_slice %arg11[%add3A_36, %dma_start3A_99] : memref<10240x128xf32, #tpu.memory_space<vmem_shared>> -> memref<128x128xf32, #tpu.memory_space<vmem_shared>>
      %dma_start3A_101 = arith.constant 0 : i32
      %dma_start3A_102 = tpu.memref_slice %arg11[%add3A_36, %dma_start3A_101] : memref<10240x128xf32, #tpu.memory_space<vmem_shared>> -> memref<128x128xf32, #tpu.memory_space<vmem_shared>>
      tpu.enqueue_dma source(%arg9 : memref<128x128xf32, #tpu.memory_space<vmem>>) target(%dma_start3A_102 : memref<128x128xf32, #tpu.memory_space<vmem_shared>>) target_semaphore(%run_scoped3A : memref<!tpu.dma_semaphore, #tpu.memory_space<semaphore_mem>>)
      %dma_wait3A_103 = arith.constant 0 : i32
      %dma_wait3A_104 = tpu.memref_slice %arg11[%add3A_36, %dma_wait3A_103] : memref<10240x128xf32, #tpu.memory_space<vmem_shared>> -> memref<128x128xf32, #tpu.memory_space<vmem_shared>>
      %dma_wait3A_105 = arith.constant 0 : i32
      %dma_wait3A_106 = tpu.memref_slice %arg11[%add3A_36, %dma_wait3A_105] : memref<10240x128xf32, #tpu.memory_space<vmem_shared>> -> memref<128x128xf32, #tpu.memory_space<vmem_shared>>
      tpu.wait_dma2 semaphore(%run_scoped3A : memref<!tpu.dma_semaphore, #tpu.memory_space<semaphore_mem>>) src(%arg9 : memref<128x128xf32, #tpu.memory_space<vmem>>) dst(%dma_wait3A_106 : memref<128x128xf32, #tpu.memory_space<vmem_shared>>)
      tpu.yield
    }) : () -> ()
    %mul3A_37 = arith.constant 640 : i32
    %mul3A_38 = arith.muli %arg1, %mul3A_37 : i32
    %add3A_39 = arith.constant 128 : i32
    %add3A_40 = arith.addi %mul3A_38, %add3A_39 : i32
    "tpu.region"() ({
      %run_scoped3A = tpu.sem_alloc : memref<!tpu.dma_semaphore, #tpu.memory_space<semaphore_mem>>
      %dma_start3A_99 = arith.constant 0 : i32
      %dma_start3A_100 = tpu.memref_slice %arg11[%add3A_40, %dma_start3A_99] : memref<10240x128xf32, #tpu.memory_space<vmem_shared>> -> memref<128x128xf32, #tpu.memory_space<vmem_shared>>
      %dma_start3A_101 = arith.constant 0 : i32
      %dma_start3A_102 = tpu.memref_slice %arg11[%add3A_40, %dma_start3A_101] : memref<10240x128xf32, #tpu.memory_space<vmem_shared>> -> memref<128x128xf32, #tpu.memory_space<vmem_shared>>
      tpu.enqueue_dma source(%arg9 : memref<128x128xf32, #tpu.memory_space<vmem>>) target(%dma_start3A_102 : memref<128x128xf32, #tpu.memory_space<vmem_shared>>) target_semaphore(%run_scoped3A : memref<!tpu.dma_semaphore, #tpu.memory_space<semaphore_mem>>)
      %dma_wait3A_103 = arith.constant 0 : i32
      %dma_wait3A_104 = tpu.memref_slice %arg11[%add3A_40, %dma_wait3A_103] : memref<10240x128xf32, #tpu.memory_space<vmem_shared>> -> memref<128x128xf32, #tpu.memory_space<vmem_shared>>
      %dma_wait3A_105 = arith.constant 0 : i32
      %dma_wait3A_106 = tpu.memref_slice %arg11[%add3A_40, %dma_wait3A_105] : memref<10240x128xf32, #tpu.memory_space<vmem_shared>> -> memref<128x128xf32, #tpu.memory_space<vmem_shared>>
      tpu.wait_dma2 semaphore(%run_scoped3A : memref<!tpu.dma_semaphore, #tpu.memory_space<semaphore_mem>>) src(%arg9 : memref<128x128xf32, #tpu.memory_space<vmem>>) dst(%dma_wait3A_106 : memref<128x128xf32, #tpu.memory_space<vmem_shared>>)
      tpu.yield
    }) : () -> ()
    %mul3A_41 = arith.constant 640 : i32
    %mul3A_42 = arith.muli %arg1, %mul3A_41 : i32
    %add3A_43 = arith.constant 256 : i32
    %add3A_44 = arith.addi %mul3A_42, %add3A_43 : i32
    "tpu.region"() ({
      %run_scoped3A = tpu.sem_alloc : memref<!tpu.dma_semaphore, #tpu.memory_space<semaphore_mem>>
      %dma_start3A_99 = arith.constant 0 : i32
      %dma_start3A_100 = tpu.memref_slice %arg11[%add3A_44, %dma_start3A_99] : memref<10240x128xf32, #tpu.memory_space<vmem_shared>> -> memref<128x128xf32, #tpu.memory_space<vmem_shared>>
      %dma_start3A_101 = arith.constant 0 : i32
      %dma_start3A_102 = tpu.memref_slice %arg11[%add3A_44, %dma_start3A_101] : memref<10240x128xf32, #tpu.memory_space<vmem_shared>> -> memref<128x128xf32, #tpu.memory_space<vmem_shared>>
      tpu.enqueue_dma source(%arg9 : memref<128x128xf32, #tpu.memory_space<vmem>>) target(%dma_start3A_102 : memref<128x128xf32, #tpu.memory_space<vmem_shared>>) target_semaphore(%run_scoped3A : memref<!tpu.dma_semaphore, #tpu.memory_space<semaphore_mem>>)
      %dma_wait3A_103 = arith.constant 0 : i32
      %dma_wait3A_104 = tpu.memref_slice %arg11[%add3A_44, %dma_wait3A_103] : memref<10240x128xf32, #tpu.memory_space<vmem_shared>> -> memref<128x128xf32, #tpu.memory_space<vmem_shared>>
      %dma_wait3A_105 = arith.constant 0 : i32
      %dma_wait3A_106 = tpu.memref_slice %arg11[%add3A_44, %dma_wait3A_105] : memref<10240x128xf32, #tpu.memory_space<vmem_shared>> -> memref<128x128xf32, #tpu.memory_space<vmem_shared>>
      tpu.wait_dma2 semaphore(%run_scoped3A : memref<!tpu.dma_semaphore, #tpu.memory_space<semaphore_mem>>) src(%arg9 : memref<128x128xf32, #tpu.memory_space<vmem>>) dst(%dma_wait3A_106 : memref<128x128xf32, #tpu.memory_space<vmem_shared>>)
      tpu.yield
    }) : () -> ()
    %mul3A_45 = arith.constant 640 : i32
    %mul3A_46 = arith.muli %arg1, %mul3A_45 : i32
    %add3A_47 = arith.constant 384 : i32
    %add3A_48 = arith.addi %mul3A_46, %add3A_47 : i32
    "tpu.region"() ({
      %run_scoped3A = tpu.sem_alloc : memref<!tpu.dma_semaphore, #tpu.memory_space<semaphore_mem>>
      %dma_start3A_99 = arith.constant 0 : i32
      %dma_start3A_100 = tpu.memref_slice %arg11[%add3A_48, %dma_start3A_99] : memref<10240x128xf32, #tpu.memory_space<vmem_shared>> -> memref<128x128xf32, #tpu.memory_space<vmem_shared>>
      %dma_start3A_101 = arith.constant 0 : i32
      %dma_start3A_102 = tpu.memref_slice %arg11[%add3A_48, %dma_start3A_101] : memref<10240x128xf32, #tpu.memory_space<vmem_shared>> -> memref<128x128xf32, #tpu.memory_space<vmem_shared>>
      tpu.enqueue_dma source(%arg9 : memref<128x128xf32, #tpu.memory_space<vmem>>) target(%dma_start3A_102 : memref<128x128xf32, #tpu.memory_space<vmem_shared>>) target_semaphore(%run_scoped3A : memref<!tpu.dma_semaphore, #tpu.memory_space<semaphore_mem>>)
      %dma_wait3A_103 = arith.constant 0 : i32
      %dma_wait3A_104 = tpu.memref_slice %arg11[%add3A_48, %dma_wait3A_103] : memref<10240x128xf32, #tpu.memory_space<vmem_shared>> -> memref<128x128xf32, #tpu.memory_space<vmem_shared>>
      %dma_wait3A_105 = arith.constant 0 : i32
      %dma_wait3A_106 = tpu.memref_slice %arg11[%add3A_48, %dma_wait3A_105] : memref<10240x128xf32, #tpu.memory_space<vmem_shared>> -> memref<128x128xf32, #tpu.memory_space<vmem_shared>>
      tpu.wait_dma2 semaphore(%run_scoped3A : memref<!tpu.dma_semaphore, #tpu.memory_space<semaphore_mem>>) src(%arg9 : memref<128x128xf32, #tpu.memory_space<vmem>>) dst(%dma_wait3A_106 : memref<128x128xf32, #tpu.memory_space<vmem_shared>>)
      tpu.yield
    }) : () -> ()
    %mul3A_49 = arith.constant 640 : i32
    %mul3A_50 = arith.muli %arg1, %mul3A_49 : i32
    %add3A_51 = arith.constant 512 : i32
    %add3A_52 = arith.addi %mul3A_50, %add3A_51 : i32
    "tpu.region"() ({
      %run_scoped3A = tpu.sem_alloc : memref<!tpu.dma_semaphore, #tpu.memory_space<semaphore_mem>>
      %dma_start3A_99 = arith.constant 0 : i32
      %dma_start3A_100 = tpu.memref_slice %arg11[%add3A_52, %dma_start3A_99] : memref<10240x128xf32, #tpu.memory_space<vmem_shared>> -> memref<128x128xf32, #tpu.memory_space<vmem_shared>>
      %dma_start3A_101 = arith.constant 0 : i32
      %dma_start3A_102 = tpu.memref_slice %arg11[%add3A_52, %dma_start3A_101] : memref<10240x128xf32, #tpu.memory_space<vmem_shared>> -> memref<128x128xf32, #tpu.memory_space<vmem_shared>>
      tpu.enqueue_dma source(%arg9 : memref<128x128xf32, #tpu.memory_space<vmem>>) target(%dma_start3A_102 : memref<128x128xf32, #tpu.memory_space<vmem_shared>>) target_semaphore(%run_scoped3A : memref<!tpu.dma_semaphore, #tpu.memory_space<semaphore_mem>>)
      %dma_wait3A_103 = arith.constant 0 : i32
      %dma_wait3A_104 = tpu.memref_slice %arg11[%add3A_52, %dma_wait3A_103] : memref<10240x128xf32, #tpu.memory_space<vmem_shared>> -> memref<128x128xf32, #tpu.memory_space<vmem_shared>>
      %dma_wait3A_105 = arith.constant 0 : i32
      %dma_wait3A_106 = tpu.memref_slice %arg11[%add3A_52, %dma_wait3A_105] : memref<10240x128xf32, #tpu.memory_space<vmem_shared>> -> memref<128x128xf32, #tpu.memory_space<vmem_shared>>
      tpu.wait_dma2 semaphore(%run_scoped3A : memref<!tpu.dma_semaphore, #tpu.memory_space<semaphore_mem>>) src(%arg9 : memref<128x128xf32, #tpu.memory_space<vmem>>) dst(%dma_wait3A_106 : memref<128x128xf32, #tpu.memory_space<vmem_shared>>)
      tpu.yield
    }) : () -> ()
    %barrier3A = arith.constant 0 : index
    tpu.barrier barrier_id(%barrier3A)
    %dma_wait3A = arith.constant 0 : i32
    %dma_wait3A_53 = arith.constant 0 : i32
    %dma_wait3A_54 = tpu.memref_slice %arg7[%dma_wait3A, %dma_wait3A_53] : memref<8x128xi32, #tpu.memory_space<vmem>> -> memref<1x128xi32, #tpu.memory_space<vmem>>
    %dma_wait3A_55 = arith.constant 0 : i32
    %dma_wait3A_56 = arith.constant 0 : i32
    %dma_wait3A_57 = tpu.memref_slice %arg3[%add3A, %dma_wait3A_55, %dma_wait3A_56] : memref<32x80x128xi32, #tpu.memory_space<hbm>> -> memref<1x1x128xi32, #tpu.memory_space<hbm>>
    %dma_wait3A_58 = tpu.memref_squeeze %dma_wait3A_57 : memref<1x1x128xi32, #tpu.memory_space<hbm>> -> memref<1x128xi32, #tpu.memory_space<hbm>>
    %dma_wait3A_59 = arith.constant 0 : i32
    %dma_wait3A_60 = arith.constant 0 : i32
    %dma_wait3A_61 = tpu.memref_slice %arg7[%dma_wait3A_59, %dma_wait3A_60] : memref<8x128xi32, #tpu.memory_space<vmem>> -> memref<1x128xi32, #tpu.memory_space<vmem>>
    %dma_wait3A_62 = arith.constant 0 : i32
    %dma_wait3A_63 = arith.constant 0 : i32
    %dma_wait3A_64 = tpu.memref_slice %arg3[%add3A, %dma_wait3A_62, %dma_wait3A_63] : memref<32x80x128xi32, #tpu.memory_space<hbm>> -> memref<1x1x128xi32, #tpu.memory_space<hbm>>
    %dma_wait3A_65 = tpu.memref_squeeze %dma_wait3A_64 : memref<1x1x128xi32, #tpu.memory_space<hbm>> -> memref<1x128xi32, #tpu.memory_space<hbm>>
    tpu.wait_dma2 semaphore(%arg12 : memref<!tpu.dma_semaphore, #tpu.memory_space<semaphore_mem>>) src(%dma_wait3A_65 : memref<1x128xi32, #tpu.memory_space<hbm>>) dst(%dma_wait3A_61 : memref<1x128xi32, #tpu.memory_space<vmem>>)
    %dma_start3A_66 = arith.constant 0 : i32
    %dma_start3A_67 = arith.constant 0 : i32
    %dma_start3A_68 = tpu.memref_slice %arg7[%dma_start3A_66, %dma_start3A_67] : memref<8x128xi32, #tpu.memory_space<vmem>> -> memref<1x128xi32, #tpu.memory_space<vmem>>
    %dma_start3A_69 = tpu.memref_squeeze %dma_start3A_68 : memref<1x128xi32, #tpu.memory_space<vmem>> -> memref<128xi32, #tpu.memory_space<vmem>>
    %dma_start3A_70 = arith.constant 0 : i32
    %dma_start3A_71 = arith.constant 0 : i32
    %dma_start3A_72 = tpu.memref_slice %arg2[%dma_start3A_70, %dma_start3A_71] : memref<10240x128xf32, #tpu.memory_space<hbm>> -> memref<10240x128xf32, #tpu.memory_space<hbm>>
    tpu.enqueue_indirect_dma source(%dma_start3A_72 : memref<10240x128xf32, #tpu.memory_space<hbm>>) target(%arg9 : memref<128x128xf32, #tpu.memory_space<vmem>>) offsets(%dma_start3A_69 : memref<128xi32, #tpu.memory_space<vmem>>) semaphore(%arg14 : memref<!tpu.dma_semaphore, #tpu.memory_space<semaphore_mem>>)
    %scan3A_73 = arith.constant 0 : i32
    %scan3A_74 = arith.constant 40 : i32
    %scan3A_75 = arith.addi %scan3A_73, %scan3A_74 : i32
    %scan3A_76 = arith.constant 1 : i32
    scf.for %scan3A_99 = %scan3A_73 to %scan3A_75 step %scan3A_76  : i32 {
      %mul3A_100 = arith.constant 1 : i32
      %mul3A_101 = arith.muli %scan3A_99, %mul3A_100 : i32
      %add3A_102 = arith.constant 0 : i32
      %add3A_103 = arith.addi %add3A_102, %mul3A_101 : i32
      %mul3A_104 = arith.constant 2 : i32
      %mul3A_105 = arith.muli %mul3A_104, %add3A_103 : i32
      %add3A_106 = arith.constant 1 : i32
      %add3A_107 = arith.addi %mul3A_105, %add3A_106 : i32
      %dma_wait3A_108 = arith.constant 0 : i32
      %dma_wait3A_109 = arith.constant 0 : i32
      %dma_wait3A_110 = tpu.memref_slice %arg7[%dma_wait3A_108, %dma_wait3A_109] : memref<8x128xi32, #tpu.memory_space<vmem>> -> memref<1x128xi32, #tpu.memory_space<vmem>>
      %dma_wait3A_111 = tpu.memref_squeeze %dma_wait3A_110 : memref<1x128xi32, #tpu.memory_space<vmem>> -> memref<128xi32, #tpu.memory_space<vmem>>
      %dma_wait3A_112 = arith.constant 0 : i32
      %dma_wait3A_113 = arith.constant 0 : i32
      %dma_wait3A_114 = tpu.memref_slice %arg2[%dma_wait3A_112, %dma_wait3A_113] : memref<10240x128xf32, #tpu.memory_space<hbm>> -> memref<10240x128xf32, #tpu.memory_space<hbm>>
      tpu.wait_indirect_dma semaphore(%arg14 : memref<!tpu.dma_semaphore, #tpu.memory_space<semaphore_mem>>) src(%dma_wait3A_114 : memref<10240x128xf32, #tpu.memory_space<hbm>>) dst(%arg9 : memref<128x128xf32, #tpu.memory_space<vmem>>)
      %add3A_115 = arith.constant 2 : i32
      %add3A_116 = arith.addi %mul3A_105, %add3A_115 : i32
      %lt3A = arith.constant 80 : i32
      %lt3A_117 = arith.cmpi slt, %add3A_116, %lt3A : i32
      %convert_element_type3A = arith.extui %lt3A_117 : i1 to i32
      %cond3A = arith.constant 0 : i32
      %cond3A_118 = arith.cmpi ne, %convert_element_type3A, %cond3A : i32
      scf.if %cond3A_118 {
        %add3A_183 = arith.constant 2 : i32
        %add3A_184 = arith.addi %mul3A_105, %add3A_183 : i32
        %dma_start3A_185 = arith.constant 0 : i32
        %dma_start3A_186 = arith.constant 0 : i32
        %dma_start3A_187 = tpu.memref_slice %arg7[%dma_start3A_185, %dma_start3A_186] : memref<8x128xi32, #tpu.memory_space<vmem>> -> memref<1x128xi32, #tpu.memory_space<vmem>>
        %dma_start3A_188 = arith.constant 0 : i32
        %dma_start3A_189 = tpu.memref_slice %arg3[%add3A, %add3A_184, %dma_start3A_188] : memref<32x80x128xi32, #tpu.memory_space<hbm>> -> memref<1x1x128xi32, #tpu.memory_space<hbm>>
        %dma_start3A_190 = tpu.memref_squeeze %dma_start3A_189 : memref<1x1x128xi32, #tpu.memory_space<hbm>> -> memref<1x128xi32, #tpu.memory_space<hbm>>
        %dma_start3A_191 = arith.constant 0 : i32
        %dma_start3A_192 = arith.constant 0 : i32
        %dma_start3A_193 = tpu.memref_slice %arg7[%dma_start3A_191, %dma_start3A_192] : memref<8x128xi32, #tpu.memory_space<vmem>> -> memref<1x128xi32, #tpu.memory_space<vmem>>
        %dma_start3A_194 = arith.constant 0 : i32
        %dma_start3A_195 = tpu.memref_slice %arg3[%add3A, %add3A_184, %dma_start3A_194] : memref<32x80x128xi32, #tpu.memory_space<hbm>> -> memref<1x1x128xi32, #tpu.memory_space<hbm>>
        %dma_start3A_196 = tpu.memref_squeeze %dma_start3A_195 : memref<1x1x128xi32, #tpu.memory_space<hbm>> -> memref<1x128xi32, #tpu.memory_space<hbm>>
        tpu.enqueue_dma source(%dma_start3A_196 : memref<1x128xi32, #tpu.memory_space<hbm>>) target(%dma_start3A_193 : memref<1x128xi32, #tpu.memory_space<vmem>>) target_semaphore(%arg12 : memref<!tpu.dma_semaphore, #tpu.memory_space<semaphore_mem>>)
      } else {
      }
      %dma_wait3A_119 = arith.constant 0 : i32
      %dma_wait3A_120 = arith.constant 0 : i32
      %dma_wait3A_121 = tpu.memref_slice %arg8[%dma_wait3A_119, %dma_wait3A_120] : memref<8x128xi32, #tpu.memory_space<vmem>> -> memref<1x128xi32, #tpu.memory_space<vmem>>
      %dma_wait3A_122 = arith.constant 0 : i32
      %dma_wait3A_123 = tpu.memref_slice %arg3[%add3A, %add3A_107, %dma_wait3A_122] : memref<32x80x128xi32, #tpu.memory_space<hbm>> -> memref<1x1x128xi32, #tpu.memory_space<hbm>>
      %dma_wait3A_124 = tpu.memref_squeeze %dma_wait3A_123 : memref<1x1x128xi32, #tpu.memory_space<hbm>> -> memref<1x128xi32, #tpu.memory_space<hbm>>
      %dma_wait3A_125 = arith.constant 0 : i32
      %dma_wait3A_126 = arith.constant 0 : i32
      %dma_wait3A_127 = tpu.memref_slice %arg8[%dma_wait3A_125, %dma_wait3A_126] : memref<8x128xi32, #tpu.memory_space<vmem>> -> memref<1x128xi32, #tpu.memory_space<vmem>>
      %dma_wait3A_128 = arith.constant 0 : i32
      %dma_wait3A_129 = tpu.memref_slice %arg3[%add3A, %add3A_107, %dma_wait3A_128] : memref<32x80x128xi32, #tpu.memory_space<hbm>> -> memref<1x1x128xi32, #tpu.memory_space<hbm>>
      %dma_wait3A_130 = tpu.memref_squeeze %dma_wait3A_129 : memref<1x1x128xi32, #tpu.memory_space<hbm>> -> memref<1x128xi32, #tpu.memory_space<hbm>>
      tpu.wait_dma2 semaphore(%arg13 : memref<!tpu.dma_semaphore, #tpu.memory_space<semaphore_mem>>) src(%dma_wait3A_130 : memref<1x128xi32, #tpu.memory_space<hbm>>) dst(%dma_wait3A_127 : memref<1x128xi32, #tpu.memory_space<vmem>>)
      %dma_start3A_131 = arith.constant 0 : i32
      %dma_start3A_132 = arith.constant 0 : i32
      %dma_start3A_133 = tpu.memref_slice %arg8[%dma_start3A_131, %dma_start3A_132] : memref<8x128xi32, #tpu.memory_space<vmem>> -> memref<1x128xi32, #tpu.memory_space<vmem>>
      %dma_start3A_134 = tpu.memref_squeeze %dma_start3A_133 : memref<1x128xi32, #tpu.memory_space<vmem>> -> memref<128xi32, #tpu.memory_space<vmem>>
      %dma_start3A_135 = arith.constant 0 : i32
      %dma_start3A_136 = arith.constant 0 : i32
      %dma_start3A_137 = tpu.memref_slice %arg2[%dma_start3A_135, %dma_start3A_136] : memref<10240x128xf32, #tpu.memory_space<hbm>> -> memref<10240x128xf32, #tpu.memory_space<hbm>>
      tpu.enqueue_indirect_dma source(%dma_start3A_137 : memref<10240x128xf32, #tpu.memory_space<hbm>>) target(%arg10 : memref<128x128xf32, #tpu.memory_space<vmem>>) offsets(%dma_start3A_134 : memref<128xi32, #tpu.memory_space<vmem>>) semaphore(%arg15 : memref<!tpu.dma_semaphore, #tpu.memory_space<semaphore_mem>>)
      %dma_start3A_138 = arith.constant 0 : i32
      %dma_start3A_139 = tpu.memref_slice %arg6[%mul3A_105, %dma_start3A_138] : memref<80x128xi32, #tpu.memory_space<vmem>> -> memref<1x128xi32, #tpu.memory_space<vmem>>
      %dma_start3A_140 = tpu.memref_squeeze %dma_start3A_139 : memref<1x128xi32, #tpu.memory_space<vmem>> -> memref<128xi32, #tpu.memory_space<vmem>>
      %dma_start3A_141 = arith.constant 0 : i32
      %dma_start3A_142 = arith.constant 0 : i32
      %dma_start3A_143 = tpu.memref_slice %arg11[%dma_start3A_141, %dma_start3A_142] : memref<10240x128xf32, #tpu.memory_space<vmem_shared>> -> memref<10240x128xf32, #tpu.memory_space<vmem_shared>>
      tpu.enqueue_indirect_dma source(%arg9 : memref<128x128xf32, #tpu.memory_space<vmem>>) target(%dma_start3A_143 : memref<10240x128xf32, #tpu.memory_space<vmem_shared>>) offsets(%dma_start3A_140 : memref<128xi32, #tpu.memory_space<vmem>>) semaphore(%arg16 : memref<!tpu.dma_semaphore, #tpu.memory_space<semaphore_mem>>) {add = true}
      %dma_wait3A_144 = arith.constant 0 : i32
      %dma_wait3A_145 = tpu.memref_slice %arg6[%mul3A_105, %dma_wait3A_144] : memref<80x128xi32, #tpu.memory_space<vmem>> -> memref<1x128xi32, #tpu.memory_space<vmem>>
      %dma_wait3A_146 = tpu.memref_squeeze %dma_wait3A_145 : memref<1x128xi32, #tpu.memory_space<vmem>> -> memref<128xi32, #tpu.memory_space<vmem>>
      %dma_wait3A_147 = arith.constant 0 : i32
      %dma_wait3A_148 = arith.constant 0 : i32
      %dma_wait3A_149 = tpu.memref_slice %arg11[%dma_wait3A_147, %dma_wait3A_148] : memref<10240x128xf32, #tpu.memory_space<vmem_shared>> -> memref<10240x128xf32, #tpu.memory_space<vmem_shared>>
      tpu.wait_indirect_dma semaphore(%arg16 : memref<!tpu.dma_semaphore, #tpu.memory_space<semaphore_mem>>) src(%arg9 : memref<128x128xf32, #tpu.memory_space<vmem>>) dst(%dma_wait3A_149 : memref<10240x128xf32, #tpu.memory_space<vmem_shared>>)
      %dma_wait3A_150 = arith.constant 0 : i32
      %dma_wait3A_151 = arith.constant 0 : i32
      %dma_wait3A_152 = tpu.memref_slice %arg8[%dma_wait3A_150, %dma_wait3A_151] : memref<8x128xi32, #tpu.memory_space<vmem>> -> memref<1x128xi32, #tpu.memory_space<vmem>>
      %dma_wait3A_153 = tpu.memref_squeeze %dma_wait3A_152 : memref<1x128xi32, #tpu.memory_space<vmem>> -> memref<128xi32, #tpu.memory_space<vmem>>
      %dma_wait3A_154 = arith.constant 0 : i32
      %dma_wait3A_155 = arith.constant 0 : i32
      %dma_wait3A_156 = tpu.memref_slice %arg2[%dma_wait3A_154, %dma_wait3A_155] : memref<10240x128xf32, #tpu.memory_space<hbm>> -> memref<10240x128xf32, #tpu.memory_space<hbm>>
      tpu.wait_indirect_dma semaphore(%arg15 : memref<!tpu.dma_semaphore, #tpu.memory_space<semaphore_mem>>) src(%dma_wait3A_156 : memref<10240x128xf32, #tpu.memory_space<hbm>>) dst(%arg10 : memref<128x128xf32, #tpu.memory_space<vmem>>)
      %add3A_157 = arith.constant 2 : i32
      %add3A_158 = arith.addi %add3A_107, %add3A_157 : i32
      %lt3A_159 = arith.constant 80 : i32
      %lt3A_160 = arith.cmpi slt, %add3A_158, %lt3A_159 : i32
      %convert_element_type3A_161 = arith.extui %lt3A_160 : i1 to i32
      %cond3A_162 = arith.constant 0 : i32
      %cond3A_163 = arith.cmpi ne, %convert_element_type3A_161, %cond3A_162 : i32
      scf.if %cond3A_163 {
        %add3A_183 = arith.constant 2 : i32
        %add3A_184 = arith.addi %add3A_107, %add3A_183 : i32
        %dma_start3A_185 = arith.constant 0 : i32
        %dma_start3A_186 = arith.constant 0 : i32
        %dma_start3A_187 = tpu.memref_slice %arg8[%dma_start3A_185, %dma_start3A_186] : memref<8x128xi32, #tpu.memory_space<vmem>> -> memref<1x128xi32, #tpu.memory_space<vmem>>
        %dma_start3A_188 = arith.constant 0 : i32
        %dma_start3A_189 = tpu.memref_slice %arg3[%add3A, %add3A_184, %dma_start3A_188] : memref<32x80x128xi32, #tpu.memory_space<hbm>> -> memref<1x1x128xi32, #tpu.memory_space<hbm>>
        %dma_start3A_190 = tpu.memref_squeeze %dma_start3A_189 : memref<1x1x128xi32, #tpu.memory_space<hbm>> -> memref<1x128xi32, #tpu.memory_space<hbm>>
        %dma_start3A_191 = arith.constant 0 : i32
        %dma_start3A_192 = arith.constant 0 : i32
        %dma_start3A_193 = tpu.memref_slice %arg8[%dma_start3A_191, %dma_start3A_192] : memref<8x128xi32, #tpu.memory_space<vmem>> -> memref<1x128xi32, #tpu.memory_space<vmem>>
        %dma_start3A_194 = arith.constant 0 : i32
        %dma_start3A_195 = tpu.memref_slice %arg3[%add3A, %add3A_184, %dma_start3A_194] : memref<32x80x128xi32, #tpu.memory_space<hbm>> -> memref<1x1x128xi32, #tpu.memory_space<hbm>>
        %dma_start3A_196 = tpu.memref_squeeze %dma_start3A_195 : memref<1x1x128xi32, #tpu.memory_space<hbm>> -> memref<1x128xi32, #tpu.memory_space<hbm>>
        tpu.enqueue_dma source(%dma_start3A_196 : memref<1x128xi32, #tpu.memory_space<hbm>>) target(%dma_start3A_193 : memref<1x128xi32, #tpu.memory_space<vmem>>) target_semaphore(%arg13 : memref<!tpu.dma_semaphore, #tpu.memory_space<semaphore_mem>>)
      } else {
      }
      %add3A_164 = arith.constant 2 : i32
      %add3A_165 = arith.addi %mul3A_105, %add3A_164 : i32
      %lt3A_166 = arith.constant 80 : i32
      %lt3A_167 = arith.cmpi slt, %add3A_165, %lt3A_166 : i32
      %convert_element_type3A_168 = arith.extui %lt3A_167 : i1 to i32
      %cond3A_169 = arith.constant 0 : i32
      %cond3A_170 = arith.cmpi ne, %convert_element_type3A_168, %cond3A_169 : i32
      scf.if %cond3A_170 {
        %add3A_183 = arith.constant 2 : i32
        %add3A_184 = arith.addi %mul3A_105, %add3A_183 : i32
        %dma_wait3A_185 = arith.constant 0 : i32
        %dma_wait3A_186 = arith.constant 0 : i32
        %dma_wait3A_187 = tpu.memref_slice %arg7[%dma_wait3A_185, %dma_wait3A_186] : memref<8x128xi32, #tpu.memory_space<vmem>> -> memref<1x128xi32, #tpu.memory_space<vmem>>
        %dma_wait3A_188 = arith.constant 0 : i32
        %dma_wait3A_189 = tpu.memref_slice %arg3[%add3A, %add3A_184, %dma_wait3A_188] : memref<32x80x128xi32, #tpu.memory_space<hbm>> -> memref<1x1x128xi32, #tpu.memory_space<hbm>>
        %dma_wait3A_190 = tpu.memref_squeeze %dma_wait3A_189 : memref<1x1x128xi32, #tpu.memory_space<hbm>> -> memref<1x128xi32, #tpu.memory_space<hbm>>
        %dma_wait3A_191 = arith.constant 0 : i32
        %dma_wait3A_192 = arith.constant 0 : i32
        %dma_wait3A_193 = tpu.memref_slice %arg7[%dma_wait3A_191, %dma_wait3A_192] : memref<8x128xi32, #tpu.memory_space<vmem>> -> memref<1x128xi32, #tpu.memory_space<vmem>>
        %dma_wait3A_194 = arith.constant 0 : i32
        %dma_wait3A_195 = tpu.memref_slice %arg3[%add3A, %add3A_184, %dma_wait3A_194] : memref<32x80x128xi32, #tpu.memory_space<hbm>> -> memref<1x1x128xi32, #tpu.memory_space<hbm>>
        %dma_wait3A_196 = tpu.memref_squeeze %dma_wait3A_195 : memref<1x1x128xi32, #tpu.memory_space<hbm>> -> memref<1x128xi32, #tpu.memory_space<hbm>>
        tpu.wait_dma2 semaphore(%arg12 : memref<!tpu.dma_semaphore, #tpu.memory_space<semaphore_mem>>) src(%dma_wait3A_196 : memref<1x128xi32, #tpu.memory_space<hbm>>) dst(%dma_wait3A_193 : memref<1x128xi32, #tpu.memory_space<vmem>>)
        %add3A_197 = arith.constant 2 : i32
        %add3A_198 = arith.addi %mul3A_105, %add3A_197 : i32
        %dma_start3A_199 = arith.constant 0 : i32
        %dma_start3A_200 = arith.constant 0 : i32
        %dma_start3A_201 = tpu.memref_slice %arg7[%dma_start3A_199, %dma_start3A_200] : memref<8x128xi32, #tpu.memory_space<vmem>> -> memref<1x128xi32, #tpu.memory_space<vmem>>
        %dma_start3A_202 = tpu.memref_squeeze %dma_start3A_201 : memref<1x128xi32, #tpu.memory_space<vmem>> -> memref<128xi32, #tpu.memory_space<vmem>>
        %dma_start3A_203 = arith.constant 0 : i32
        %dma_start3A_204 = arith.constant 0 : i32
        %dma_start3A_205 = tpu.memref_slice %arg2[%dma_start3A_203, %dma_start3A_204] : memref<10240x128xf32, #tpu.memory_space<hbm>> -> memref<10240x128xf32, #tpu.memory_space<hbm>>
        tpu.enqueue_indirect_dma source(%dma_start3A_205 : memref<10240x128xf32, #tpu.memory_space<hbm>>) target(%arg9 : memref<128x128xf32, #tpu.memory_space<vmem>>) offsets(%dma_start3A_202 : memref<128xi32, #tpu.memory_space<vmem>>) semaphore(%arg14 : memref<!tpu.dma_semaphore, #tpu.memory_space<semaphore_mem>>)
      } else {
      }
      %dma_start3A_171 = arith.constant 0 : i32
      %dma_start3A_172 = tpu.memref_slice %arg6[%add3A_107, %dma_start3A_171] : memref<80x128xi32, #tpu.memory_space<vmem>> -> memref<1x128xi32, #tpu.memory_space<vmem>>
      %dma_start3A_173 = tpu.memref_squeeze %dma_start3A_172 : memref<1x128xi32, #tpu.memory_space<vmem>> -> memref<128xi32, #tpu.memory_space<vmem>>
      %dma_start3A_174 = arith.constant 0 : i32
      %dma_start3A_175 = arith.constant 0 : i32
      %dma_start3A_176 = tpu.memref_slice %arg11[%dma_start3A_174, %dma_start3A_175] : memref<10240x128xf32, #tpu.memory_space<vmem_shared>> -> memref<10240x128xf32, #tpu.memory_space<vmem_shared>>
      tpu.enqueue_indirect_dma source(%arg10 : memref<128x128xf32, #tpu.memory_space<vmem>>) target(%dma_start3A_176 : memref<10240x128xf32, #tpu.memory_space<vmem_shared>>) offsets(%dma_start3A_173 : memref<128xi32, #tpu.memory_space<vmem>>) semaphore(%arg17 : memref<!tpu.dma_semaphore, #tpu.memory_space<semaphore_mem>>) {add = true}
      %dma_wait3A_177 = arith.constant 0 : i32
      %dma_wait3A_178 = tpu.memref_slice %arg6[%add3A_107, %dma_wait3A_177] : memref<80x128xi32, #tpu.memory_space<vmem>> -> memref<1x128xi32, #tpu.memory_space<vmem>>
      %dma_wait3A_179 = tpu.memref_squeeze %dma_wait3A_178 : memref<1x128xi32, #tpu.memory_space<vmem>> -> memref<128xi32, #tpu.memory_space<vmem>>
      %dma_wait3A_180 = arith.constant 0 : i32
      %dma_wait3A_181 = arith.constant 0 : i32
      %dma_wait3A_182 = tpu.memref_slice %arg11[%dma_wait3A_180, %dma_wait3A_181] : memref<10240x128xf32, #tpu.memory_space<vmem_shared>> -> memref<10240x128xf32, #tpu.memory_space<vmem_shared>>
      tpu.wait_indirect_dma semaphore(%arg17 : memref<!tpu.dma_semaphore, #tpu.memory_space<semaphore_mem>>) src(%arg10 : memref<128x128xf32, #tpu.memory_space<vmem>>) dst(%dma_wait3A_182 : memref<10240x128xf32, #tpu.memory_space<vmem_shared>>)
    }
    %scan3A_77 = arith.constant 40 : i32
    %barrier3A_78 = arith.constant 0 : index
    tpu.barrier barrier_id(%barrier3A_78)
    %mul3A_79 = arith.constant 640 : i32
    %mul3A_80 = arith.muli %arg1, %mul3A_79 : i32
    %add3A_81 = arith.constant 0 : i32
    %add3A_82 = arith.addi %mul3A_80, %add3A_81 : i32
    "tpu.region"() ({
      %run_scoped3A = tpu.sem_alloc : memref<!tpu.dma_semaphore, #tpu.memory_space<semaphore_mem>>
      %dma_start3A_99 = arith.constant 0 : i32
      %dma_start3A_100 = tpu.memref_slice %arg11[%add3A_82, %dma_start3A_99] : memref<10240x128xf32, #tpu.memory_space<vmem_shared>> -> memref<128x128xf32, #tpu.memory_space<vmem_shared>>
      %dma_start3A_101 = arith.constant 0 : i32
      %dma_start3A_102 = tpu.memref_slice %arg11[%add3A_82, %dma_start3A_101] : memref<10240x128xf32, #tpu.memory_space<vmem_shared>> -> memref<128x128xf32, #tpu.memory_space<vmem_shared>>
      tpu.enqueue_dma source(%dma_start3A_102 : memref<128x128xf32, #tpu.memory_space<vmem_shared>>) target(%arg9 : memref<128x128xf32, #tpu.memory_space<vmem>>) target_semaphore(%run_scoped3A : memref<!tpu.dma_semaphore, #tpu.memory_space<semaphore_mem>>)
      %dma_wait3A_103 = arith.constant 0 : i32
      %dma_wait3A_104 = tpu.memref_slice %arg11[%add3A_82, %dma_wait3A_103] : memref<10240x128xf32, #tpu.memory_space<vmem_shared>> -> memref<128x128xf32, #tpu.memory_space<vmem_shared>>
      %dma_wait3A_105 = arith.constant 0 : i32
      %dma_wait3A_106 = tpu.memref_slice %arg11[%add3A_82, %dma_wait3A_105] : memref<10240x128xf32, #tpu.memory_space<vmem_shared>> -> memref<128x128xf32, #tpu.memory_space<vmem_shared>>
      tpu.wait_dma2 semaphore(%run_scoped3A : memref<!tpu.dma_semaphore, #tpu.memory_space<semaphore_mem>>) src(%dma_wait3A_106 : memref<128x128xf32, #tpu.memory_space<vmem_shared>>) dst(%arg9 : memref<128x128xf32, #tpu.memory_space<vmem>>)
      tpu.yield
    }) : () -> ()
    "tpu.region"() ({
      %run_scoped3A = tpu.sem_alloc : memref<!tpu.dma_semaphore, #tpu.memory_space<semaphore_mem>>
      %dma_start3A_99 = arith.constant 0 : i32
      %dma_start3A_100 = tpu.memref_slice %arg5[%arg0, %add3A_82, %dma_start3A_99] : memref<2x10240x128xf32, #tpu.memory_space<hbm>> -> memref<1x128x128xf32, #tpu.memory_space<hbm>>
      %dma_start3A_101 = tpu.memref_squeeze %dma_start3A_100 : memref<1x128x128xf32, #tpu.memory_space<hbm>> -> memref<128x128xf32, #tpu.memory_space<hbm>>
      %dma_start3A_102 = arith.constant 0 : i32
      %dma_start3A_103 = tpu.memref_slice %arg5[%arg0, %add3A_82, %dma_start3A_102] : memref<2x10240x128xf32, #tpu.memory_space<hbm>> -> memref<1x128x128xf32, #tpu.memory_space<hbm>>
      %dma_start3A_104 = tpu.memref_squeeze %dma_start3A_103 : memref<1x128x128xf32, #tpu.memory_space<hbm>> -> memref<128x128xf32, #tpu.memory_space<hbm>>
      tpu.enqueue_dma source(%arg9 : memref<128x128xf32, #tpu.memory_space<vmem>>) target(%dma_start3A_104 : memref<128x128xf32, #tpu.memory_space<hbm>>) target_semaphore(%run_scoped3A : memref<!tpu.dma_semaphore, #tpu.memory_space<semaphore_mem>>)
      %dma_wait3A_105 = arith.constant 0 : i32
      %dma_wait3A_106 = tpu.memref_slice %arg5[%arg0, %add3A_82, %dma_wait3A_105] : memref<2x10240x128xf32, #tpu.memory_space<hbm>> -> memref<1x128x128xf32, #tpu.memory_space<hbm>>
      %dma_wait3A_107 = tpu.memref_squeeze %dma_wait3A_106 : memref<1x128x128xf32, #tpu.memory_space<hbm>> -> memref<128x128xf32, #tpu.memory_space<hbm>>
      %dma_wait3A_108 = arith.constant 0 : i32
      %dma_wait3A_109 = tpu.memref_slice %arg5[%arg0, %add3A_82, %dma_wait3A_108] : memref<2x10240x128xf32, #tpu.memory_space<hbm>> -> memref<1x128x128xf32, #tpu.memory_space<hbm>>
      %dma_wait3A_110 = tpu.memref_squeeze %dma_wait3A_109 : memref<1x128x128xf32, #tpu.memory_space<hbm>> -> memref<128x128xf32, #tpu.memory_space<hbm>>
      tpu.wait_dma2 semaphore(%run_scoped3A : memref<!tpu.dma_semaphore, #tpu.memory_space<semaphore_mem>>) src(%arg9 : memref<128x128xf32, #tpu.memory_space<vmem>>) dst(%dma_wait3A_110 : memref<128x128xf32, #tpu.memory_space<hbm>>)
      tpu.yield
    }) : () -> ()
    %mul3A_83 = arith.constant 640 : i32
    %mul3A_84 = arith.muli %arg1, %mul3A_83 : i32
    %add3A_85 = arith.constant 128 : i32
    %add3A_86 = arith.addi %mul3A_84, %add3A_85 : i32
    "tpu.region"() ({
      %run_scoped3A = tpu.sem_alloc : memref<!tpu.dma_semaphore, #tpu.memory_space<semaphore_mem>>
      %dma_start3A_99 = arith.constant 0 : i32
      %dma_start3A_100 = tpu.memref_slice %arg11[%add3A_86, %dma_start3A_99] : memref<10240x128xf32, #tpu.memory_space<vmem_shared>> -> memref<128x128xf32, #tpu.memory_space<vmem_shared>>
      %dma_start3A_101 = arith.constant 0 : i32
      %dma_start3A_102 = tpu.memref_slice %arg11[%add3A_86, %dma_start3A_101] : memref<10240x128xf32, #tpu.memory_space<vmem_shared>> -> memref<128x128xf32, #tpu.memory_space<vmem_shared>>
      tpu.enqueue_dma source(%dma_start3A_102 : memref<128x128xf32, #tpu.memory_space<vmem_shared>>) target(%arg9 : memref<128x128xf32, #tpu.memory_space<vmem>>) target_semaphore(%run_scoped3A : memref<!tpu.dma_semaphore, #tpu.memory_space<semaphore_mem>>)
      %dma_wait3A_103 = arith.constant 0 : i32
      %dma_wait3A_104 = tpu.memref_slice %arg11[%add3A_86, %dma_wait3A_103] : memref<10240x128xf32, #tpu.memory_space<vmem_shared>> -> memref<128x128xf32, #tpu.memory_space<vmem_shared>>
      %dma_wait3A_105 = arith.constant 0 : i32
      %dma_wait3A_106 = tpu.memref_slice %arg11[%add3A_86, %dma_wait3A_105] : memref<10240x128xf32, #tpu.memory_space<vmem_shared>> -> memref<128x128xf32, #tpu.memory_space<vmem_shared>>
      tpu.wait_dma2 semaphore(%run_scoped3A : memref<!tpu.dma_semaphore, #tpu.memory_space<semaphore_mem>>) src(%dma_wait3A_106 : memref<128x128xf32, #tpu.memory_space<vmem_shared>>) dst(%arg9 : memref<128x128xf32, #tpu.memory_space<vmem>>)
      tpu.yield
    }) : () -> ()
    "tpu.region"() ({
      %run_scoped3A = tpu.sem_alloc : memref<!tpu.dma_semaphore, #tpu.memory_space<semaphore_mem>>
      %dma_start3A_99 = arith.constant 0 : i32
      %dma_start3A_100 = tpu.memref_slice %arg5[%arg0, %add3A_86, %dma_start3A_99] : memref<2x10240x128xf32, #tpu.memory_space<hbm>> -> memref<1x128x128xf32, #tpu.memory_space<hbm>>
      %dma_start3A_101 = tpu.memref_squeeze %dma_start3A_100 : memref<1x128x128xf32, #tpu.memory_space<hbm>> -> memref<128x128xf32, #tpu.memory_space<hbm>>
      %dma_start3A_102 = arith.constant 0 : i32
      %dma_start3A_103 = tpu.memref_slice %arg5[%arg0, %add3A_86, %dma_start3A_102] : memref<2x10240x128xf32, #tpu.memory_space<hbm>> -> memref<1x128x128xf32, #tpu.memory_space<hbm>>
      %dma_start3A_104 = tpu.memref_squeeze %dma_start3A_103 : memref<1x128x128xf32, #tpu.memory_space<hbm>> -> memref<128x128xf32, #tpu.memory_space<hbm>>
      tpu.enqueue_dma source(%arg9 : memref<128x128xf32, #tpu.memory_space<vmem>>) target(%dma_start3A_104 : memref<128x128xf32, #tpu.memory_space<hbm>>) target_semaphore(%run_scoped3A : memref<!tpu.dma_semaphore, #tpu.memory_space<semaphore_mem>>)
      %dma_wait3A_105 = arith.constant 0 : i32
      %dma_wait3A_106 = tpu.memref_slice %arg5[%arg0, %add3A_86, %dma_wait3A_105] : memref<2x10240x128xf32, #tpu.memory_space<hbm>> -> memref<1x128x128xf32, #tpu.memory_space<hbm>>
      %dma_wait3A_107 = tpu.memref_squeeze %dma_wait3A_106 : memref<1x128x128xf32, #tpu.memory_space<hbm>> -> memref<128x128xf32, #tpu.memory_space<hbm>>
      %dma_wait3A_108 = arith.constant 0 : i32
      %dma_wait3A_109 = tpu.memref_slice %arg5[%arg0, %add3A_86, %dma_wait3A_108] : memref<2x10240x128xf32, #tpu.memory_space<hbm>> -> memref<1x128x128xf32, #tpu.memory_space<hbm>>
      %dma_wait3A_110 = tpu.memref_squeeze %dma_wait3A_109 : memref<1x128x128xf32, #tpu.memory_space<hbm>> -> memref<128x128xf32, #tpu.memory_space<hbm>>
      tpu.wait_dma2 semaphore(%run_scoped3A : memref<!tpu.dma_semaphore, #tpu.memory_space<semaphore_mem>>) src(%arg9 : memref<128x128xf32, #tpu.memory_space<vmem>>) dst(%dma_wait3A_110 : memref<128x128xf32, #tpu.memory_space<hbm>>)
      tpu.yield
    }) : () -> ()
    %mul3A_87 = arith.constant 640 : i32
    %mul3A_88 = arith.muli %arg1, %mul3A_87 : i32
    %add3A_89 = arith.constant 256 : i32
    %add3A_90 = arith.addi %mul3A_88, %add3A_89 : i32
    "tpu.region"() ({
      %run_scoped3A = tpu.sem_alloc : memref<!tpu.dma_semaphore, #tpu.memory_space<semaphore_mem>>
      %dma_start3A_99 = arith.constant 0 : i32
      %dma_start3A_100 = tpu.memref_slice %arg11[%add3A_90, %dma_start3A_99] : memref<10240x128xf32, #tpu.memory_space<vmem_shared>> -> memref<128x128xf32, #tpu.memory_space<vmem_shared>>
      %dma_start3A_101 = arith.constant 0 : i32
      %dma_start3A_102 = tpu.memref_slice %arg11[%add3A_90, %dma_start3A_101] : memref<10240x128xf32, #tpu.memory_space<vmem_shared>> -> memref<128x128xf32, #tpu.memory_space<vmem_shared>>
      tpu.enqueue_dma source(%dma_start3A_102 : memref<128x128xf32, #tpu.memory_space<vmem_shared>>) target(%arg9 : memref<128x128xf32, #tpu.memory_space<vmem>>) target_semaphore(%run_scoped3A : memref<!tpu.dma_semaphore, #tpu.memory_space<semaphore_mem>>)
      %dma_wait3A_103 = arith.constant 0 : i32
      %dma_wait3A_104 = tpu.memref_slice %arg11[%add3A_90, %dma_wait3A_103] : memref<10240x128xf32, #tpu.memory_space<vmem_shared>> -> memref<128x128xf32, #tpu.memory_space<vmem_shared>>
      %dma_wait3A_105 = arith.constant 0 : i32
      %dma_wait3A_106 = tpu.memref_slice %arg11[%add3A_90, %dma_wait3A_105] : memref<10240x128xf32, #tpu.memory_space<vmem_shared>> -> memref<128x128xf32, #tpu.memory_space<vmem_shared>>
      tpu.wait_dma2 semaphore(%run_scoped3A : memref<!tpu.dma_semaphore, #tpu.memory_space<semaphore_mem>>) src(%dma_wait3A_106 : memref<128x128xf32, #tpu.memory_space<vmem_shared>>) dst(%arg9 : memref<128x128xf32, #tpu.memory_space<vmem>>)
      tpu.yield
    }) : () -> ()
    "tpu.region"() ({
      %run_scoped3A = tpu.sem_alloc : memref<!tpu.dma_semaphore, #tpu.memory_space<semaphore_mem>>
      %dma_start3A_99 = arith.constant 0 : i32
      %dma_start3A_100 = tpu.memref_slice %arg5[%arg0, %add3A_90, %dma_start3A_99] : memref<2x10240x128xf32, #tpu.memory_space<hbm>> -> memref<1x128x128xf32, #tpu.memory_space<hbm>>
      %dma_start3A_101 = tpu.memref_squeeze %dma_start3A_100 : memref<1x128x128xf32, #tpu.memory_space<hbm>> -> memref<128x128xf32, #tpu.memory_space<hbm>>
      %dma_start3A_102 = arith.constant 0 : i32
      %dma_start3A_103 = tpu.memref_slice %arg5[%arg0, %add3A_90, %dma_start3A_102] : memref<2x10240x128xf32, #tpu.memory_space<hbm>> -> memref<1x128x128xf32, #tpu.memory_space<hbm>>
      %dma_start3A_104 = tpu.memref_squeeze %dma_start3A_103 : memref<1x128x128xf32, #tpu.memory_space<hbm>> -> memref<128x128xf32, #tpu.memory_space<hbm>>
      tpu.enqueue_dma source(%arg9 : memref<128x128xf32, #tpu.memory_space<vmem>>) target(%dma_start3A_104 : memref<128x128xf32, #tpu.memory_space<hbm>>) target_semaphore(%run_scoped3A : memref<!tpu.dma_semaphore, #tpu.memory_space<semaphore_mem>>)
      %dma_wait3A_105 = arith.constant 0 : i32
      %dma_wait3A_106 = tpu.memref_slice %arg5[%arg0, %add3A_90, %dma_wait3A_105] : memref<2x10240x128xf32, #tpu.memory_space<hbm>> -> memref<1x128x128xf32, #tpu.memory_space<hbm>>
      %dma_wait3A_107 = tpu.memref_squeeze %dma_wait3A_106 : memref<1x128x128xf32, #tpu.memory_space<hbm>> -> memref<128x128xf32, #tpu.memory_space<hbm>>
      %dma_wait3A_108 = arith.constant 0 : i32
      %dma_wait3A_109 = tpu.memref_slice %arg5[%arg0, %add3A_90, %dma_wait3A_108] : memref<2x10240x128xf32, #tpu.memory_space<hbm>> -> memref<1x128x128xf32, #tpu.memory_space<hbm>>
      %dma_wait3A_110 = tpu.memref_squeeze %dma_wait3A_109 : memref<1x128x128xf32, #tpu.memory_space<hbm>> -> memref<128x128xf32, #tpu.memory_space<hbm>>
      tpu.wait_dma2 semaphore(%run_scoped3A : memref<!tpu.dma_semaphore, #tpu.memory_space<semaphore_mem>>) src(%arg9 : memref<128x128xf32, #tpu.memory_space<vmem>>) dst(%dma_wait3A_110 : memref<128x128xf32, #tpu.memory_space<hbm>>)
      tpu.yield
    }) : () -> ()
    %mul3A_91 = arith.constant 640 : i32
    %mul3A_92 = arith.muli %arg1, %mul3A_91 : i32
    %add3A_93 = arith.constant 384 : i32
    %add3A_94 = arith.addi %mul3A_92, %add3A_93 : i32
    "tpu.region"() ({
      %run_scoped3A = tpu.sem_alloc : memref<!tpu.dma_semaphore, #tpu.memory_space<semaphore_mem>>
      %dma_start3A_99 = arith.constant 0 : i32
      %dma_start3A_100 = tpu.memref_slice %arg11[%add3A_94, %dma_start3A_99] : memref<10240x128xf32, #tpu.memory_space<vmem_shared>> -> memref<128x128xf32, #tpu.memory_space<vmem_shared>>
      %dma_start3A_101 = arith.constant 0 : i32
      %dma_start3A_102 = tpu.memref_slice %arg11[%add3A_94, %dma_start3A_101] : memref<10240x128xf32, #tpu.memory_space<vmem_shared>> -> memref<128x128xf32, #tpu.memory_space<vmem_shared>>
      tpu.enqueue_dma source(%dma_start3A_102 : memref<128x128xf32, #tpu.memory_space<vmem_shared>>) target(%arg9 : memref<128x128xf32, #tpu.memory_space<vmem>>) target_semaphore(%run_scoped3A : memref<!tpu.dma_semaphore, #tpu.memory_space<semaphore_mem>>)
      %dma_wait3A_103 = arith.constant 0 : i32
      %dma_wait3A_104 = tpu.memref_slice %arg11[%add3A_94, %dma_wait3A_103] : memref<10240x128xf32, #tpu.memory_space<vmem_shared>> -> memref<128x128xf32, #tpu.memory_space<vmem_shared>>
      %dma_wait3A_105 = arith.constant 0 : i32
      %dma_wait3A_106 = tpu.memref_slice %arg11[%add3A_94, %dma_wait3A_105] : memref<10240x128xf32, #tpu.memory_space<vmem_shared>> -> memref<128x128xf32, #tpu.memory_space<vmem_shared>>
      tpu.wait_dma2 semaphore(%run_scoped3A : memref<!tpu.dma_semaphore, #tpu.memory_space<semaphore_mem>>) src(%dma_wait3A_106 : memref<128x128xf32, #tpu.memory_space<vmem_shared>>) dst(%arg9 : memref<128x128xf32, #tpu.memory_space<vmem>>)
      tpu.yield
    }) : () -> ()
    "tpu.region"() ({
      %run_scoped3A = tpu.sem_alloc : memref<!tpu.dma_semaphore, #tpu.memory_space<semaphore_mem>>
      %dma_start3A_99 = arith.constant 0 : i32
      %dma_start3A_100 = tpu.memref_slice %arg5[%arg0, %add3A_94, %dma_start3A_99] : memref<2x10240x128xf32, #tpu.memory_space<hbm>> -> memref<1x128x128xf32, #tpu.memory_space<hbm>>
      %dma_start3A_101 = tpu.memref_squeeze %dma_start3A_100 : memref<1x128x128xf32, #tpu.memory_space<hbm>> -> memref<128x128xf32, #tpu.memory_space<hbm>>
      %dma_start3A_102 = arith.constant 0 : i32
      %dma_start3A_103 = tpu.memref_slice %arg5[%arg0, %add3A_94, %dma_start3A_102] : memref<2x10240x128xf32, #tpu.memory_space<hbm>> -> memref<1x128x128xf32, #tpu.memory_space<hbm>>
      %dma_start3A_104 = tpu.memref_squeeze %dma_start3A_103 : memref<1x128x128xf32, #tpu.memory_space<hbm>> -> memref<128x128xf32, #tpu.memory_space<hbm>>
      tpu.enqueue_dma source(%arg9 : memref<128x128xf32, #tpu.memory_space<vmem>>) target(%dma_start3A_104 : memref<128x128xf32, #tpu.memory_space<hbm>>) target_semaphore(%run_scoped3A : memref<!tpu.dma_semaphore, #tpu.memory_space<semaphore_mem>>)
      %dma_wait3A_105 = arith.constant 0 : i32
      %dma_wait3A_106 = tpu.memref_slice %arg5[%arg0, %add3A_94, %dma_wait3A_105] : memref<2x10240x128xf32, #tpu.memory_space<hbm>> -> memref<1x128x128xf32, #tpu.memory_space<hbm>>
      %dma_wait3A_107 = tpu.memref_squeeze %dma_wait3A_106 : memref<1x128x128xf32, #tpu.memory_space<hbm>> -> memref<128x128xf32, #tpu.memory_space<hbm>>
      %dma_wait3A_108 = arith.constant 0 : i32
      %dma_wait3A_109 = tpu.memref_slice %arg5[%arg0, %add3A_94, %dma_wait3A_108] : memref<2x10240x128xf32, #tpu.memory_space<hbm>> -> memref<1x128x128xf32, #tpu.memory_space<hbm>>
      %dma_wait3A_110 = tpu.memref_squeeze %dma_wait3A_109 : memref<1x128x128xf32, #tpu.memory_space<hbm>> -> memref<128x128xf32, #tpu.memory_space<hbm>>
      tpu.wait_dma2 semaphore(%run_scoped3A : memref<!tpu.dma_semaphore, #tpu.memory_space<semaphore_mem>>) src(%arg9 : memref<128x128xf32, #tpu.memory_space<vmem>>) dst(%dma_wait3A_110 : memref<128x128xf32, #tpu.memory_space<hbm>>)
      tpu.yield
    }) : () -> ()
    %mul3A_95 = arith.constant 640 : i32
    %mul3A_96 = arith.muli %arg1, %mul3A_95 : i32
    %add3A_97 = arith.constant 512 : i32
    %add3A_98 = arith.addi %mul3A_96, %add3A_97 : i32
    "tpu.region"() ({
      %run_scoped3A = tpu.sem_alloc : memref<!tpu.dma_semaphore, #tpu.memory_space<semaphore_mem>>
      %dma_start3A_99 = arith.constant 0 : i32
      %dma_start3A_100 = tpu.memref_slice %arg11[%add3A_98, %dma_start3A_99] : memref<10240x128xf32, #tpu.memory_space<vmem_shared>> -> memref<128x128xf32, #tpu.memory_space<vmem_shared>>
      %dma_start3A_101 = arith.constant 0 : i32
      %dma_start3A_102 = tpu.memref_slice %arg11[%add3A_98, %dma_start3A_101] : memref<10240x128xf32, #tpu.memory_space<vmem_shared>> -> memref<128x128xf32, #tpu.memory_space<vmem_shared>>
      tpu.enqueue_dma source(%dma_start3A_102 : memref<128x128xf32, #tpu.memory_space<vmem_shared>>) target(%arg9 : memref<128x128xf32, #tpu.memory_space<vmem>>) target_semaphore(%run_scoped3A : memref<!tpu.dma_semaphore, #tpu.memory_space<semaphore_mem>>)
      %dma_wait3A_103 = arith.constant 0 : i32
      %dma_wait3A_104 = tpu.memref_slice %arg11[%add3A_98, %dma_wait3A_103] : memref<10240x128xf32, #tpu.memory_space<vmem_shared>> -> memref<128x128xf32, #tpu.memory_space<vmem_shared>>
      %dma_wait3A_105 = arith.constant 0 : i32
      %dma_wait3A_106 = tpu.memref_slice %arg11[%add3A_98, %dma_wait3A_105] : memref<10240x128xf32, #tpu.memory_space<vmem_shared>> -> memref<128x128xf32, #tpu.memory_space<vmem_shared>>
      tpu.wait_dma2 semaphore(%run_scoped3A : memref<!tpu.dma_semaphore, #tpu.memory_space<semaphore_mem>>) src(%dma_wait3A_106 : memref<128x128xf32, #tpu.memory_space<vmem_shared>>) dst(%arg9 : memref<128x128xf32, #tpu.memory_space<vmem>>)
      tpu.yield
    }) : () -> ()
    "tpu.region"() ({
      %run_scoped3A = tpu.sem_alloc : memref<!tpu.dma_semaphore, #tpu.memory_space<semaphore_mem>>
      %dma_start3A_99 = arith.constant 0 : i32
      %dma_start3A_100 = tpu.memref_slice %arg5[%arg0, %add3A_98, %dma_start3A_99] : memref<2x10240x128xf32, #tpu.memory_space<hbm>> -> memref<1x128x128xf32, #tpu.memory_space<hbm>>
      %dma_start3A_101 = tpu.memref_squeeze %dma_start3A_100 : memref<1x128x128xf32, #tpu.memory_space<hbm>> -> memref<128x128xf32, #tpu.memory_space<hbm>>
      %dma_start3A_102 = arith.constant 0 : i32
      %dma_start3A_103 = tpu.memref_slice %arg5[%arg0, %add3A_98, %dma_start3A_102] : memref<2x10240x128xf32, #tpu.memory_space<hbm>> -> memref<1x128x128xf32, #tpu.memory_space<hbm>>
      %dma_start3A_104 = tpu.memref_squeeze %dma_start3A_103 : memref<1x128x128xf32, #tpu.memory_space<hbm>> -> memref<128x128xf32, #tpu.memory_space<hbm>>
      tpu.enqueue_dma source(%arg9 : memref<128x128xf32, #tpu.memory_space<vmem>>) target(%dma_start3A_104 : memref<128x128xf32, #tpu.memory_space<hbm>>) target_semaphore(%run_scoped3A : memref<!tpu.dma_semaphore, #tpu.memory_space<semaphore_mem>>)
      %dma_wait3A_105 = arith.constant 0 : i32
      %dma_wait3A_106 = tpu.memref_slice %arg5[%arg0, %add3A_98, %dma_wait3A_105] : memref<2x10240x128xf32, #tpu.memory_space<hbm>> -> memref<1x128x128xf32, #tpu.memory_space<hbm>>
      %dma_wait3A_107 = tpu.memref_squeeze %dma_wait3A_106 : memref<1x128x128xf32, #tpu.memory_space<hbm>> -> memref<128x128xf32, #tpu.memory_space<hbm>>
      %dma_wait3A_108 = arith.constant 0 : i32
      %dma_wait3A_109 = tpu.memref_slice %arg5[%arg0, %add3A_98, %dma_wait3A_108] : memref<2x10240x128xf32, #tpu.memory_space<hbm>> -> memref<1x128x128xf32, #tpu.memory_space<hbm>>
      %dma_wait3A_110 = tpu.memref_squeeze %dma_wait3A_109 : memref<1x128x128xf32, #tpu.memory_space<hbm>> -> memref<128x128xf32, #tpu.memory_space<hbm>>
      tpu.wait_dma2 semaphore(%run_scoped3A : memref<!tpu.dma_semaphore, #tpu.memory_space<semaphore_mem>>) src(%arg9 : memref<128x128xf32, #tpu.memory_space<vmem>>) dst(%dma_wait3A_110 : memref<128x128xf32, #tpu.memory_space<hbm>>)
      tpu.yield
    }) : () -> ()
    return
  }
}

#map = affine_map<(d0, d1) -> (0, 0)>
#map1 = affine_map<(d0, d1) -> (0, 0, 0)>
module attributes {stable_mosaic.version = 14 : i64} {
  func.func @_agg(%arg0: i32, %arg1: i32, %arg2: memref<10240x128xf32, #tpu.memory_space<hbm>>, %arg3: memref<32x80x128xi32, #tpu.memory_space<hbm>>, %arg4: memref<32x80x128xi32, #tpu.memory_space<hbm>>, %arg5: memref<2x10240x128xf32, #tpu.memory_space<hbm>>, %arg6: memref<80x128xi32, #tpu.memory_space<vmem>>, %arg7: memref<8x128xi32, #tpu.memory_space<vmem>>, %arg8: memref<8x128xi32, #tpu.memory_space<vmem>>, %arg9: memref<128x128xf32, #tpu.memory_space<vmem>>, %arg10: memref<128x128xf32, #tpu.memory_space<vmem>>, %arg11: memref<10240x128xf32, #tpu.memory_space<vmem_shared>>, %arg12: memref<!tpu.dma_semaphore, #tpu.memory_space<semaphore_mem>>, %arg13: memref<!tpu.dma_semaphore, #tpu.memory_space<semaphore_mem>>, %arg14: memref<!tpu.dma_semaphore, #tpu.memory_space<semaphore_mem>>, %arg15: memref<!tpu.dma_semaphore, #tpu.memory_space<semaphore_mem>>, %arg16: memref<!tpu.dma_semaphore, #tpu.memory_space<semaphore_mem>>, %arg17: memref<!tpu.dma_semaphore, #tpu.memory_space<semaphore_mem>>) attributes {dimension_semantics = [#tpu.dimension_semantics<core_parallel>, #tpu.dimension_semantics<subcore_parallel>], iteration_bounds = array<i64: 2, 16>, scalar_prefetch = 0 : i64, scratch_operands = 12 : i64, tpu.core_type = #tpu.core_type<sc_vector_subcore>, window_params = [{transform_indices = #map}, {transform_indices = #map1}, {transform_indices = #map1}, {transform_indices = #map1}]} {
    %mul3A = arith.constant 16 : i32
    %mul3A_0 = arith.muli %arg0, %mul3A : i32
    %add3A = arith.addi %mul3A_0, %arg1 : i32
    %broadcast_in_dim3A = arith.constant 0.000000e+00 : f32
    %broadcast_in_dim3A_1 = vector.broadcast %broadcast_in_dim3A : f32 to vector<16xf32>
    "tpu.region"() ({
      %run_scoped3A = tpu.sem_alloc : memref<!tpu.dma_semaphore, #tpu.memory_space<semaphore_mem>>
      %dma_start3A_99 = arith.constant 0 : i32
      %dma_start3A_100 = arith.constant 0 : i32
      %dma_start3A_101 = tpu.memref_slice %arg4[%add3A, %dma_start3A_99, %dma_start3A_100] : memref<32x80x128xi32, #tpu.memory_space<hbm>> -> memref<1x80x128xi32, #tpu.memory_space<hbm>>
      %dma_start3A_102 = tpu.memref_squeeze %dma_start3A_101 : memref<1x80x128xi32, #tpu.memory_space<hbm>> -> memref<80x128xi32, #tpu.memory_space<hbm>>
      %dma_start3A_103 = arith.constant 0 : i32
      %dma_start3A_104 = arith.constant 0 : i32
      %dma_start3A_105 = tpu.memref_slice %arg4[%add3A, %dma_start3A_103, %dma_start3A_104] : memref<32x80x128xi32, #tpu.memory_space<hbm>> -> memref<1x80x128xi32, #tpu.memory_space<hbm>>
      %dma_start3A_106 = tpu.memref_squeeze %dma_start3A_105 : memref<1x80x128xi32, #tpu.memory_space<hbm>> -> memref<80x128xi32, #tpu.memory_space<hbm>>
      tpu.enqueue_dma source(%dma_start3A_106 : memref<80x128xi32, #tpu.memory_space<hbm>>) target(%arg6 : memref<80x128xi32, #tpu.memory_space<vmem>>) target_semaphore(%run_scoped3A : memref<!tpu.dma_semaphore, #tpu.memory_space<semaphore_mem>>)
      %dma_wait3A_107 = arith.constant 0 : i32
      %dma_wait3A_108 = arith.constant 0 : i32
      %dma_wait3A_109 = tpu.memref_slice %arg4[%add3A, %dma_wait3A_107, %dma_wait3A_108] : memref<32x80x128xi32, #tpu.memory_space<hbm>> -> memref<1x80x128xi32, #tpu.memory_space<hbm>>
      %dma_wait3A_110 = tpu.memref_squeeze %dma_wait3A_109 : memref<1x80x128xi32, #tpu.memory_space<hbm>> -> memref<80x128xi32, #tpu.memory_space<hbm>>
      %dma_wait3A_111 = arith.constant 0 : i32
      %dma_wait3A_112 = arith.constant 0 : i32
      %dma_wait3A_113 = tpu.memref_slice %arg4[%add3A, %dma_wait3A_111, %dma_wait3A_112] : memref<32x80x128xi32, #tpu.memory_space<hbm>> -> memref<1x80x128xi32, #tpu.memory_space<hbm>>
      %dma_wait3A_114 = tpu.memref_squeeze %dma_wait3A_113 : memref<1x80x128xi32, #tpu.memory_space<hbm>> -> memref<80x128xi32, #tpu.memory_space<hbm>>
      tpu.wait_dma2 semaphore(%run_scoped3A : memref<!tpu.dma_semaphore, #tpu.memory_space<semaphore_mem>>) src(%dma_wait3A_114 : memref<80x128xi32, #tpu.memory_space<hbm>>) dst(%arg6 : memref<80x128xi32, #tpu.memory_space<vmem>>)
      tpu.yield
    }) : () -> ()
    %dma_start3A = arith.constant 0 : i32
    %dma_start3A_2 = arith.constant 0 : i32
    %dma_start3A_3 = tpu.memref_slice %arg7[%dma_start3A, %dma_start3A_2] : memref<8x128xi32, #tpu.memory_space<vmem>> -> memref<1x128xi32, #tpu.memory_space<vmem>>
    %dma_start3A_4 = arith.constant 0 : i32
    %dma_start3A_5 = arith.constant 0 : i32
    %dma_start3A_6 = tpu.memref_slice %arg3[%add3A, %dma_start3A_4, %dma_start3A_5] : memref<32x80x128xi32, #tpu.memory_space<hbm>> -> memref<1x1x128xi32, #tpu.memory_space<hbm>>
    %dma_start3A_7 = tpu.memref_squeeze %dma_start3A_6 : memref<1x1x128xi32, #tpu.memory_space<hbm>> -> memref<1x128xi32, #tpu.memory_space<hbm>>
    %dma_start3A_8 = arith.constant 0 : i32
    %dma_start3A_9 = arith.constant 0 : i32
    %dma_start3A_10 = tpu.memref_slice %arg7[%dma_start3A_8, %dma_start3A_9] : memref<8x128xi32, #tpu.memory_space<vmem>> -> memref<1x128xi32, #tpu.memory_space<vmem>>
    %dma_start3A_11 = arith.constant 0 : i32
    %dma_start3A_12 = arith.constant 0 : i32
    %dma_start3A_13 = tpu.memref_slice %arg3[%add3A, %dma_start3A_11, %dma_start3A_12] : memref<32x80x128xi32, #tpu.memory_space<hbm>> -> memref<1x1x128xi32, #tpu.memory_space<hbm>>
    %dma_start3A_14 = tpu.memref_squeeze %dma_start3A_13 : memref<1x1x128xi32, #tpu.memory_space<hbm>> -> memref<1x128xi32, #tpu.memory_space<hbm>>
    tpu.enqueue_dma source(%dma_start3A_14 : memref<1x128xi32, #tpu.memory_space<hbm>>) target(%dma_start3A_10 : memref<1x128xi32, #tpu.memory_space<vmem>>) target_semaphore(%arg12 : memref<!tpu.dma_semaphore, #tpu.memory_space<semaphore_mem>>)
    %dma_start3A_15 = arith.constant 0 : i32
    %dma_start3A_16 = arith.constant 0 : i32
    %dma_start3A_17 = tpu.memref_slice %arg8[%dma_start3A_15, %dma_start3A_16] : memref<8x128xi32, #tpu.memory_space<vmem>> -> memref<1x128xi32, #tpu.memory_space<vmem>>
    %dma_start3A_18 = arith.constant 1 : i32
    %dma_start3A_19 = arith.constant 0 : i32
    %dma_start3A_20 = tpu.memref_slice %arg3[%add3A, %dma_start3A_18, %dma_start3A_19] : memref<32x80x128xi32, #tpu.memory_space<hbm>> -> memref<1x1x128xi32, #tpu.memory_space<hbm>>
    %dma_start3A_21 = tpu.memref_squeeze %dma_start3A_20 : memref<1x1x128xi32, #tpu.memory_space<hbm>> -> memref<1x128xi32, #tpu.memory_space<hbm>>
    %dma_start3A_22 = arith.constant 0 : i32
    %dma_start3A_23 = arith.constant 0 : i32
    %dma_start3A_24 = tpu.memref_slice %arg8[%dma_start3A_22, %dma_start3A_23] : memref<8x128xi32, #tpu.memory_space<vmem>> -> memref<1x128xi32, #tpu.memory_space<vmem>>
    %dma_start3A_25 = arith.constant 1 : i32
    %dma_start3A_26 = arith.constant 0 : i32
    %dma_start3A_27 = tpu.memref_slice %arg3[%add3A, %dma_start3A_25, %dma_start3A_26] : memref<32x80x128xi32, #tpu.memory_space<hbm>> -> memref<1x1x128xi32, #tpu.memory_space<hbm>>
    %dma_start3A_28 = tpu.memref_squeeze %dma_start3A_27 : memref<1x1x128xi32, #tpu.memory_space<hbm>> -> memref<1x128xi32, #tpu.memory_space<hbm>>
    tpu.enqueue_dma source(%dma_start3A_28 : memref<1x128xi32, #tpu.memory_space<hbm>>) target(%dma_start3A_24 : memref<1x128xi32, #tpu.memory_space<vmem>>) target_semaphore(%arg13 : memref<!tpu.dma_semaphore, #tpu.memory_space<semaphore_mem>>)
    %scan3A = arith.constant 0 : i32
    %scan3A_29 = arith.constant 128 : i32
    %scan3A_30 = arith.addi %scan3A, %scan3A_29 : i32
    %scan3A_31 = arith.constant 1 : i32
    scf.for %scan3A_99 = %scan3A to %scan3A_30 step %scan3A_31  : i32 {
      %mul3A_100 = arith.constant 1 : i32
      %mul3A_101 = arith.muli %scan3A_99, %mul3A_100 : i32
      %add3A_102 = arith.constant 0 : i32
      %add3A_103 = arith.addi %add3A_102, %mul3A_101 : i32
      %scan3A_104 = arith.constant 0 : i32
      %scan3A_105 = arith.constant 8 : i32
      %scan3A_106 = arith.addi %scan3A_104, %scan3A_105 : i32
      %scan3A_107 = arith.constant 1 : i32
      scf.for %scan3A_109 = %scan3A_104 to %scan3A_106 step %scan3A_107  : i32 {
        %mul3A_110 = arith.constant 16 : i32
        %mul3A_111 = arith.muli %scan3A_109, %mul3A_110 : i32
        %add3A_112 = arith.constant 0 : i32
        %add3A_113 = arith.addi %add3A_112, %mul3A_111 : i32
        %swap3A = arith.index_cast %add3A_103 : i32 to index
        %swap3A_114 = arith.index_cast %add3A_113 : i32 to index
        %swap3A_115 = tpu.vector_load %arg9[%swap3A, %swap3A_114] {strides = array<i32>} : memref<128x128xf32, #tpu.memory_space<vmem>>, vector<1x16xf32>,
        %swap3A_116 = vector.shape_cast %swap3A_115 : vector<1x16xf32> to vector<16xf32>
        %swap3A_117 = vector.shape_cast %broadcast_in_dim3A_1 : vector<16xf32> to vector<1x16xf32>
        tpu.vector_store %arg9[%swap3A, %swap3A_114], %swap3A_117 {strides = array<i32>} : memref<128x128xf32, #tpu.memory_space<vmem>>, vector<1x16xf32>,
      }
      %scan3A_108 = arith.constant 8 : i32
    }
    %scan3A_32 = arith.constant 128 : i32
    %mul3A_33 = arith.constant 640 : i32
    %mul3A_34 = arith.muli %arg1, %mul3A_33 : i32
    %add3A_35 = arith.constant 0 : i32
    %add3A_36 = arith.addi %mul3A_34, %add3A_35 : i32
    "tpu.region"() ({
      %run_scoped3A = tpu.sem_alloc : memref<!tpu.dma_semaphore, #tpu.memory_space<semaphore_mem>>
      %dma_start3A_99 = arith.constant 0 : i32
      %dma_start3A_100 = tpu.memref_slice %arg11[%add3A_36, %dma_start3A_99] : memref<10240x128xf32, #tpu.memory_space<vmem_shared>> -> memref<128x128xf32, #tpu.memory_space<vmem_shared>>
      %dma_start3A_101 = arith.constant 0 : i32
      %dma_start3A_102 = tpu.memref_slice %arg11[%add3A_36, %dma_start3A_101] : memref<10240x128xf32, #tpu.memory_space<vmem_shared>> -> memref<128x128xf32, #tpu.memory_space<vmem_shared>>
      tpu.enqueue_dma source(%arg9 : memref<128x128xf32, #tpu.memory_space<vmem>>) target(%dma_start3A_102 : memref<128x128xf32, #tpu.memory_space<vmem_shared>>) target_semaphore(%run_scoped3A : memref<!tpu.dma_semaphore, #tpu.memory_space<semaphore_mem>>)
      %dma_wait3A_103 = arith.constant 0 : i32
      %dma_wait3A_104 = tpu.memref_slice %arg11[%add3A_36, %dma_wait3A_103] : memref<10240x128xf32, #tpu.memory_space<vmem_shared>> -> memref<128x128xf32, #tpu.memory_space<vmem_shared>>
      %dma_wait3A_105 = arith.constant 0 : i32
      %dma_wait3A_106 = tpu.memref_slice %arg11[%add3A_36, %dma_wait3A_105] : memref<10240x128xf32, #tpu.memory_space<vmem_shared>> -> memref<128x128xf32, #tpu.memory_space<vmem_shared>>
      tpu.wait_dma2 semaphore(%run_scoped3A : memref<!tpu.dma_semaphore, #tpu.memory_space<semaphore_mem>>) src(%arg9 : memref<128x128xf32, #tpu.memory_space<vmem>>) dst(%dma_wait3A_106 : memref<128x128xf32, #tpu.memory_space<vmem_shared>>)
      tpu.yield
    }) : () -> ()
    %mul3A_37 = arith.constant 640 : i32
    %mul3A_38 = arith.muli %arg1, %mul3A_37 : i32
    %add3A_39 = arith.constant 128 : i32
    %add3A_40 = arith.addi %mul3A_38, %add3A_39 : i32
    "tpu.region"() ({
      %run_scoped3A = tpu.sem_alloc : memref<!tpu.dma_semaphore, #tpu.memory_space<semaphore_mem>>
      %dma_start3A_99 = arith.constant 0 : i32
      %dma_start3A_100 = tpu.memref_slice %arg11[%add3A_40, %dma_start3A_99] : memref<10240x128xf32, #tpu.memory_space<vmem_shared>> -> memref<128x128xf32, #tpu.memory_space<vmem_shared>>
      %dma_start3A_101 = arith.constant 0 : i32
      %dma_start3A_102 = tpu.memref_slice %arg11[%add3A_40, %dma_start3A_101] : memref<10240x128xf32, #tpu.memory_space<vmem_shared>> -> memref<128x128xf32, #tpu.memory_space<vmem_shared>>
      tpu.enqueue_dma source(%arg9 : memref<128x128xf32, #tpu.memory_space<vmem>>) target(%dma_start3A_102 : memref<128x128xf32, #tpu.memory_space<vmem_shared>>) target_semaphore(%run_scoped3A : memref<!tpu.dma_semaphore, #tpu.memory_space<semaphore_mem>>)
      %dma_wait3A_103 = arith.constant 0 : i32
      %dma_wait3A_104 = tpu.memref_slice %arg11[%add3A_40, %dma_wait3A_103] : memref<10240x128xf32, #tpu.memory_space<vmem_shared>> -> memref<128x128xf32, #tpu.memory_space<vmem_shared>>
      %dma_wait3A_105 = arith.constant 0 : i32
      %dma_wait3A_106 = tpu.memref_slice %arg11[%add3A_40, %dma_wait3A_105] : memref<10240x128xf32, #tpu.memory_space<vmem_shared>> -> memref<128x128xf32, #tpu.memory_space<vmem_shared>>
      tpu.wait_dma2 semaphore(%run_scoped3A : memref<!tpu.dma_semaphore, #tpu.memory_space<semaphore_mem>>) src(%arg9 : memref<128x128xf32, #tpu.memory_space<vmem>>) dst(%dma_wait3A_106 : memref<128x128xf32, #tpu.memory_space<vmem_shared>>)
      tpu.yield
    }) : () -> ()
    %mul3A_41 = arith.constant 640 : i32
    %mul3A_42 = arith.muli %arg1, %mul3A_41 : i32
    %add3A_43 = arith.constant 256 : i32
    %add3A_44 = arith.addi %mul3A_42, %add3A_43 : i32
    "tpu.region"() ({
      %run_scoped3A = tpu.sem_alloc : memref<!tpu.dma_semaphore, #tpu.memory_space<semaphore_mem>>
      %dma_start3A_99 = arith.constant 0 : i32
      %dma_start3A_100 = tpu.memref_slice %arg11[%add3A_44, %dma_start3A_99] : memref<10240x128xf32, #tpu.memory_space<vmem_shared>> -> memref<128x128xf32, #tpu.memory_space<vmem_shared>>
      %dma_start3A_101 = arith.constant 0 : i32
      %dma_start3A_102 = tpu.memref_slice %arg11[%add3A_44, %dma_start3A_101] : memref<10240x128xf32, #tpu.memory_space<vmem_shared>> -> memref<128x128xf32, #tpu.memory_space<vmem_shared>>
      tpu.enqueue_dma source(%arg9 : memref<128x128xf32, #tpu.memory_space<vmem>>) target(%dma_start3A_102 : memref<128x128xf32, #tpu.memory_space<vmem_shared>>) target_semaphore(%run_scoped3A : memref<!tpu.dma_semaphore, #tpu.memory_space<semaphore_mem>>)
      %dma_wait3A_103 = arith.constant 0 : i32
      %dma_wait3A_104 = tpu.memref_slice %arg11[%add3A_44, %dma_wait3A_103] : memref<10240x128xf32, #tpu.memory_space<vmem_shared>> -> memref<128x128xf32, #tpu.memory_space<vmem_shared>>
      %dma_wait3A_105 = arith.constant 0 : i32
      %dma_wait3A_106 = tpu.memref_slice %arg11[%add3A_44, %dma_wait3A_105] : memref<10240x128xf32, #tpu.memory_space<vmem_shared>> -> memref<128x128xf32, #tpu.memory_space<vmem_shared>>
      tpu.wait_dma2 semaphore(%run_scoped3A : memref<!tpu.dma_semaphore, #tpu.memory_space<semaphore_mem>>) src(%arg9 : memref<128x128xf32, #tpu.memory_space<vmem>>) dst(%dma_wait3A_106 : memref<128x128xf32, #tpu.memory_space<vmem_shared>>)
      tpu.yield
    }) : () -> ()
    %mul3A_45 = arith.constant 640 : i32
    %mul3A_46 = arith.muli %arg1, %mul3A_45 : i32
    %add3A_47 = arith.constant 384 : i32
    %add3A_48 = arith.addi %mul3A_46, %add3A_47 : i32
    "tpu.region"() ({
      %run_scoped3A = tpu.sem_alloc : memref<!tpu.dma_semaphore, #tpu.memory_space<semaphore_mem>>
      %dma_start3A_99 = arith.constant 0 : i32
      %dma_start3A_100 = tpu.memref_slice %arg11[%add3A_48, %dma_start3A_99] : memref<10240x128xf32, #tpu.memory_space<vmem_shared>> -> memref<128x128xf32, #tpu.memory_space<vmem_shared>>
      %dma_start3A_101 = arith.constant 0 : i32
      %dma_start3A_102 = tpu.memref_slice %arg11[%add3A_48, %dma_start3A_101] : memref<10240x128xf32, #tpu.memory_space<vmem_shared>> -> memref<128x128xf32, #tpu.memory_space<vmem_shared>>
      tpu.enqueue_dma source(%arg9 : memref<128x128xf32, #tpu.memory_space<vmem>>) target(%dma_start3A_102 : memref<128x128xf32, #tpu.memory_space<vmem_shared>>) target_semaphore(%run_scoped3A : memref<!tpu.dma_semaphore, #tpu.memory_space<semaphore_mem>>)
      %dma_wait3A_103 = arith.constant 0 : i32
      %dma_wait3A_104 = tpu.memref_slice %arg11[%add3A_48, %dma_wait3A_103] : memref<10240x128xf32, #tpu.memory_space<vmem_shared>> -> memref<128x128xf32, #tpu.memory_space<vmem_shared>>
      %dma_wait3A_105 = arith.constant 0 : i32
      %dma_wait3A_106 = tpu.memref_slice %arg11[%add3A_48, %dma_wait3A_105] : memref<10240x128xf32, #tpu.memory_space<vmem_shared>> -> memref<128x128xf32, #tpu.memory_space<vmem_shared>>
      tpu.wait_dma2 semaphore(%run_scoped3A : memref<!tpu.dma_semaphore, #tpu.memory_space<semaphore_mem>>) src(%arg9 : memref<128x128xf32, #tpu.memory_space<vmem>>) dst(%dma_wait3A_106 : memref<128x128xf32, #tpu.memory_space<vmem_shared>>)
      tpu.yield
    }) : () -> ()
    %mul3A_49 = arith.constant 640 : i32
    %mul3A_50 = arith.muli %arg1, %mul3A_49 : i32
    %add3A_51 = arith.constant 512 : i32
    %add3A_52 = arith.addi %mul3A_50, %add3A_51 : i32
    "tpu.region"() ({
      %run_scoped3A = tpu.sem_alloc : memref<!tpu.dma_semaphore, #tpu.memory_space<semaphore_mem>>
      %dma_start3A_99 = arith.constant 0 : i32
      %dma_start3A_100 = tpu.memref_slice %arg11[%add3A_52, %dma_start3A_99] : memref<10240x128xf32, #tpu.memory_space<vmem_shared>> -> memref<128x128xf32, #tpu.memory_space<vmem_shared>>
      %dma_start3A_101 = arith.constant 0 : i32
      %dma_start3A_102 = tpu.memref_slice %arg11[%add3A_52, %dma_start3A_101] : memref<10240x128xf32, #tpu.memory_space<vmem_shared>> -> memref<128x128xf32, #tpu.memory_space<vmem_shared>>
      tpu.enqueue_dma source(%arg9 : memref<128x128xf32, #tpu.memory_space<vmem>>) target(%dma_start3A_102 : memref<128x128xf32, #tpu.memory_space<vmem_shared>>) target_semaphore(%run_scoped3A : memref<!tpu.dma_semaphore, #tpu.memory_space<semaphore_mem>>)
      %dma_wait3A_103 = arith.constant 0 : i32
      %dma_wait3A_104 = tpu.memref_slice %arg11[%add3A_52, %dma_wait3A_103] : memref<10240x128xf32, #tpu.memory_space<vmem_shared>> -> memref<128x128xf32, #tpu.memory_space<vmem_shared>>
      %dma_wait3A_105 = arith.constant 0 : i32
      %dma_wait3A_106 = tpu.memref_slice %arg11[%add3A_52, %dma_wait3A_105] : memref<10240x128xf32, #tpu.memory_space<vmem_shared>> -> memref<128x128xf32, #tpu.memory_space<vmem_shared>>
      tpu.wait_dma2 semaphore(%run_scoped3A : memref<!tpu.dma_semaphore, #tpu.memory_space<semaphore_mem>>) src(%arg9 : memref<128x128xf32, #tpu.memory_space<vmem>>) dst(%dma_wait3A_106 : memref<128x128xf32, #tpu.memory_space<vmem_shared>>)
      tpu.yield
    }) : () -> ()
    %barrier3A = arith.constant 0 : index
    tpu.barrier barrier_id(%barrier3A)
    %dma_wait3A = arith.constant 0 : i32
    %dma_wait3A_53 = arith.constant 0 : i32
    %dma_wait3A_54 = tpu.memref_slice %arg7[%dma_wait3A, %dma_wait3A_53] : memref<8x128xi32, #tpu.memory_space<vmem>> -> memref<1x128xi32, #tpu.memory_space<vmem>>
    %dma_wait3A_55 = arith.constant 0 : i32
    %dma_wait3A_56 = arith.constant 0 : i32
    %dma_wait3A_57 = tpu.memref_slice %arg3[%add3A, %dma_wait3A_55, %dma_wait3A_56] : memref<32x80x128xi32, #tpu.memory_space<hbm>> -> memref<1x1x128xi32, #tpu.memory_space<hbm>>
    %dma_wait3A_58 = tpu.memref_squeeze %dma_wait3A_57 : memref<1x1x128xi32, #tpu.memory_space<hbm>> -> memref<1x128xi32, #tpu.memory_space<hbm>>
    %dma_wait3A_59 = arith.constant 0 : i32
    %dma_wait3A_60 = arith.constant 0 : i32
    %dma_wait3A_61 = tpu.memref_slice %arg7[%dma_wait3A_59, %dma_wait3A_60] : memref<8x128xi32, #tpu.memory_space<vmem>> -> memref<1x128xi32, #tpu.memory_space<vmem>>
    %dma_wait3A_62 = arith.constant 0 : i32
    %dma_wait3A_63 = arith.constant 0 : i32
    %dma_wait3A_64 = tpu.memref_slice %arg3[%add3A, %dma_wait3A_62, %dma_wait3A_63] : memref<32x80x128xi32, #tpu.memory_space<hbm>> -> memref<1x1x128xi32, #tpu.memory_space<hbm>>
    %dma_wait3A_65 = tpu.memref_squeeze %dma_wait3A_64 : memref<1x1x128xi32, #tpu.memory_space<hbm>> -> memref<1x128xi32, #tpu.memory_space<hbm>>
    tpu.wait_dma2 semaphore(%arg12 : memref<!tpu.dma_semaphore, #tpu.memory_space<semaphore_mem>>) src(%dma_wait3A_65 : memref<1x128xi32, #tpu.memory_space<hbm>>) dst(%dma_wait3A_61 : memref<1x128xi32, #tpu.memory_space<vmem>>)
    %dma_start3A_66 = arith.constant 0 : i32
    %dma_start3A_67 = arith.constant 0 : i32
    %dma_start3A_68 = tpu.memref_slice %arg7[%dma_start3A_66, %dma_start3A_67] : memref<8x128xi32, #tpu.memory_space<vmem>> -> memref<1x128xi32, #tpu.memory_space<vmem>>
    %dma_start3A_69 = tpu.memref_squeeze %dma_start3A_68 : memref<1x128xi32, #tpu.memory_space<vmem>> -> memref<128xi32, #tpu.memory_space<vmem>>
    %dma_start3A_70 = arith.constant 0 : i32
    %dma_start3A_71 = arith.constant 0 : i32
    %dma_start3A_72 = tpu.memref_slice %arg2[%dma_start3A_70, %dma_start3A_71] : memref<10240x128xf32, #tpu.memory_space<hbm>> -> memref<10240x128xf32, #tpu.memory_space<hbm>>
    tpu.enqueue_indirect_dma source(%dma_start3A_72 : memref<10240x128xf32, #tpu.memory_space<hbm>>) target(%arg9 : memref<128x128xf32, #tpu.memory_space<vmem>>) offsets(%dma_start3A_69 : memref<128xi32, #tpu.memory_space<vmem>>) semaphore(%arg14 : memref<!tpu.dma_semaphore, #tpu.memory_space<semaphore_mem>>)
    %scan3A_73 = arith.constant 0 : i32
    %scan3A_74 = arith.constant 40 : i32
    %scan3A_75 = arith.addi %scan3A_73, %scan3A_74 : i32
    %scan3A_76 = arith.constant 1 : i32
    scf.for %scan3A_99 = %scan3A_73 to %scan3A_75 step %scan3A_76  : i32 {
      %mul3A_100 = arith.constant 1 : i32
      %mul3A_101 = arith.muli %scan3A_99, %mul3A_100 : i32
      %add3A_102 = arith.constant 0 : i32
      %add3A_103 = arith.addi %add3A_102, %mul3A_101 : i32
      %mul3A_104 = arith.constant 2 : i32
      %mul3A_105 = arith.muli %mul3A_104, %add3A_103 : i32
      %add3A_106 = arith.constant 1 : i32
      %add3A_107 = arith.addi %mul3A_105, %add3A_106 : i32
      %dma_wait3A_108 = arith.constant 0 : i32
      %dma_wait3A_109 = arith.constant 0 : i32
      %dma_wait3A_110 = tpu.memref_slice %arg7[%dma_wait3A_108, %dma_wait3A_109] : memref<8x128xi32, #tpu.memory_space<vmem>> -> memref<1x128xi32, #tpu.memory_space<vmem>>
      %dma_wait3A_111 = tpu.memref_squeeze %dma_wait3A_110 : memref<1x128xi32, #tpu.memory_space<vmem>> -> memref<128xi32, #tpu.memory_space<vmem>>
      %dma_wait3A_112 = arith.constant 0 : i32
      %dma_wait3A_113 = arith.constant 0 : i32
      %dma_wait3A_114 = tpu.memref_slice %arg2[%dma_wait3A_112, %dma_wait3A_113] : memref<10240x128xf32, #tpu.memory_space<hbm>> -> memref<10240x128xf32, #tpu.memory_space<hbm>>
      tpu.wait_indirect_dma semaphore(%arg14 : memref<!tpu.dma_semaphore, #tpu.memory_space<semaphore_mem>>) src(%dma_wait3A_114 : memref<10240x128xf32, #tpu.memory_space<hbm>>) dst(%arg9 : memref<128x128xf32, #tpu.memory_space<vmem>>)
      %add3A_115 = arith.constant 2 : i32
      %add3A_116 = arith.addi %mul3A_105, %add3A_115 : i32
      %lt3A = arith.constant 80 : i32
      %lt3A_117 = arith.cmpi slt, %add3A_116, %lt3A : i32
      %convert_element_type3A = arith.extui %lt3A_117 : i1 to i32
      %cond3A = arith.constant 0 : i32
      %cond3A_118 = arith.cmpi ne, %convert_element_type3A, %cond3A : i32
      scf.if %cond3A_118 {
        %add3A_183 = arith.constant 2 : i32
        %add3A_184 = arith.addi %mul3A_105, %add3A_183 : i32
        %dma_start3A_185 = arith.constant 0 : i32
        %dma_start3A_186 = arith.constant 0 : i32
        %dma_start3A_187 = tpu.memref_slice %arg7[%dma_start3A_185, %dma_start3A_186] : memref<8x128xi32, #tpu.memory_space<vmem>> -> memref<1x128xi32, #tpu.memory_space<vmem>>
        %dma_start3A_188 = arith.constant 0 : i32
        %dma_start3A_189 = tpu.memref_slice %arg3[%add3A, %add3A_184, %dma_start3A_188] : memref<32x80x128xi32, #tpu.memory_space<hbm>> -> memref<1x1x128xi32, #tpu.memory_space<hbm>>
        %dma_start3A_190 = tpu.memref_squeeze %dma_start3A_189 : memref<1x1x128xi32, #tpu.memory_space<hbm>> -> memref<1x128xi32, #tpu.memory_space<hbm>>
        %dma_start3A_191 = arith.constant 0 : i32
        %dma_start3A_192 = arith.constant 0 : i32
        %dma_start3A_193 = tpu.memref_slice %arg7[%dma_start3A_191, %dma_start3A_192] : memref<8x128xi32, #tpu.memory_space<vmem>> -> memref<1x128xi32, #tpu.memory_space<vmem>>
        %dma_start3A_194 = arith.constant 0 : i32
        %dma_start3A_195 = tpu.memref_slice %arg3[%add3A, %add3A_184, %dma_start3A_194] : memref<32x80x128xi32, #tpu.memory_space<hbm>> -> memref<1x1x128xi32, #tpu.memory_space<hbm>>
        %dma_start3A_196 = tpu.memref_squeeze %dma_start3A_195 : memref<1x1x128xi32, #tpu.memory_space<hbm>> -> memref<1x128xi32, #tpu.memory_space<hbm>>
        tpu.enqueue_dma source(%dma_start3A_196 : memref<1x128xi32, #tpu.memory_space<hbm>>) target(%dma_start3A_193 : memref<1x128xi32, #tpu.memory_space<vmem>>) target_semaphore(%arg12 : memref<!tpu.dma_semaphore, #tpu.memory_space<semaphore_mem>>)
      } else {
      }
      %dma_wait3A_119 = arith.constant 0 : i32
      %dma_wait3A_120 = arith.constant 0 : i32
      %dma_wait3A_121 = tpu.memref_slice %arg8[%dma_wait3A_119, %dma_wait3A_120] : memref<8x128xi32, #tpu.memory_space<vmem>> -> memref<1x128xi32, #tpu.memory_space<vmem>>
      %dma_wait3A_122 = arith.constant 0 : i32
      %dma_wait3A_123 = tpu.memref_slice %arg3[%add3A, %add3A_107, %dma_wait3A_122] : memref<32x80x128xi32, #tpu.memory_space<hbm>> -> memref<1x1x128xi32, #tpu.memory_space<hbm>>
      %dma_wait3A_124 = tpu.memref_squeeze %dma_wait3A_123 : memref<1x1x128xi32, #tpu.memory_space<hbm>> -> memref<1x128xi32, #tpu.memory_space<hbm>>
      %dma_wait3A_125 = arith.constant 0 : i32
      %dma_wait3A_126 = arith.constant 0 : i32
      %dma_wait3A_127 = tpu.memref_slice %arg8[%dma_wait3A_125, %dma_wait3A_126] : memref<8x128xi32, #tpu.memory_space<vmem>> -> memref<1x128xi32, #tpu.memory_space<vmem>>
      %dma_wait3A_128 = arith.constant 0 : i32
      %dma_wait3A_129 = tpu.memref_slice %arg3[%add3A, %add3A_107, %dma_wait3A_128] : memref<32x80x128xi32, #tpu.memory_space<hbm>> -> memref<1x1x128xi32, #tpu.memory_space<hbm>>
      %dma_wait3A_130 = tpu.memref_squeeze %dma_wait3A_129 : memref<1x1x128xi32, #tpu.memory_space<hbm>> -> memref<1x128xi32, #tpu.memory_space<hbm>>
      tpu.wait_dma2 semaphore(%arg13 : memref<!tpu.dma_semaphore, #tpu.memory_space<semaphore_mem>>) src(%dma_wait3A_130 : memref<1x128xi32, #tpu.memory_space<hbm>>) dst(%dma_wait3A_127 : memref<1x128xi32, #tpu.memory_space<vmem>>)
      %dma_start3A_131 = arith.constant 0 : i32
      %dma_start3A_132 = arith.constant 0 : i32
      %dma_start3A_133 = tpu.memref_slice %arg8[%dma_start3A_131, %dma_start3A_132] : memref<8x128xi32, #tpu.memory_space<vmem>> -> memref<1x128xi32, #tpu.memory_space<vmem>>
      %dma_start3A_134 = tpu.memref_squeeze %dma_start3A_133 : memref<1x128xi32, #tpu.memory_space<vmem>> -> memref<128xi32, #tpu.memory_space<vmem>>
      %dma_start3A_135 = arith.constant 0 : i32
      %dma_start3A_136 = arith.constant 0 : i32
      %dma_start3A_137 = tpu.memref_slice %arg2[%dma_start3A_135, %dma_start3A_136] : memref<10240x128xf32, #tpu.memory_space<hbm>> -> memref<10240x128xf32, #tpu.memory_space<hbm>>
      tpu.enqueue_indirect_dma source(%dma_start3A_137 : memref<10240x128xf32, #tpu.memory_space<hbm>>) target(%arg10 : memref<128x128xf32, #tpu.memory_space<vmem>>) offsets(%dma_start3A_134 : memref<128xi32, #tpu.memory_space<vmem>>) semaphore(%arg15 : memref<!tpu.dma_semaphore, #tpu.memory_space<semaphore_mem>>)
      %dma_start3A_138 = arith.constant 0 : i32
      %dma_start3A_139 = tpu.memref_slice %arg6[%mul3A_105, %dma_start3A_138] : memref<80x128xi32, #tpu.memory_space<vmem>> -> memref<1x128xi32, #tpu.memory_space<vmem>>
      %dma_start3A_140 = tpu.memref_squeeze %dma_start3A_139 : memref<1x128xi32, #tpu.memory_space<vmem>> -> memref<128xi32, #tpu.memory_space<vmem>>
      %dma_start3A_141 = arith.constant 0 : i32
      %dma_start3A_142 = arith.constant 0 : i32
      %dma_start3A_143 = tpu.memref_slice %arg11[%dma_start3A_141, %dma_start3A_142] : memref<10240x128xf32, #tpu.memory_space<vmem_shared>> -> memref<10240x128xf32, #tpu.memory_space<vmem_shared>>
      tpu.enqueue_indirect_dma source(%arg9 : memref<128x128xf32, #tpu.memory_space<vmem>>) target(%dma_start3A_143 : memref<10240x128xf32, #tpu.memory_space<vmem_shared>>) offsets(%dma_start3A_140 : memref<128xi32, #tpu.memory_space<vmem>>) semaphore(%arg16 : memref<!tpu.dma_semaphore, #tpu.memory_space<semaphore_mem>>) {add = true}
      %dma_wait3A_144 = arith.constant 0 : i32
      %dma_wait3A_145 = tpu.memref_slice %arg6[%mul3A_105, %dma_wait3A_144] : memref<80x128xi32, #tpu.memory_space<vmem>> -> memref<1x128xi32, #tpu.memory_space<vmem>>
      %dma_wait3A_146 = tpu.memref_squeeze %dma_wait3A_145 : memref<1x128xi32, #tpu.memory_space<vmem>> -> memref<128xi32, #tpu.memory_space<vmem>>
      %dma_wait3A_147 = arith.constant 0 : i32
      %dma_wait3A_148 = arith.constant 0 : i32
      %dma_wait3A_149 = tpu.memref_slice %arg11[%dma_wait3A_147, %dma_wait3A_148] : memref<10240x128xf32, #tpu.memory_space<vmem_shared>> -> memref<10240x128xf32, #tpu.memory_space<vmem_shared>>
      tpu.wait_indirect_dma semaphore(%arg16 : memref<!tpu.dma_semaphore, #tpu.memory_space<semaphore_mem>>) src(%arg9 : memref<128x128xf32, #tpu.memory_space<vmem>>) dst(%dma_wait3A_149 : memref<10240x128xf32, #tpu.memory_space<vmem_shared>>)
      %dma_wait3A_150 = arith.constant 0 : i32
      %dma_wait3A_151 = arith.constant 0 : i32
      %dma_wait3A_152 = tpu.memref_slice %arg8[%dma_wait3A_150, %dma_wait3A_151] : memref<8x128xi32, #tpu.memory_space<vmem>> -> memref<1x128xi32, #tpu.memory_space<vmem>>
      %dma_wait3A_153 = tpu.memref_squeeze %dma_wait3A_152 : memref<1x128xi32, #tpu.memory_space<vmem>> -> memref<128xi32, #tpu.memory_space<vmem>>
      %dma_wait3A_154 = arith.constant 0 : i32
      %dma_wait3A_155 = arith.constant 0 : i32
      %dma_wait3A_156 = tpu.memref_slice %arg2[%dma_wait3A_154, %dma_wait3A_155] : memref<10240x128xf32, #tpu.memory_space<hbm>> -> memref<10240x128xf32, #tpu.memory_space<hbm>>
      tpu.wait_indirect_dma semaphore(%arg15 : memref<!tpu.dma_semaphore, #tpu.memory_space<semaphore_mem>>) src(%dma_wait3A_156 : memref<10240x128xf32, #tpu.memory_space<hbm>>) dst(%arg10 : memref<128x128xf32, #tpu.memory_space<vmem>>)
      %add3A_157 = arith.constant 2 : i32
      %add3A_158 = arith.addi %add3A_107, %add3A_157 : i32
      %lt3A_159 = arith.constant 80 : i32
      %lt3A_160 = arith.cmpi slt, %add3A_158, %lt3A_159 : i32
      %convert_element_type3A_161 = arith.extui %lt3A_160 : i1 to i32
      %cond3A_162 = arith.constant 0 : i32
      %cond3A_163 = arith.cmpi ne, %convert_element_type3A_161, %cond3A_162 : i32
      scf.if %cond3A_163 {
        %add3A_183 = arith.constant 2 : i32
        %add3A_184 = arith.addi %add3A_107, %add3A_183 : i32
        %dma_start3A_185 = arith.constant 0 : i32
        %dma_start3A_186 = arith.constant 0 : i32
        %dma_start3A_187 = tpu.memref_slice %arg8[%dma_start3A_185, %dma_start3A_186] : memref<8x128xi32, #tpu.memory_space<vmem>> -> memref<1x128xi32, #tpu.memory_space<vmem>>
        %dma_start3A_188 = arith.constant 0 : i32
        %dma_start3A_189 = tpu.memref_slice %arg3[%add3A, %add3A_184, %dma_start3A_188] : memref<32x80x128xi32, #tpu.memory_space<hbm>> -> memref<1x1x128xi32, #tpu.memory_space<hbm>>
        %dma_start3A_190 = tpu.memref_squeeze %dma_start3A_189 : memref<1x1x128xi32, #tpu.memory_space<hbm>> -> memref<1x128xi32, #tpu.memory_space<hbm>>
        %dma_start3A_191 = arith.constant 0 : i32
        %dma_start3A_192 = arith.constant 0 : i32
        %dma_start3A_193 = tpu.memref_slice %arg8[%dma_start3A_191, %dma_start3A_192] : memref<8x128xi32, #tpu.memory_space<vmem>> -> memref<1x128xi32, #tpu.memory_space<vmem>>
        %dma_start3A_194 = arith.constant 0 : i32
        %dma_start3A_195 = tpu.memref_slice %arg3[%add3A, %add3A_184, %dma_start3A_194] : memref<32x80x128xi32, #tpu.memory_space<hbm>> -> memref<1x1x128xi32, #tpu.memory_space<hbm>>
        %dma_start3A_196 = tpu.memref_squeeze %dma_start3A_195 : memref<1x1x128xi32, #tpu.memory_space<hbm>> -> memref<1x128xi32, #tpu.memory_space<hbm>>
        tpu.enqueue_dma source(%dma_start3A_196 : memref<1x128xi32, #tpu.memory_space<hbm>>) target(%dma_start3A_193 : memref<1x128xi32, #tpu.memory_space<vmem>>) target_semaphore(%arg13 : memref<!tpu.dma_semaphore, #tpu.memory_space<semaphore_mem>>)
      } else {
      }
      %add3A_164 = arith.constant 2 : i32
      %add3A_165 = arith.addi %mul3A_105, %add3A_164 : i32
      %lt3A_166 = arith.constant 80 : i32
      %lt3A_167 = arith.cmpi slt, %add3A_165, %lt3A_166 : i32
      %convert_element_type3A_168 = arith.extui %lt3A_167 : i1 to i32
      %cond3A_169 = arith.constant 0 : i32
      %cond3A_170 = arith.cmpi ne, %convert_element_type3A_168, %cond3A_169 : i32
      scf.if %cond3A_170 {
        %add3A_183 = arith.constant 2 : i32
        %add3A_184 = arith.addi %mul3A_105, %add3A_183 : i32
        %dma_wait3A_185 = arith.constant 0 : i32
        %dma_wait3A_186 = arith.constant 0 : i32
        %dma_wait3A_187 = tpu.memref_slice %arg7[%dma_wait3A_185, %dma_wait3A_186] : memref<8x128xi32, #tpu.memory_space<vmem>> -> memref<1x128xi32, #tpu.memory_space<vmem>>
        %dma_wait3A_188 = arith.constant 0 : i32
        %dma_wait3A_189 = tpu.memref_slice %arg3[%add3A, %add3A_184, %dma_wait3A_188] : memref<32x80x128xi32, #tpu.memory_space<hbm>> -> memref<1x1x128xi32, #tpu.memory_space<hbm>>
        %dma_wait3A_190 = tpu.memref_squeeze %dma_wait3A_189 : memref<1x1x128xi32, #tpu.memory_space<hbm>> -> memref<1x128xi32, #tpu.memory_space<hbm>>
        %dma_wait3A_191 = arith.constant 0 : i32
        %dma_wait3A_192 = arith.constant 0 : i32
        %dma_wait3A_193 = tpu.memref_slice %arg7[%dma_wait3A_191, %dma_wait3A_192] : memref<8x128xi32, #tpu.memory_space<vmem>> -> memref<1x128xi32, #tpu.memory_space<vmem>>
        %dma_wait3A_194 = arith.constant 0 : i32
        %dma_wait3A_195 = tpu.memref_slice %arg3[%add3A, %add3A_184, %dma_wait3A_194] : memref<32x80x128xi32, #tpu.memory_space<hbm>> -> memref<1x1x128xi32, #tpu.memory_space<hbm>>
        %dma_wait3A_196 = tpu.memref_squeeze %dma_wait3A_195 : memref<1x1x128xi32, #tpu.memory_space<hbm>> -> memref<1x128xi32, #tpu.memory_space<hbm>>
        tpu.wait_dma2 semaphore(%arg12 : memref<!tpu.dma_semaphore, #tpu.memory_space<semaphore_mem>>) src(%dma_wait3A_196 : memref<1x128xi32, #tpu.memory_space<hbm>>) dst(%dma_wait3A_193 : memref<1x128xi32, #tpu.memory_space<vmem>>)
        %add3A_197 = arith.constant 2 : i32
        %add3A_198 = arith.addi %mul3A_105, %add3A_197 : i32
        %dma_start3A_199 = arith.constant 0 : i32
        %dma_start3A_200 = arith.constant 0 : i32
        %dma_start3A_201 = tpu.memref_slice %arg7[%dma_start3A_199, %dma_start3A_200] : memref<8x128xi32, #tpu.memory_space<vmem>> -> memref<1x128xi32, #tpu.memory_space<vmem>>
        %dma_start3A_202 = tpu.memref_squeeze %dma_start3A_201 : memref<1x128xi32, #tpu.memory_space<vmem>> -> memref<128xi32, #tpu.memory_space<vmem>>
        %dma_start3A_203 = arith.constant 0 : i32
        %dma_start3A_204 = arith.constant 0 : i32
        %dma_start3A_205 = tpu.memref_slice %arg2[%dma_start3A_203, %dma_start3A_204] : memref<10240x128xf32, #tpu.memory_space<hbm>> -> memref<10240x128xf32, #tpu.memory_space<hbm>>
        tpu.enqueue_indirect_dma source(%dma_start3A_205 : memref<10240x128xf32, #tpu.memory_space<hbm>>) target(%arg9 : memref<128x128xf32, #tpu.memory_space<vmem>>) offsets(%dma_start3A_202 : memref<128xi32, #tpu.memory_space<vmem>>) semaphore(%arg14 : memref<!tpu.dma_semaphore, #tpu.memory_space<semaphore_mem>>)
      } else {
      }
      %dma_start3A_171 = arith.constant 0 : i32
      %dma_start3A_172 = tpu.memref_slice %arg6[%add3A_107, %dma_start3A_171] : memref<80x128xi32, #tpu.memory_space<vmem>> -> memref<1x128xi32, #tpu.memory_space<vmem>>
      %dma_start3A_173 = tpu.memref_squeeze %dma_start3A_172 : memref<1x128xi32, #tpu.memory_space<vmem>> -> memref<128xi32, #tpu.memory_space<vmem>>
      %dma_start3A_174 = arith.constant 0 : i32
      %dma_start3A_175 = arith.constant 0 : i32
      %dma_start3A_176 = tpu.memref_slice %arg11[%dma_start3A_174, %dma_start3A_175] : memref<10240x128xf32, #tpu.memory_space<vmem_shared>> -> memref<10240x128xf32, #tpu.memory_space<vmem_shared>>
      tpu.enqueue_indirect_dma source(%arg10 : memref<128x128xf32, #tpu.memory_space<vmem>>) target(%dma_start3A_176 : memref<10240x128xf32, #tpu.memory_space<vmem_shared>>) offsets(%dma_start3A_173 : memref<128xi32, #tpu.memory_space<vmem>>) semaphore(%arg17 : memref<!tpu.dma_semaphore, #tpu.memory_space<semaphore_mem>>) {add = true}
      %dma_wait3A_177 = arith.constant 0 : i32
      %dma_wait3A_178 = tpu.memref_slice %arg6[%add3A_107, %dma_wait3A_177] : memref<80x128xi32, #tpu.memory_space<vmem>> -> memref<1x128xi32, #tpu.memory_space<vmem>>
      %dma_wait3A_179 = tpu.memref_squeeze %dma_wait3A_178 : memref<1x128xi32, #tpu.memory_space<vmem>> -> memref<128xi32, #tpu.memory_space<vmem>>
      %dma_wait3A_180 = arith.constant 0 : i32
      %dma_wait3A_181 = arith.constant 0 : i32
      %dma_wait3A_182 = tpu.memref_slice %arg11[%dma_wait3A_180, %dma_wait3A_181] : memref<10240x128xf32, #tpu.memory_space<vmem_shared>> -> memref<10240x128xf32, #tpu.memory_space<vmem_shared>>
      tpu.wait_indirect_dma semaphore(%arg17 : memref<!tpu.dma_semaphore, #tpu.memory_space<semaphore_mem>>) src(%arg10 : memref<128x128xf32, #tpu.memory_space<vmem>>) dst(%dma_wait3A_182 : memref<10240x128xf32, #tpu.memory_space<vmem_shared>>)
    }
    %scan3A_77 = arith.constant 40 : i32
    %barrier3A_78 = arith.constant 0 : index
    tpu.barrier barrier_id(%barrier3A_78)
    %mul3A_79 = arith.constant 640 : i32
    %mul3A_80 = arith.muli %arg1, %mul3A_79 : i32
    %add3A_81 = arith.constant 0 : i32
    %add3A_82 = arith.addi %mul3A_80, %add3A_81 : i32
    "tpu.region"() ({
      %run_scoped3A = tpu.sem_alloc : memref<!tpu.dma_semaphore, #tpu.memory_space<semaphore_mem>>
      %dma_start3A_99 = arith.constant 0 : i32
      %dma_start3A_100 = tpu.memref_slice %arg11[%add3A_82, %dma_start3A_99] : memref<10240x128xf32, #tpu.memory_space<vmem_shared>> -> memref<128x128xf32, #tpu.memory_space<vmem_shared>>
      %dma_start3A_101 = arith.constant 0 : i32
      %dma_start3A_102 = tpu.memref_slice %arg11[%add3A_82, %dma_start3A_101] : memref<10240x128xf32, #tpu.memory_space<vmem_shared>> -> memref<128x128xf32, #tpu.memory_space<vmem_shared>>
      tpu.enqueue_dma source(%dma_start3A_102 : memref<128x128xf32, #tpu.memory_space<vmem_shared>>) target(%arg9 : memref<128x128xf32, #tpu.memory_space<vmem>>) target_semaphore(%run_scoped3A : memref<!tpu.dma_semaphore, #tpu.memory_space<semaphore_mem>>)
      %dma_wait3A_103 = arith.constant 0 : i32
      %dma_wait3A_104 = tpu.memref_slice %arg11[%add3A_82, %dma_wait3A_103] : memref<10240x128xf32, #tpu.memory_space<vmem_shared>> -> memref<128x128xf32, #tpu.memory_space<vmem_shared>>
      %dma_wait3A_105 = arith.constant 0 : i32
      %dma_wait3A_106 = tpu.memref_slice %arg11[%add3A_82, %dma_wait3A_105] : memref<10240x128xf32, #tpu.memory_space<vmem_shared>> -> memref<128x128xf32, #tpu.memory_space<vmem_shared>>
      tpu.wait_dma2 semaphore(%run_scoped3A : memref<!tpu.dma_semaphore, #tpu.memory_space<semaphore_mem>>) src(%dma_wait3A_106 : memref<128x128xf32, #tpu.memory_space<vmem_shared>>) dst(%arg9 : memref<128x128xf32, #tpu.memory_space<vmem>>)
      tpu.yield
    }) : () -> ()
    "tpu.region"() ({
      %run_scoped3A = tpu.sem_alloc : memref<!tpu.dma_semaphore, #tpu.memory_space<semaphore_mem>>
      %dma_start3A_99 = arith.constant 0 : i32
      %dma_start3A_100 = tpu.memref_slice %arg5[%arg0, %add3A_82, %dma_start3A_99] : memref<2x10240x128xf32, #tpu.memory_space<hbm>> -> memref<1x128x128xf32, #tpu.memory_space<hbm>>
      %dma_start3A_101 = tpu.memref_squeeze %dma_start3A_100 : memref<1x128x128xf32, #tpu.memory_space<hbm>> -> memref<128x128xf32, #tpu.memory_space<hbm>>
      %dma_start3A_102 = arith.constant 0 : i32
      %dma_start3A_103 = tpu.memref_slice %arg5[%arg0, %add3A_82, %dma_start3A_102] : memref<2x10240x128xf32, #tpu.memory_space<hbm>> -> memref<1x128x128xf32, #tpu.memory_space<hbm>>
      %dma_start3A_104 = tpu.memref_squeeze %dma_start3A_103 : memref<1x128x128xf32, #tpu.memory_space<hbm>> -> memref<128x128xf32, #tpu.memory_space<hbm>>
      tpu.enqueue_dma source(%arg9 : memref<128x128xf32, #tpu.memory_space<vmem>>) target(%dma_start3A_104 : memref<128x128xf32, #tpu.memory_space<hbm>>) target_semaphore(%run_scoped3A : memref<!tpu.dma_semaphore, #tpu.memory_space<semaphore_mem>>)
      %dma_wait3A_105 = arith.constant 0 : i32
      %dma_wait3A_106 = tpu.memref_slice %arg5[%arg0, %add3A_82, %dma_wait3A_105] : memref<2x10240x128xf32, #tpu.memory_space<hbm>> -> memref<1x128x128xf32, #tpu.memory_space<hbm>>
      %dma_wait3A_107 = tpu.memref_squeeze %dma_wait3A_106 : memref<1x128x128xf32, #tpu.memory_space<hbm>> -> memref<128x128xf32, #tpu.memory_space<hbm>>
      %dma_wait3A_108 = arith.constant 0 : i32
      %dma_wait3A_109 = tpu.memref_slice %arg5[%arg0, %add3A_82, %dma_wait3A_108] : memref<2x10240x128xf32, #tpu.memory_space<hbm>> -> memref<1x128x128xf32, #tpu.memory_space<hbm>>
      %dma_wait3A_110 = tpu.memref_squeeze %dma_wait3A_109 : memref<1x128x128xf32, #tpu.memory_space<hbm>> -> memref<128x128xf32, #tpu.memory_space<hbm>>
      tpu.wait_dma2 semaphore(%run_scoped3A : memref<!tpu.dma_semaphore, #tpu.memory_space<semaphore_mem>>) src(%arg9 : memref<128x128xf32, #tpu.memory_space<vmem>>) dst(%dma_wait3A_110 : memref<128x128xf32, #tpu.memory_space<hbm>>)
      tpu.yield
    }) : () -> ()
    %mul3A_83 = arith.constant 640 : i32
    %mul3A_84 = arith.muli %arg1, %mul3A_83 : i32
    %add3A_85 = arith.constant 128 : i32
    %add3A_86 = arith.addi %mul3A_84, %add3A_85 : i32
    "tpu.region"() ({
      %run_scoped3A = tpu.sem_alloc : memref<!tpu.dma_semaphore, #tpu.memory_space<semaphore_mem>>
      %dma_start3A_99 = arith.constant 0 : i32
      %dma_start3A_100 = tpu.memref_slice %arg11[%add3A_86, %dma_start3A_99] : memref<10240x128xf32, #tpu.memory_space<vmem_shared>> -> memref<128x128xf32, #tpu.memory_space<vmem_shared>>
      %dma_start3A_101 = arith.constant 0 : i32
      %dma_start3A_102 = tpu.memref_slice %arg11[%add3A_86, %dma_start3A_101] : memref<10240x128xf32, #tpu.memory_space<vmem_shared>> -> memref<128x128xf32, #tpu.memory_space<vmem_shared>>
      tpu.enqueue_dma source(%dma_start3A_102 : memref<128x128xf32, #tpu.memory_space<vmem_shared>>) target(%arg9 : memref<128x128xf32, #tpu.memory_space<vmem>>) target_semaphore(%run_scoped3A : memref<!tpu.dma_semaphore, #tpu.memory_space<semaphore_mem>>)
      %dma_wait3A_103 = arith.constant 0 : i32
      %dma_wait3A_104 = tpu.memref_slice %arg11[%add3A_86, %dma_wait3A_103] : memref<10240x128xf32, #tpu.memory_space<vmem_shared>> -> memref<128x128xf32, #tpu.memory_space<vmem_shared>>
      %dma_wait3A_105 = arith.constant 0 : i32
      %dma_wait3A_106 = tpu.memref_slice %arg11[%add3A_86, %dma_wait3A_105] : memref<10240x128xf32, #tpu.memory_space<vmem_shared>> -> memref<128x128xf32, #tpu.memory_space<vmem_shared>>
      tpu.wait_dma2 semaphore(%run_scoped3A : memref<!tpu.dma_semaphore, #tpu.memory_space<semaphore_mem>>) src(%dma_wait3A_106 : memref<128x128xf32, #tpu.memory_space<vmem_shared>>) dst(%arg9 : memref<128x128xf32, #tpu.memory_space<vmem>>)
      tpu.yield
    }) : () -> ()
    "tpu.region"() ({
      %run_scoped3A = tpu.sem_alloc : memref<!tpu.dma_semaphore, #tpu.memory_space<semaphore_mem>>
      %dma_start3A_99 = arith.constant 0 : i32
      %dma_start3A_100 = tpu.memref_slice %arg5[%arg0, %add3A_86, %dma_start3A_99] : memref<2x10240x128xf32, #tpu.memory_space<hbm>> -> memref<1x128x128xf32, #tpu.memory_space<hbm>>
      %dma_start3A_101 = tpu.memref_squeeze %dma_start3A_100 : memref<1x128x128xf32, #tpu.memory_space<hbm>> -> memref<128x128xf32, #tpu.memory_space<hbm>>
      %dma_start3A_102 = arith.constant 0 : i32
      %dma_start3A_103 = tpu.memref_slice %arg5[%arg0, %add3A_86, %dma_start3A_102] : memref<2x10240x128xf32, #tpu.memory_space<hbm>> -> memref<1x128x128xf32, #tpu.memory_space<hbm>>
      %dma_start3A_104 = tpu.memref_squeeze %dma_start3A_103 : memref<1x128x128xf32, #tpu.memory_space<hbm>> -> memref<128x128xf32, #tpu.memory_space<hbm>>
      tpu.enqueue_dma source(%arg9 : memref<128x128xf32, #tpu.memory_space<vmem>>) target(%dma_start3A_104 : memref<128x128xf32, #tpu.memory_space<hbm>>) target_semaphore(%run_scoped3A : memref<!tpu.dma_semaphore, #tpu.memory_space<semaphore_mem>>)
      %dma_wait3A_105 = arith.constant 0 : i32
      %dma_wait3A_106 = tpu.memref_slice %arg5[%arg0, %add3A_86, %dma_wait3A_105] : memref<2x10240x128xf32, #tpu.memory_space<hbm>> -> memref<1x128x128xf32, #tpu.memory_space<hbm>>
      %dma_wait3A_107 = tpu.memref_squeeze %dma_wait3A_106 : memref<1x128x128xf32, #tpu.memory_space<hbm>> -> memref<128x128xf32, #tpu.memory_space<hbm>>
      %dma_wait3A_108 = arith.constant 0 : i32
      %dma_wait3A_109 = tpu.memref_slice %arg5[%arg0, %add3A_86, %dma_wait3A_108] : memref<2x10240x128xf32, #tpu.memory_space<hbm>> -> memref<1x128x128xf32, #tpu.memory_space<hbm>>
      %dma_wait3A_110 = tpu.memref_squeeze %dma_wait3A_109 : memref<1x128x128xf32, #tpu.memory_space<hbm>> -> memref<128x128xf32, #tpu.memory_space<hbm>>
      tpu.wait_dma2 semaphore(%run_scoped3A : memref<!tpu.dma_semaphore, #tpu.memory_space<semaphore_mem>>) src(%arg9 : memref<128x128xf32, #tpu.memory_space<vmem>>) dst(%dma_wait3A_110 : memref<128x128xf32, #tpu.memory_space<hbm>>)
      tpu.yield
    }) : () -> ()
    %mul3A_87 = arith.constant 640 : i32
    %mul3A_88 = arith.muli %arg1, %mul3A_87 : i32
    %add3A_89 = arith.constant 256 : i32
    %add3A_90 = arith.addi %mul3A_88, %add3A_89 : i32
    "tpu.region"() ({
      %run_scoped3A = tpu.sem_alloc : memref<!tpu.dma_semaphore, #tpu.memory_space<semaphore_mem>>
      %dma_start3A_99 = arith.constant 0 : i32
      %dma_start3A_100 = tpu.memref_slice %arg11[%add3A_90, %dma_start3A_99] : memref<10240x128xf32, #tpu.memory_space<vmem_shared>> -> memref<128x128xf32, #tpu.memory_space<vmem_shared>>
      %dma_start3A_101 = arith.constant 0 : i32
      %dma_start3A_102 = tpu.memref_slice %arg11[%add3A_90, %dma_start3A_101] : memref<10240x128xf32, #tpu.memory_space<vmem_shared>> -> memref<128x128xf32, #tpu.memory_space<vmem_shared>>
      tpu.enqueue_dma source(%dma_start3A_102 : memref<128x128xf32, #tpu.memory_space<vmem_shared>>) target(%arg9 : memref<128x128xf32, #tpu.memory_space<vmem>>) target_semaphore(%run_scoped3A : memref<!tpu.dma_semaphore, #tpu.memory_space<semaphore_mem>>)
      %dma_wait3A_103 = arith.constant 0 : i32
      %dma_wait3A_104 = tpu.memref_slice %arg11[%add3A_90, %dma_wait3A_103] : memref<10240x128xf32, #tpu.memory_space<vmem_shared>> -> memref<128x128xf32, #tpu.memory_space<vmem_shared>>
      %dma_wait3A_105 = arith.constant 0 : i32
      %dma_wait3A_106 = tpu.memref_slice %arg11[%add3A_90, %dma_wait3A_105] : memref<10240x128xf32, #tpu.memory_space<vmem_shared>> -> memref<128x128xf32, #tpu.memory_space<vmem_shared>>
      tpu.wait_dma2 semaphore(%run_scoped3A : memref<!tpu.dma_semaphore, #tpu.memory_space<semaphore_mem>>) src(%dma_wait3A_106 : memref<128x128xf32, #tpu.memory_space<vmem_shared>>) dst(%arg9 : memref<128x128xf32, #tpu.memory_space<vmem>>)
      tpu.yield
    }) : () -> ()
    "tpu.region"() ({
      %run_scoped3A = tpu.sem_alloc : memref<!tpu.dma_semaphore, #tpu.memory_space<semaphore_mem>>
      %dma_start3A_99 = arith.constant 0 : i32
      %dma_start3A_100 = tpu.memref_slice %arg5[%arg0, %add3A_90, %dma_start3A_99] : memref<2x10240x128xf32, #tpu.memory_space<hbm>> -> memref<1x128x128xf32, #tpu.memory_space<hbm>>
      %dma_start3A_101 = tpu.memref_squeeze %dma_start3A_100 : memref<1x128x128xf32, #tpu.memory_space<hbm>> -> memref<128x128xf32, #tpu.memory_space<hbm>>
      %dma_start3A_102 = arith.constant 0 : i32
      %dma_start3A_103 = tpu.memref_slice %arg5[%arg0, %add3A_90, %dma_start3A_102] : memref<2x10240x128xf32, #tpu.memory_space<hbm>> -> memref<1x128x128xf32, #tpu.memory_space<hbm>>
      %dma_start3A_104 = tpu.memref_squeeze %dma_start3A_103 : memref<1x128x128xf32, #tpu.memory_space<hbm>> -> memref<128x128xf32, #tpu.memory_space<hbm>>
      tpu.enqueue_dma source(%arg9 : memref<128x128xf32, #tpu.memory_space<vmem>>) target(%dma_start3A_104 : memref<128x128xf32, #tpu.memory_space<hbm>>) target_semaphore(%run_scoped3A : memref<!tpu.dma_semaphore, #tpu.memory_space<semaphore_mem>>)
      %dma_wait3A_105 = arith.constant 0 : i32
      %dma_wait3A_106 = tpu.memref_slice %arg5[%arg0, %add3A_90, %dma_wait3A_105] : memref<2x10240x128xf32, #tpu.memory_space<hbm>> -> memref<1x128x128xf32, #tpu.memory_space<hbm>>
      %dma_wait3A_107 = tpu.memref_squeeze %dma_wait3A_106 : memref<1x128x128xf32, #tpu.memory_space<hbm>> -> memref<128x128xf32, #tpu.memory_space<hbm>>
      %dma_wait3A_108 = arith.constant 0 : i32
      %dma_wait3A_109 = tpu.memref_slice %arg5[%arg0, %add3A_90, %dma_wait3A_108] : memref<2x10240x128xf32, #tpu.memory_space<hbm>> -> memref<1x128x128xf32, #tpu.memory_space<hbm>>
      %dma_wait3A_110 = tpu.memref_squeeze %dma_wait3A_109 : memref<1x128x128xf32, #tpu.memory_space<hbm>> -> memref<128x128xf32, #tpu.memory_space<hbm>>
      tpu.wait_dma2 semaphore(%run_scoped3A : memref<!tpu.dma_semaphore, #tpu.memory_space<semaphore_mem>>) src(%arg9 : memref<128x128xf32, #tpu.memory_space<vmem>>) dst(%dma_wait3A_110 : memref<128x128xf32, #tpu.memory_space<hbm>>)
      tpu.yield
    }) : () -> ()
    %mul3A_91 = arith.constant 640 : i32
    %mul3A_92 = arith.muli %arg1, %mul3A_91 : i32
    %add3A_93 = arith.constant 384 : i32
    %add3A_94 = arith.addi %mul3A_92, %add3A_93 : i32
    "tpu.region"() ({
      %run_scoped3A = tpu.sem_alloc : memref<!tpu.dma_semaphore, #tpu.memory_space<semaphore_mem>>
      %dma_start3A_99 = arith.constant 0 : i32
      %dma_start3A_100 = tpu.memref_slice %arg11[%add3A_94, %dma_start3A_99] : memref<10240x128xf32, #tpu.memory_space<vmem_shared>> -> memref<128x128xf32, #tpu.memory_space<vmem_shared>>
      %dma_start3A_101 = arith.constant 0 : i32
      %dma_start3A_102 = tpu.memref_slice %arg11[%add3A_94, %dma_start3A_101] : memref<10240x128xf32, #tpu.memory_space<vmem_shared>> -> memref<128x128xf32, #tpu.memory_space<vmem_shared>>
      tpu.enqueue_dma source(%dma_start3A_102 : memref<128x128xf32, #tpu.memory_space<vmem_shared>>) target(%arg9 : memref<128x128xf32, #tpu.memory_space<vmem>>) target_semaphore(%run_scoped3A : memref<!tpu.dma_semaphore, #tpu.memory_space<semaphore_mem>>)
      %dma_wait3A_103 = arith.constant 0 : i32
      %dma_wait3A_104 = tpu.memref_slice %arg11[%add3A_94, %dma_wait3A_103] : memref<10240x128xf32, #tpu.memory_space<vmem_shared>> -> memref<128x128xf32, #tpu.memory_space<vmem_shared>>
      %dma_wait3A_105 = arith.constant 0 : i32
      %dma_wait3A_106 = tpu.memref_slice %arg11[%add3A_94, %dma_wait3A_105] : memref<10240x128xf32, #tpu.memory_space<vmem_shared>> -> memref<128x128xf32, #tpu.memory_space<vmem_shared>>
      tpu.wait_dma2 semaphore(%run_scoped3A : memref<!tpu.dma_semaphore, #tpu.memory_space<semaphore_mem>>) src(%dma_wait3A_106 : memref<128x128xf32, #tpu.memory_space<vmem_shared>>) dst(%arg9 : memref<128x128xf32, #tpu.memory_space<vmem>>)
      tpu.yield
    }) : () -> ()
    "tpu.region"() ({
      %run_scoped3A = tpu.sem_alloc : memref<!tpu.dma_semaphore, #tpu.memory_space<semaphore_mem>>
      %dma_start3A_99 = arith.constant 0 : i32
      %dma_start3A_100 = tpu.memref_slice %arg5[%arg0, %add3A_94, %dma_start3A_99] : memref<2x10240x128xf32, #tpu.memory_space<hbm>> -> memref<1x128x128xf32, #tpu.memory_space<hbm>>
      %dma_start3A_101 = tpu.memref_squeeze %dma_start3A_100 : memref<1x128x128xf32, #tpu.memory_space<hbm>> -> memref<128x128xf32, #tpu.memory_space<hbm>>
      %dma_start3A_102 = arith.constant 0 : i32
      %dma_start3A_103 = tpu.memref_slice %arg5[%arg0, %add3A_94, %dma_start3A_102] : memref<2x10240x128xf32, #tpu.memory_space<hbm>> -> memref<1x128x128xf32, #tpu.memory_space<hbm>>
      %dma_start3A_104 = tpu.memref_squeeze %dma_start3A_103 : memref<1x128x128xf32, #tpu.memory_space<hbm>> -> memref<128x128xf32, #tpu.memory_space<hbm>>
      tpu.enqueue_dma source(%arg9 : memref<128x128xf32, #tpu.memory_space<vmem>>) target(%dma_start3A_104 : memref<128x128xf32, #tpu.memory_space<hbm>>) target_semaphore(%run_scoped3A : memref<!tpu.dma_semaphore, #tpu.memory_space<semaphore_mem>>)
      %dma_wait3A_105 = arith.constant 0 : i32
      %dma_wait3A_106 = tpu.memref_slice %arg5[%arg0, %add3A_94, %dma_wait3A_105] : memref<2x10240x128xf32, #tpu.memory_space<hbm>> -> memref<1x128x128xf32, #tpu.memory_space<hbm>>
      %dma_wait3A_107 = tpu.memref_squeeze %dma_wait3A_106 : memref<1x128x128xf32, #tpu.memory_space<hbm>> -> memref<128x128xf32, #tpu.memory_space<hbm>>
      %dma_wait3A_108 = arith.constant 0 : i32
      %dma_wait3A_109 = tpu.memref_slice %arg5[%arg0, %add3A_94, %dma_wait3A_108] : memref<2x10240x128xf32, #tpu.memory_space<hbm>> -> memref<1x128x128xf32, #tpu.memory_space<hbm>>
      %dma_wait3A_110 = tpu.memref_squeeze %dma_wait3A_109 : memref<1x128x128xf32, #tpu.memory_space<hbm>> -> memref<128x128xf32, #tpu.memory_space<hbm>>
      tpu.wait_dma2 semaphore(%run_scoped3A : memref<!tpu.dma_semaphore, #tpu.memory_space<semaphore_mem>>) src(%arg9 : memref<128x128xf32, #tpu.memory_space<vmem>>) dst(%dma_wait3A_110 : memref<128x128xf32, #tpu.memory_space<hbm>>)
      tpu.yield
    }) : () -> ()
    %mul3A_95 = arith.constant 640 : i32
    %mul3A_96 = arith.muli %arg1, %mul3A_95 : i32
    %add3A_97 = arith.constant 512 : i32
    %add3A_98 = arith.addi %mul3A_96, %add3A_97 : i32
    "tpu.region"() ({
      %run_scoped3A = tpu.sem_alloc : memref<!tpu.dma_semaphore, #tpu.memory_space<semaphore_mem>>
      %dma_start3A_99 = arith.constant 0 : i32
      %dma_start3A_100 = tpu.memref_slice %arg11[%add3A_98, %dma_start3A_99] : memref<10240x128xf32, #tpu.memory_space<vmem_shared>> -> memref<128x128xf32, #tpu.memory_space<vmem_shared>>
      %dma_start3A_101 = arith.constant 0 : i32
      %dma_start3A_102 = tpu.memref_slice %arg11[%add3A_98, %dma_start3A_101] : memref<10240x128xf32, #tpu.memory_space<vmem_shared>> -> memref<128x128xf32, #tpu.memory_space<vmem_shared>>
      tpu.enqueue_dma source(%dma_start3A_102 : memref<128x128xf32, #tpu.memory_space<vmem_shared>>) target(%arg9 : memref<128x128xf32, #tpu.memory_space<vmem>>) target_semaphore(%run_scoped3A : memref<!tpu.dma_semaphore, #tpu.memory_space<semaphore_mem>>)
      %dma_wait3A_103 = arith.constant 0 : i32
      %dma_wait3A_104 = tpu.memref_slice %arg11[%add3A_98, %dma_wait3A_103] : memref<10240x128xf32, #tpu.memory_space<vmem_shared>> -> memref<128x128xf32, #tpu.memory_space<vmem_shared>>
      %dma_wait3A_105 = arith.constant 0 : i32
      %dma_wait3A_106 = tpu.memref_slice %arg11[%add3A_98, %dma_wait3A_105] : memref<10240x128xf32, #tpu.memory_space<vmem_shared>> -> memref<128x128xf32, #tpu.memory_space<vmem_shared>>
      tpu.wait_dma2 semaphore(%run_scoped3A : memref<!tpu.dma_semaphore, #tpu.memory_space<semaphore_mem>>) src(%dma_wait3A_106 : memref<128x128xf32, #tpu.memory_space<vmem_shared>>) dst(%arg9 : memref<128x128xf32, #tpu.memory_space<vmem>>)
      tpu.yield
    }) : () -> ()
    "tpu.region"() ({
      %run_scoped3A = tpu.sem_alloc : memref<!tpu.dma_semaphore, #tpu.memory_space<semaphore_mem>>
      %dma_start3A_99 = arith.constant 0 : i32
      %dma_start3A_100 = tpu.memref_slice %arg5[%arg0, %add3A_98, %dma_start3A_99] : memref<2x10240x128xf32, #tpu.memory_space<hbm>> -> memref<1x128x128xf32, #tpu.memory_space<hbm>>
      %dma_start3A_101 = tpu.memref_squeeze %dma_start3A_100 : memref<1x128x128xf32, #tpu.memory_space<hbm>> -> memref<128x128xf32, #tpu.memory_space<hbm>>
      %dma_start3A_102 = arith.constant 0 : i32
      %dma_start3A_103 = tpu.memref_slice %arg5[%arg0, %add3A_98, %dma_start3A_102] : memref<2x10240x128xf32, #tpu.memory_space<hbm>> -> memref<1x128x128xf32, #tpu.memory_space<hbm>>
      %dma_start3A_104 = tpu.memref_squeeze %dma_start3A_103 : memref<1x128x128xf32, #tpu.memory_space<hbm>> -> memref<128x128xf32, #tpu.memory_space<hbm>>
      tpu.enqueue_dma source(%arg9 : memref<128x128xf32, #tpu.memory_space<vmem>>) target(%dma_start3A_104 : memref<128x128xf32, #tpu.memory_space<hbm>>) target_semaphore(%run_scoped3A : memref<!tpu.dma_semaphore, #tpu.memory_space<semaphore_mem>>)
      %dma_wait3A_105 = arith.constant 0 : i32
      %dma_wait3A_106 = tpu.memref_slice %arg5[%arg0, %add3A_98, %dma_wait3A_105] : memref<2x10240x128xf32, #tpu.memory_space<hbm>> -> memref<1x128x128xf32, #tpu.memory_space<hbm>>
      %dma_wait3A_107 = tpu.memref_squeeze %dma_wait3A_106 : memref<1x128x128xf32, #tpu.memory_space<hbm>> -> memref<128x128xf32, #tpu.memory_space<hbm>>
      %dma_wait3A_108 = arith.constant 0 : i32
      %dma_wait3A_109 = tpu.memref_slice %arg5[%arg0, %add3A_98, %dma_wait3A_108] : memref<2x10240x128xf32, #tpu.memory_space<hbm>> -> memref<1x128x128xf32, #tpu.memory_space<hbm>>
      %dma_wait3A_110 = tpu.memref_squeeze %dma_wait3A_109 : memref<1x128x128xf32, #tpu.memory_space<hbm>> -> memref<128x128xf32, #tpu.memory_space<hbm>>
      tpu.wait_dma2 semaphore(%run_scoped3A : memref<!tpu.dma_semaphore, #tpu.memory_space<semaphore_mem>>) src(%arg9 : memref<128x128xf32, #tpu.memory_space<vmem>>) dst(%dma_wait3A_110 : memref<128x128xf32, #tpu.memory_space<hbm>>)
      tpu.yield
    }) : () -> ()
    return
  }
}

module attributes {stable_mosaic.version = 14 : i64} {
  func.func @body(%arg0: i32, %arg1: memref<512x128xf32, #tpu.memory_space<vmem>>, %arg2: memref<128x16xf32, #tpu.memory_space<vmem>>, %arg3: memref<128x16xf32, #tpu.memory_space<vmem>>, %arg4: memref<1x16xf32, #tpu.memory_space<vmem>>, %arg5: memref<512x128xf32, #tpu.memory_space<vmem>>, %arg6: memref<512x16xf32, #tpu.memory_space<vmem>>) attributes {dimension_semantics = [#tpu.dimension_semantics<arbitrary>], iteration_bounds = array<i64: 20>, scalar_prefetch = 0 : i64, scratch_operands = 0 : i64, tpu.core_type = #tpu.core_type<tc>, window_params = [{transform_indices = @transform_0, window_bounds = array<i64: 512, 128>}, {pipeline_mode = #tpu.pipeline_mode<synchronous>, transform_indices = @transform_1, window_bounds = array<i64: 128, 16>}, {pipeline_mode = #tpu.pipeline_mode<synchronous>, transform_indices = @transform_2, window_bounds = array<i64: 128, 16>}, {pipeline_mode = #tpu.pipeline_mode<synchronous>, transform_indices = @transform_3, window_bounds = array<i64: 1, 16>}, {transform_indices = @transform_4, window_bounds = array<i64: 512, 128>}, {transform_indices = @transform_5, window_bounds = array<i64: 512, 16>}]} {
    %get3A = arith.constant 0 : index
    %get3A_0 = arith.constant 0 : index
    %get3A_1 = vector.load %arg1[%get3A, %get3A_0] : memref<512x128xf32, #tpu.memory_space<vmem>>, vector<512x128xf32>
    %get3A_2 = arith.constant 0 : index
    %get3A_3 = arith.constant 0 : index
    %get3A_4 = vector.load %arg2[%get3A_2, %get3A_3] : memref<128x16xf32, #tpu.memory_space<vmem>>, vector<128x16xf32>
    %dot_general3A = arith.constant dense<0.000000e+00> : vector<512x16xf32>
    %dot_general3A_5 = tpu.matmul %get3A_1, %get3A_4, %dot_general3A {dimension_numbers = #tpu.dot_dimension_numbers<[1], [0], [0], [1], [0, 0, 1, 1], [], []>, transpose_lhs_hint = false} : vector<512x128xf32>, vector<128x16xf32>, vector<512x16xf32> -> vector<512x16xf32>
    %broadcast_in_dim3A = arith.constant 1.000000e+00 : f32
    %broadcast_in_dim3A_6 = vector.broadcast %broadcast_in_dim3A : f32 to vector<512x1xf32>
    %broadcast_in_dim3A_7 = arith.constant 0.000000e+00 : f32
    %broadcast_in_dim3A_8 = vector.broadcast %broadcast_in_dim3A_7 : f32 to vector<512x111xf32>
    %concatenate3A = tpu.concatenate %dot_general3A_5, %broadcast_in_dim3A_6, %broadcast_in_dim3A_8 in 1 : vector<512x16xf32>, vector<512x1xf32>, vector<512x111xf32> -> vector<512x128xf32>
    %swap3A = arith.constant 0 : index
    %swap3A_9 = arith.constant 0 : index
    %swap3A_10 = vector.load %arg5[%swap3A, %swap3A_9] : memref<512x128xf32, #tpu.memory_space<vmem>>, vector<512x128xf32>
    tpu.vector_store %arg5[%swap3A, %swap3A_9], %concatenate3A {strides = array<i32>} : memref<512x128xf32, #tpu.memory_space<vmem>>, vector<512x128xf32>,
    %get3A_11 = arith.constant 0 : index
    %get3A_12 = arith.constant 0 : index
    %get3A_13 = vector.load %arg3[%get3A_11, %get3A_12] : memref<128x16xf32, #tpu.memory_space<vmem>>, vector<128x16xf32>
    %dot_general3A_14 = arith.constant dense<0.000000e+00> : vector<512x16xf32>
    %dot_general3A_15 = tpu.matmul %get3A_1, %get3A_13, %dot_general3A_14 {dimension_numbers = #tpu.dot_dimension_numbers<[1], [0], [0], [1], [0, 0, 1, 1], [], []>, transpose_lhs_hint = false} : vector<512x128xf32>, vector<128x16xf32>, vector<512x16xf32> -> vector<512x16xf32>
    %get3A_16 = arith.constant 0 : index
    %get3A_17 = arith.constant 0 : index
    %get3A_18 = vector.load %arg4[%get3A_16, %get3A_17] : memref<1x16xf32, #tpu.memory_space<vmem>>, vector<1x16xf32>
    %add3A = vector.broadcast %get3A_18 : vector<1x16xf32> to vector<512x16xf32>
    %add3A_19 = arith.addf %dot_general3A_15, %add3A : vector<512x16xf32>
    %swap3A_20 = arith.constant 0 : index
    %swap3A_21 = arith.constant 0 : index
    %swap3A_22 = vector.load %arg6[%swap3A_20, %swap3A_21] : memref<512x16xf32, #tpu.memory_space<vmem>>, vector<512x16xf32>
    tpu.vector_store %arg6[%swap3A_20, %swap3A_21], %add3A_19 {strides = array<i32>} : memref<512x16xf32, #tpu.memory_space<vmem>>, vector<512x16xf32>,
    return
  }
  func.func @transform_0(%arg0: i32) -> (i32, i32) {
    %c0_i32 = arith.constant 0 : i32
    %c0_i32_0 = arith.constant 0 : i32
    return %arg0, %c0_i32 : i32, i32
  }
  func.func @transform_1(%arg0: i32) -> (i32, i32) {
    %c0_i32 = arith.constant 0 : i32
    %c0_i32_0 = arith.constant 0 : i32
    %c0_i32_1 = arith.constant 0 : i32
    return %c0_i32, %c0_i32_0 : i32, i32
  }
  func.func @transform_2(%arg0: i32) -> (i32, i32) {
    %c0_i32 = arith.constant 0 : i32
    %c0_i32_0 = arith.constant 0 : i32
    %c0_i32_1 = arith.constant 0 : i32
    return %c0_i32, %c0_i32_0 : i32, i32
  }
  func.func @transform_3(%arg0: i32) -> (i32, i32) {
    %c0_i32 = arith.constant 0 : i32
    %c0_i32_0 = arith.constant 0 : i32
    %c0_i32_1 = arith.constant 0 : i32
    return %c0_i32, %c0_i32_0 : i32, i32
  }
  func.func @transform_4(%arg0: i32) -> (i32, i32) {
    %c0_i32 = arith.constant 0 : i32
    %c0_i32_0 = arith.constant 0 : i32
    return %arg0, %c0_i32 : i32, i32
  }
  func.func @transform_5(%arg0: i32) -> (i32, i32) {
    %c0_i32 = arith.constant 0 : i32
    %c0_i32_0 = arith.constant 0 : i32
    return %arg0, %c0_i32 : i32, i32
  }
}

module attributes {stable_mosaic.version = 14 : i64} {
  func.func @body(%arg0: i32, %arg1: memref<2x512x128xf32, #tpu.memory_space<vmem>>, %arg2: memref<512x16xf32, #tpu.memory_space<vmem>>, %arg3: memref<512x128xf32, #tpu.memory_space<vmem>>, %arg4: memref<512x16xf32, #tpu.memory_space<vmem>>) attributes {dimension_semantics = [#tpu.dimension_semantics<arbitrary>], iteration_bounds = array<i64: 20>, scalar_prefetch = 0 : i64, scratch_operands = 0 : i64, tpu.core_type = #tpu.core_type<tc>, window_params = [{transform_indices = @transform_0, window_bounds = array<i64: 2, 512, 128>}, {transform_indices = @transform_1, window_bounds = array<i64: 512, 16>}, {transform_indices = @transform_2, window_bounds = array<i64: 512, 128>}, {transform_indices = @transform_3, window_bounds = array<i64: 512, 16>}]} {
    %get3A = arith.constant 0 : index
    %get3A_0 = arith.constant 0 : index
    %get3A_1 = arith.constant 0 : index
    %get3A_2 = vector.load %arg1[%get3A, %get3A_0, %get3A_1] : memref<2x512x128xf32, #tpu.memory_space<vmem>>, vector<1x512x128xf32>
    %get3A_3 = vector.shape_cast %get3A_2 : vector<1x512x128xf32> to vector<512x128xf32>
    %get3A_4 = arith.constant 1 : index
    %get3A_5 = arith.constant 0 : index
    %get3A_6 = arith.constant 0 : index
    %get3A_7 = vector.load %arg1[%get3A_4, %get3A_5, %get3A_6] : memref<2x512x128xf32, #tpu.memory_space<vmem>>, vector<1x512x128xf32>
    %get3A_8 = vector.shape_cast %get3A_7 : vector<1x512x128xf32> to vector<512x128xf32>
    %add3A = arith.addf %get3A_3, %get3A_8 : vector<512x128xf32>
    %slice3A = vector.extract_strided_slice %add3A {offsets = [0, 16], sizes = [512, 1], strides = [1, 1]} : vector<512x128xf32> to vector<512x1xf32>
    %max3A = arith.constant 1.000000e+00 : f32
    %max3A_9 = vector.broadcast %max3A : f32 to vector<512x1xf32>
    %max3A_10 = arith.maximumf %slice3A, %max3A_9 : vector<512x1xf32>
    %slice3A_11 = vector.extract_strided_slice %add3A {offsets = [0, 0], sizes = [512, 16], strides = [1, 1]} : vector<512x128xf32> to vector<512x16xf32>
    %div3A = vector.broadcast %max3A_10 : vector<512x1xf32> to vector<512x16xf32>
    %div3A_12 = arith.divf %slice3A_11, %div3A : vector<512x16xf32>
    %get3A_13 = arith.constant 0 : index
    %get3A_14 = arith.constant 0 : index
    %get3A_15 = vector.load %arg2[%get3A_13, %get3A_14] : memref<512x16xf32, #tpu.memory_space<vmem>>, vector<512x16xf32>
    %add3A_16 = arith.addf %div3A_12, %get3A_15 : vector<512x16xf32>
    %max3A_17 = arith.constant 0.000000e+00 : f32
    %max3A_18 = vector.broadcast %max3A_17 : f32 to vector<512x16xf32>
    %max3A_19 = arith.maximumf %add3A_16, %max3A_18 : vector<512x16xf32>
    %broadcast_in_dim3A = arith.constant 0.000000e+00 : f32
    %broadcast_in_dim3A_20 = vector.broadcast %broadcast_in_dim3A : f32 to vector<512x112xf32>
    %concatenate3A = tpu.concatenate %max3A_19, %broadcast_in_dim3A_20 in 1 : vector<512x16xf32>, vector<512x112xf32> -> vector<512x128xf32>
    %swap3A = arith.constant 0 : index
    %swap3A_21 = arith.constant 0 : index
    %swap3A_22 = vector.load %arg3[%swap3A, %swap3A_21] : memref<512x128xf32, #tpu.memory_space<vmem>>, vector<512x128xf32>
    tpu.vector_store %arg3[%swap3A, %swap3A_21], %concatenate3A {strides = array<i32>} : memref<512x128xf32, #tpu.memory_space<vmem>>, vector<512x128xf32>,
    %broadcast_in_dim3A_23 = vector.shape_cast %max3A_10 : vector<512x1xf32> to vector<512x1xf32>
    %broadcast_in_dim3A_24 = vector.broadcast %broadcast_in_dim3A_23 : vector<512x1xf32> to vector<512x16xf32>
    %swap3A_25 = arith.constant 0 : index
    %swap3A_26 = arith.constant 0 : index
    %swap3A_27 = vector.load %arg4[%swap3A_25, %swap3A_26] : memref<512x16xf32, #tpu.memory_space<vmem>>, vector<512x16xf32>
    tpu.vector_store %arg4[%swap3A_25, %swap3A_26], %broadcast_in_dim3A_24 {strides = array<i32>} : memref<512x16xf32, #tpu.memory_space<vmem>>, vector<512x16xf32>,
    return
  }
  func.func @transform_0(%arg0: i32) -> (i32, i32, i32) {
    %c0_i32 = arith.constant 0 : i32
    %c0_i32_0 = arith.constant 0 : i32
    %c0_i32_1 = arith.constant 0 : i32
    return %c0_i32, %arg0, %c0_i32_0 : i32, i32, i32
  }
  func.func @transform_1(%arg0: i32) -> (i32, i32) {
    %c0_i32 = arith.constant 0 : i32
    %c0_i32_0 = arith.constant 0 : i32
    return %arg0, %c0_i32 : i32, i32
  }
  func.func @transform_2(%arg0: i32) -> (i32, i32) {
    %c0_i32 = arith.constant 0 : i32
    %c0_i32_0 = arith.constant 0 : i32
    return %arg0, %c0_i32 : i32, i32
  }
  func.func @transform_3(%arg0: i32) -> (i32, i32) {
    %c0_i32 = arith.constant 0 : i32
    %c0_i32_0 = arith.constant 0 : i32
    return %arg0, %c0_i32 : i32, i32
  }
}

module attributes {stable_mosaic.version = 14 : i64} {
  func.func @body(%arg0: i32, %arg1: memref<2x512x128xf32, #tpu.memory_space<vmem>>, %arg2: memref<512x16xf32, #tpu.memory_space<vmem>>, %arg3: memref<512x128xf32, #tpu.memory_space<vmem>>, %arg4: memref<16x32xf32, #tpu.memory_space<vmem>>, %arg5: memref<16x32xf32, #tpu.memory_space<vmem>>, %arg6: memref<1x32xf32, #tpu.memory_space<vmem>>, %arg7: memref<512x128xf32, #tpu.memory_space<vmem>>, %arg8: memref<1x1x32xf32, #tpu.memory_space<vmem>>) attributes {dimension_semantics = [#tpu.dimension_semantics<arbitrary>], iteration_bounds = array<i64: 20>, scalar_prefetch = 0 : i64, scratch_operands = 0 : i64, tpu.core_type = #tpu.core_type<tc>, window_params = [{transform_indices = @transform_0, window_bounds = array<i64: 2, 512, 128>}, {transform_indices = @transform_1, window_bounds = array<i64: 512, 16>}, {transform_indices = @transform_2, window_bounds = array<i64: 512, 128>}, {pipeline_mode = #tpu.pipeline_mode<synchronous>, transform_indices = @transform_3, window_bounds = array<i64: 16, 32>}, {pipeline_mode = #tpu.pipeline_mode<synchronous>, transform_indices = @transform_4, window_bounds = array<i64: 16, 32>}, {pipeline_mode = #tpu.pipeline_mode<synchronous>, transform_indices = @transform_5, window_bounds = array<i64: 1, 32>}, {transform_indices = @transform_6, window_bounds = array<i64: 512, 128>}, {transform_indices = @transform_7, window_bounds = array<i64: 1, 1, 32>}]} {
    %get3A = arith.constant 0 : index
    %get3A_0 = arith.constant 0 : index
    %get3A_1 = vector.load %arg2[%get3A, %get3A_0] : memref<512x16xf32, #tpu.memory_space<vmem>>, vector<512x1xf32>
    %get3A_2 = arith.constant 0 : index
    %get3A_3 = arith.constant 0 : index
    %get3A_4 = arith.constant 0 : index
    %get3A_5 = vector.load %arg1[%get3A_2, %get3A_3, %get3A_4] : memref<2x512x128xf32, #tpu.memory_space<vmem>>, vector<1x512x128xf32>
    %get3A_6 = vector.shape_cast %get3A_5 : vector<1x512x128xf32> to vector<512x128xf32>
    %get3A_7 = arith.constant 1 : index
    %get3A_8 = arith.constant 0 : index
    %get3A_9 = arith.constant 0 : index
    %get3A_10 = vector.load %arg1[%get3A_7, %get3A_8, %get3A_9] : memref<2x512x128xf32, #tpu.memory_space<vmem>>, vector<1x512x128xf32>
    %get3A_11 = vector.shape_cast %get3A_10 : vector<1x512x128xf32> to vector<512x128xf32>
    %add3A = arith.addf %get3A_6, %get3A_11 : vector<512x128xf32>
    %slice3A = vector.extract_strided_slice %add3A {offsets = [0, 0], sizes = [512, 16], strides = [1, 1]} : vector<512x128xf32> to vector<512x16xf32>
    %div3A = vector.broadcast %get3A_1 : vector<512x1xf32> to vector<512x16xf32>
    %div3A_12 = arith.divf %slice3A, %div3A : vector<512x16xf32>
    %get3A_13 = arith.constant 0 : index
    %get3A_14 = arith.constant 0 : index
    %get3A_15 = vector.load %arg4[%get3A_13, %get3A_14] : memref<16x32xf32, #tpu.memory_space<vmem>>, vector<16x32xf32>
    %dot_general3A = arith.constant dense<0.000000e+00> : vector<512x32xf32>
    %dot_general3A_16 = tpu.matmul %div3A_12, %get3A_15, %dot_general3A {dimension_numbers = #tpu.dot_dimension_numbers<[1], [0], [0], [1], [0, 0, 1, 1], [], []>, transpose_lhs_hint = false} : vector<512x16xf32>, vector<16x32xf32>, vector<512x32xf32> -> vector<512x32xf32>
    %get3A_17 = arith.constant 0 : index
    %get3A_18 = arith.constant 0 : index
    %get3A_19 = vector.load %arg3[%get3A_17, %get3A_18] : memref<512x128xf32, #tpu.memory_space<vmem>>, vector<512x16xf32>
    %get3A_20 = arith.constant 0 : index
    %get3A_21 = arith.constant 0 : index
    %get3A_22 = vector.load %arg5[%get3A_20, %get3A_21] : memref<16x32xf32, #tpu.memory_space<vmem>>, vector<16x32xf32>
    %dot_general3A_23 = arith.constant dense<0.000000e+00> : vector<512x32xf32>
    %dot_general3A_24 = tpu.matmul %get3A_19, %get3A_22, %dot_general3A_23 {dimension_numbers = #tpu.dot_dimension_numbers<[1], [0], [0], [1], [0, 0, 1, 1], [], []>, transpose_lhs_hint = false} : vector<512x16xf32>, vector<16x32xf32>, vector<512x32xf32> -> vector<512x32xf32>
    %add3A_25 = arith.addf %dot_general3A_16, %dot_general3A_24 : vector<512x32xf32>
    %get3A_26 = arith.constant 0 : index
    %get3A_27 = arith.constant 0 : index
    %get3A_28 = vector.load %arg6[%get3A_26, %get3A_27] : memref<1x32xf32, #tpu.memory_space<vmem>>, vector<1x32xf32>
    %add3A_29 = vector.broadcast %get3A_28 : vector<1x32xf32> to vector<512x32xf32>
    %add3A_30 = arith.addf %add3A_25, %add3A_29 : vector<512x32xf32>
    %max3A = arith.constant 0.000000e+00 : f32
    %max3A_31 = vector.broadcast %max3A : f32 to vector<512x32xf32>
    %max3A_32 = arith.maximumf %add3A_30, %max3A_31 : vector<512x32xf32>
    %broadcast_in_dim3A = arith.constant 0.000000e+00 : f32
    %broadcast_in_dim3A_33 = vector.broadcast %broadcast_in_dim3A : f32 to vector<512x96xf32>
    %concatenate3A = tpu.concatenate %max3A_32, %broadcast_in_dim3A_33 in 1 : vector<512x32xf32>, vector<512x96xf32> -> vector<512x128xf32>
    %swap3A = arith.constant 0 : index
    %swap3A_34 = arith.constant 0 : index
    %swap3A_35 = vector.load %arg7[%swap3A, %swap3A_34] : memref<512x128xf32, #tpu.memory_space<vmem>>, vector<512x128xf32>
    tpu.vector_store %arg7[%swap3A, %swap3A_34], %concatenate3A {strides = array<i32>} : memref<512x128xf32, #tpu.memory_space<vmem>>, vector<512x128xf32>,
    %mul3A = arith.constant 512 : i32
    %mul3A_36 = arith.muli %arg0, %mul3A : i32
    %iota3A = tpu.iota {dimensions = array<i32: 0>} : vector<512x1xi32>
    %add3A_37 = vector.broadcast %mul3A_36 : i32 to vector<512x1xi32>
    %add3A_38 = arith.addi %add3A_37, %iota3A : vector<512x1xi32>
    %lt3A = arith.constant 10000 : i32
    %lt3A_39 = vector.broadcast %lt3A : i32 to vector<512x1xi32>
    %lt3A_40 = arith.cmpi slt, %add3A_38, %lt3A_39 : vector<512x1xi32>
    %jit3A = arith.constant 0.000000e+00 : f32
    %broadcast_in_dim3A_41 = vector.shape_cast %lt3A_40 : vector<512x1xi1> to vector<512x1xi1>
    %broadcast_in_dim3A_42 = vector.broadcast %broadcast_in_dim3A_41 : vector<512x1xi1> to vector<512x32xi1>
    %broadcast_in_dim3A_43 = vector.broadcast %jit3A : f32 to vector<512x32xf32>
    %select_n3A = arith.select %broadcast_in_dim3A_42, %add3A_30, %broadcast_in_dim3A_43 : vector<512x32xi1>, vector<512x32xf32>
    %reduce_sum3A = arith.constant dense<0.000000e+00> : vector<32xf32>
    %reduce_sum3A_44 = vector.multi_reduction <add>, %select_n3A, %reduce_sum3A [0] : vector<512x32xf32> to vector<32xf32>
    %broadcast_in_dim3A_45 = vector.shape_cast %reduce_sum3A_44 : vector<32xf32> to vector<1x32xf32>
    %swap3A_46 = arith.constant 0 : index
    %swap3A_47 = arith.constant 0 : index
    %swap3A_48 = arith.constant 0 : index
    %swap3A_49 = vector.load %arg8[%swap3A_46, %swap3A_47, %swap3A_48] : memref<1x1x32xf32, #tpu.memory_space<vmem>>, vector<1x1x32xf32>
    %swap3A_50 = vector.shape_cast %swap3A_49 : vector<1x1x32xf32> to vector<1x32xf32>
    %swap3A_51 = vector.shape_cast %broadcast_in_dim3A_45 : vector<1x32xf32> to vector<1x1x32xf32>
    tpu.vector_store %arg8[%swap3A_46, %swap3A_47, %swap3A_48], %swap3A_51 {strides = array<i32>} : memref<1x1x32xf32, #tpu.memory_space<vmem>>, vector<1x1x32xf32>,
    return
  }
  func.func @transform_0(%arg0: i32) -> (i32, i32, i32) {
    %c0_i32 = arith.constant 0 : i32
    %c0_i32_0 = arith.constant 0 : i32
    %c0_i32_1 = arith.constant 0 : i32
    return %c0_i32, %arg0, %c0_i32_0 : i32, i32, i32
  }
  func.func @transform_1(%arg0: i32) -> (i32, i32) {
    %c0_i32 = arith.constant 0 : i32
    %c0_i32_0 = arith.constant 0 : i32
    return %arg0, %c0_i32 : i32, i32
  }
  func.func @transform_2(%arg0: i32) -> (i32, i32) {
    %c0_i32 = arith.constant 0 : i32
    %c0_i32_0 = arith.constant 0 : i32
    return %arg0, %c0_i32 : i32, i32
  }
  func.func @transform_3(%arg0: i32) -> (i32, i32) {
    %c0_i32 = arith.constant 0 : i32
    %c0_i32_0 = arith.constant 0 : i32
    %c0_i32_1 = arith.constant 0 : i32
    return %c0_i32, %c0_i32_0 : i32, i32
  }
  func.func @transform_4(%arg0: i32) -> (i32, i32) {
    %c0_i32 = arith.constant 0 : i32
    %c0_i32_0 = arith.constant 0 : i32
    %c0_i32_1 = arith.constant 0 : i32
    return %c0_i32, %c0_i32_0 : i32, i32
  }
  func.func @transform_5(%arg0: i32) -> (i32, i32) {
    %c0_i32 = arith.constant 0 : i32
    %c0_i32_0 = arith.constant 0 : i32
    %c0_i32_1 = arith.constant 0 : i32
    return %c0_i32, %c0_i32_0 : i32, i32
  }
  func.func @transform_6(%arg0: i32) -> (i32, i32) {
    %c0_i32 = arith.constant 0 : i32
    %c0_i32_0 = arith.constant 0 : i32
    return %arg0, %c0_i32 : i32, i32
  }
  func.func @transform_7(%arg0: i32) -> (i32, i32, i32) {
    %c0_i32 = arith.constant 0 : i32
    %c0_i32_0 = arith.constant 0 : i32
    %c0_i32_1 = arith.constant 0 : i32
    return %arg0, %c0_i32, %c0_i32_0 : i32, i32, i32
  }
}

module attributes {stable_mosaic.version = 14 : i64} {
  func.func @body(%arg0: i32, %arg1: memref<2x512x128xf32, #tpu.memory_space<vmem>>, %arg2: memref<512x16xf32, #tpu.memory_space<vmem>>, %arg3: memref<512x128xf32, #tpu.memory_space<vmem>>, %arg4: memref<20x1x32xf32, #tpu.memory_space<vmem>>, %arg5: memref<32x32xf32, #tpu.memory_space<vmem>>, %arg6: memref<32x32xf32, #tpu.memory_space<vmem>>, %arg7: memref<1x32xf32, #tpu.memory_space<vmem>>, %arg8: memref<32x16xf32, #tpu.memory_space<vmem>>, %arg9: memref<1x16xf32, #tpu.memory_space<vmem>>, %arg10: memref<512x32xf32, #tpu.memory_space<vmem>>, %arg11: memref<1x16xf32, #tpu.memory_space<vmem>>) attributes {dimension_semantics = [#tpu.dimension_semantics<arbitrary>], iteration_bounds = array<i64: 20>, scalar_prefetch = 0 : i64, scratch_operands = 0 : i64, tpu.core_type = #tpu.core_type<tc>, window_params = [{transform_indices = @transform_0, window_bounds = array<i64: 2, 512, 128>}, {transform_indices = @transform_1, window_bounds = array<i64: 512, 16>}, {transform_indices = @transform_2, window_bounds = array<i64: 512, 128>}, {pipeline_mode = #tpu.pipeline_mode<synchronous>, transform_indices = @transform_3, window_bounds = array<i64: 20, 1, 32>}, {pipeline_mode = #tpu.pipeline_mode<synchronous>, transform_indices = @transform_4, window_bounds = array<i64: 32, 32>}, {pipeline_mode = #tpu.pipeline_mode<synchronous>, transform_indices = @transform_5, window_bounds = array<i64: 32, 32>}, {pipeline_mode = #tpu.pipeline_mode<synchronous>, transform_indices = @transform_6, window_bounds = array<i64: 1, 32>}, {pipeline_mode = #tpu.pipeline_mode<synchronous>, transform_indices = @transform_7, window_bounds = array<i64: 32, 16>}, {pipeline_mode = #tpu.pipeline_mode<synchronous>, transform_indices = @transform_8, window_bounds = array<i64: 1, 16>}, {transform_indices = @transform_9, window_bounds = array<i64: 512, 32>}, {pipeline_mode = #tpu.pipeline_mode<synchronous>, transform_indices = @transform_10, window_bounds = array<i64: 1, 16>}]} {
    %get3A = arith.constant 0 : index
    %get3A_0 = arith.constant 0 : index
    %get3A_1 = vector.load %arg2[%get3A, %get3A_0] : memref<512x16xf32, #tpu.memory_space<vmem>>, vector<512x1xf32>
    %get3A_2 = arith.constant 0 : index
    %get3A_3 = arith.constant 0 : index
    %get3A_4 = arith.constant 0 : index
    %get3A_5 = vector.load %arg1[%get3A_2, %get3A_3, %get3A_4] : memref<2x512x128xf32, #tpu.memory_space<vmem>>, vector<1x512x128xf32>
    %get3A_6 = vector.shape_cast %get3A_5 : vector<1x512x128xf32> to vector<512x128xf32>
    %get3A_7 = arith.constant 1 : index
    %get3A_8 = arith.constant 0 : index
    %get3A_9 = arith.constant 0 : index
    %get3A_10 = vector.load %arg1[%get3A_7, %get3A_8, %get3A_9] : memref<2x512x128xf32, #tpu.memory_space<vmem>>, vector<1x512x128xf32>
    %get3A_11 = vector.shape_cast %get3A_10 : vector<1x512x128xf32> to vector<512x128xf32>
    %add3A = arith.addf %get3A_6, %get3A_11 : vector<512x128xf32>
    %slice3A = vector.extract_strided_slice %add3A {offsets = [0, 0], sizes = [512, 32], strides = [1, 1]} : vector<512x128xf32> to vector<512x32xf32>
    %div3A = vector.broadcast %get3A_1 : vector<512x1xf32> to vector<512x32xf32>
    %div3A_12 = arith.divf %slice3A, %div3A : vector<512x32xf32>
    %get3A_13 = arith.constant 0 : index
    %get3A_14 = arith.constant 0 : index
    %get3A_15 = vector.load %arg5[%get3A_13, %get3A_14] : memref<32x32xf32, #tpu.memory_space<vmem>>, vector<32x32xf32>
    %dot_general3A = arith.constant dense<0.000000e+00> : vector<512x32xf32>
    %dot_general3A_16 = tpu.matmul %div3A_12, %get3A_15, %dot_general3A {dimension_numbers = #tpu.dot_dimension_numbers<[1], [0], [0], [1], [0, 0, 1, 1], [], []>, transpose_lhs_hint = false} : vector<512x32xf32>, vector<32x32xf32>, vector<512x32xf32> -> vector<512x32xf32>
    %get3A_17 = arith.constant 0 : index
    %get3A_18 = arith.constant 0 : index
    %get3A_19 = vector.load %arg3[%get3A_17, %get3A_18] : memref<512x128xf32, #tpu.memory_space<vmem>>, vector<512x32xf32>
    %get3A_20 = arith.constant 0 : index
    %get3A_21 = arith.constant 0 : index
    %get3A_22 = vector.load %arg6[%get3A_20, %get3A_21] : memref<32x32xf32, #tpu.memory_space<vmem>>, vector<32x32xf32>
    %dot_general3A_23 = arith.constant dense<0.000000e+00> : vector<512x32xf32>
    %dot_general3A_24 = tpu.matmul %get3A_19, %get3A_22, %dot_general3A_23 {dimension_numbers = #tpu.dot_dimension_numbers<[1], [0], [0], [1], [0, 0, 1, 1], [], []>, transpose_lhs_hint = false} : vector<512x32xf32>, vector<32x32xf32>, vector<512x32xf32> -> vector<512x32xf32>
    %add3A_25 = arith.addf %dot_general3A_16, %dot_general3A_24 : vector<512x32xf32>
    %get3A_26 = arith.constant 0 : index
    %get3A_27 = arith.constant 0 : index
    %get3A_28 = vector.load %arg7[%get3A_26, %get3A_27] : memref<1x32xf32, #tpu.memory_space<vmem>>, vector<1x32xf32>
    %add3A_29 = vector.broadcast %get3A_28 : vector<1x32xf32> to vector<512x32xf32>
    %add3A_30 = arith.addf %add3A_25, %add3A_29 : vector<512x32xf32>
    %swap3A = arith.constant 0 : index
    %swap3A_31 = arith.constant 0 : index
    %swap3A_32 = vector.load %arg10[%swap3A, %swap3A_31] : memref<512x32xf32, #tpu.memory_space<vmem>>, vector<512x32xf32>
    tpu.vector_store %arg10[%swap3A, %swap3A_31], %add3A_30 {strides = array<i32>} : memref<512x32xf32, #tpu.memory_space<vmem>>, vector<512x32xf32>,
    %eq3A = arith.constant 0 : i32
    %eq3A_33 = arith.cmpi eq, %arg0, %eq3A : i32
    %convert_element_type3A = arith.extui %eq3A_33 : i1 to i32
    %cond3A = arith.constant 0 : i32
    %cond3A_34 = arith.cmpi ne, %convert_element_type3A, %cond3A : i32
    scf.if %cond3A_34 {
      %get3A_35 = arith.constant 0 : index
      %get3A_36 = arith.constant 0 : index
      %get3A_37 = arith.constant 0 : index
      %get3A_38 = vector.load %arg4[%get3A_35, %get3A_36, %get3A_37] : memref<20x1x32xf32, #tpu.memory_space<vmem>>, vector<20x1x32xf32>
      %reduce_sum3A = arith.constant dense<0.000000e+00> : vector<32xf32>
      %reduce_sum3A_39 = vector.multi_reduction <add>, %get3A_38, %reduce_sum3A [0, 1] : vector<20x1x32xf32> to vector<32xf32>
      %reshape3A = vector.shape_cast %reduce_sum3A_39 : vector<32xf32> to vector<1x32xf32>
      %mul3A = arith.constant 9.99999974E-5 : f32
      %mul3A_40 = vector.broadcast %mul3A : f32 to vector<1x32xf32>
      %mul3A_41 = arith.mulf %reshape3A, %mul3A_40 : vector<1x32xf32>
      %get3A_42 = arith.constant 0 : index
      %get3A_43 = arith.constant 0 : index
      %get3A_44 = vector.load %arg8[%get3A_42, %get3A_43] : memref<32x16xf32, #tpu.memory_space<vmem>>, vector<32x16xf32>
      %dot_general3A_45 = arith.constant dense<0.000000e+00> : vector<1x16xf32>
      %dot_general3A_46 = tpu.matmul %mul3A_41, %get3A_44, %dot_general3A_45 {dimension_numbers = #tpu.dot_dimension_numbers<[1], [0], [0], [1], [0, 0, 1, 1], [], []>, transpose_lhs_hint = false} : vector<1x32xf32>, vector<32x16xf32>, vector<1x16xf32> -> vector<1x16xf32>
      %get3A_47 = arith.constant 0 : index
      %get3A_48 = arith.constant 0 : index
      %get3A_49 = vector.load %arg9[%get3A_47, %get3A_48] : memref<1x16xf32, #tpu.memory_space<vmem>>, vector<1x16xf32>
      %add3A_50 = arith.addf %dot_general3A_46, %get3A_49 : vector<1x16xf32>
      %swap3A_51 = arith.constant 0 : index
      %swap3A_52 = arith.constant 0 : index
      %swap3A_53 = vector.load %arg11[%swap3A_51, %swap3A_52] : memref<1x16xf32, #tpu.memory_space<vmem>>, vector<1x16xf32>
      tpu.vector_store %arg11[%swap3A_51, %swap3A_52], %add3A_50 {strides = array<i32>} : memref<1x16xf32, #tpu.memory_space<vmem>>, vector<1x16xf32>,
    } else {
    }
    return
  }
  func.func @transform_0(%arg0: i32) -> (i32, i32, i32) {
    %c0_i32 = arith.constant 0 : i32
    %c0_i32_0 = arith.constant 0 : i32
    %c0_i32_1 = arith.constant 0 : i32
    return %c0_i32, %arg0, %c0_i32_0 : i32, i32, i32
  }
  func.func @transform_1(%arg0: i32) -> (i32, i32) {
    %c0_i32 = arith.constant 0 : i32
    %c0_i32_0 = arith.constant 0 : i32
    return %arg0, %c0_i32 : i32, i32
  }
  func.func @transform_2(%arg0: i32) -> (i32, i32) {
    %c0_i32 = arith.constant 0 : i32
    %c0_i32_0 = arith.constant 0 : i32
    return %arg0, %c0_i32 : i32, i32
  }
  func.func @transform_3(%arg0: i32) -> (i32, i32, i32) {
    %c0_i32 = arith.constant 0 : i32
    %c0_i32_0 = arith.constant 0 : i32
    %c0_i32_1 = arith.constant 0 : i32
    %c0_i32_2 = arith.constant 0 : i32
    return %c0_i32, %c0_i32_0, %c0_i32_1 : i32, i32, i32
  }
  func.func @transform_4(%arg0: i32) -> (i32, i32) {
    %c0_i32 = arith.constant 0 : i32
    %c0_i32_0 = arith.constant 0 : i32
    %c0_i32_1 = arith.constant 0 : i32
    return %c0_i32, %c0_i32_0 : i32, i32
  }
  func.func @transform_5(%arg0: i32) -> (i32, i32) {
    %c0_i32 = arith.constant 0 : i32
    %c0_i32_0 = arith.constant 0 : i32
    %c0_i32_1 = arith.constant 0 : i32
    return %c0_i32, %c0_i32_0 : i32, i32
  }
  func.func @transform_6(%arg0: i32) -> (i32, i32) {
    %c0_i32 = arith.constant 0 : i32
    %c0_i32_0 = arith.constant 0 : i32
    %c0_i32_1 = arith.constant 0 : i32
    return %c0_i32, %c0_i32_0 : i32, i32
  }
  func.func @transform_7(%arg0: i32) -> (i32, i32) {
    %c0_i32 = arith.constant 0 : i32
    %c0_i32_0 = arith.constant 0 : i32
    %c0_i32_1 = arith.constant 0 : i32
    return %c0_i32, %c0_i32_0 : i32, i32
  }
  func.func @transform_8(%arg0: i32) -> (i32, i32) {
    %c0_i32 = arith.constant 0 : i32
    %c0_i32_0 = arith.constant 0 : i32
    %c0_i32_1 = arith.constant 0 : i32
    return %c0_i32, %c0_i32_0 : i32, i32
  }
  func.func @transform_9(%arg0: i32) -> (i32, i32) {
    %c0_i32 = arith.constant 0 : i32
    %c0_i32_0 = arith.constant 0 : i32
    return %arg0, %c0_i32 : i32, i32
  }
  func.func @transform_10(%arg0: i32) -> (i32, i32) {
    %c0_i32 = arith.constant 0 : i32
    %c0_i32_0 = arith.constant 0 : i32
    %c0_i32_1 = arith.constant 0 : i32
    return %c0_i32, %c0_i32_0 : i32, i32
  }
}

</mosaic_0001>

<sc_bundles>
// kernel: kernel.12.cloned.1.call-start
scs
__scs_entry_jumppad:
0x0: {  	(pc) =	sbr.rel $0x88, $3  }
0x1: {  	(tag) =	ssettag $0x0;
	lr =	simm.s32 $0x1  }
0x2: {  	[smem:$0x3F94] =	sst lr;
	_ =	strace $0xD0000000  }
0x3: {  	_ = 	snop  }
0x4: {  	_ = 	snop  }
0x5: {  	_ = 	snop  }
0x6: {  	_ = 	snop  }
0x7: {  	_ = 	snop  }
__scs_overlays_trampoline_lowered:
0x8: {  	[smem:$0x3FA3] =	sst s0  }
0x9: {  	[smem:$0x3FA4] =	sst s1  }
0xa: {  	[smem:$0x3FA5] =	sst s2  }
0xb: {  	[smem:$0x3FA6] =	sst s3  }
0xc: {  	[smem:$0x3FA7] =	sst s4  }
0xd: {  	[smem:$0x3FA8] =	sst s5  }
0xe: {  	[smem:$0x3FA9] =	sst s6  }
0xf: {  	[smem:$0x3FAA] =	sst s7  }
0x10: {  	[smem:$0x3FAB] =	sst s8  }
0x11: {  	[smem:$0x3FAC] =	sst s9;
	s0 =	simm.s32 @!p0 $0x0  }
0x12: {  	s1 =	sld [smem:$0x3F92];
	s0 =	simm.s32 @p0 $0x1  }
0x13: {  	[smem:$0x3FAD] =	sst s0;
	s0 =	simm.s32 @!p1 $0x0  }
0x14: {  	s2 =	sld [smem:$0x3F91];
	s0 =	simm.s32 @p1 $0x1  }
0x15: {  	[smem:$0x3FAE] =	sst s0;
	s0 =	simm.s32 @!p2 $0x0  }
0x16: {  	s3 =	sld [smem:$0x3FDB];
	s0 =	simm.s32 @p2 $0x1  }
0x17: {  	s4 =	simm.s32 $0x1BF5;
	[smem:$0x3FB0] =	sst s0  }
0x18: {  	s0 =	sld [smem:$0x3F93];
	_ =	swait.ge [sflag:s4], $0x0  }
0x19: {  	s7 =	sld [smem:$0x3F94]  }
0x1a: {  	s8 =	sadd.s32 $0xFFFFE003, lr  }
0x1b: {  	s9 =	sadd.s32 $0xFFFFFEF7, lr;
	s5 =	simm.s32 $0xFFFFFFFF;
	p2 =	slt.u32 s8, $0xFFFFF086  }
0x1c: {  	p1 =	slt.u32 s9, $0xF7A;
	s5 =	simm.s32 @!p2 $0x0  }
0x1d: {  	s5 =	simm.s32 @p1 $0x1;
	p0 =	seq.s32 s7, s2  }
0x1e: {  	s7 =	smul.u32 @!p0 $0xF7A, s2;
	p2 =	seq.s32 @!p0 s5, $0x0  }
0x1f: {  	s9 =	smul.u32 $0xF7A, s1;
	s8 =	simm.s32 @!p0 $0x1BF5;
	p2 =	por !p2, p0  }
0x20: {  	[sflag:s8] =	ssyncset.s32 @!p0 $0xFFFFF086;
	s6 =	sadd.s32 @!p0 s3, s7;
	s7 =	simm.s32 @!p0 $0x108  }
0x21: {  	s3 =	sadd.s32 s3, s9;
	s6 =	sadd.s32 @!p0 $0x88, s6;
	s7 =	simm.s32 @p2 $0x1082  }
0x22: {  	[simem:s7], [sflag:s8] =	dma.local @!p0 [hbm:s6], $0xF7A  }
0x23: {  	s9 =	sor.u32 $0xD0000000, s2;
	s6 =	simm.s32 $0x108;
	_ =	swait.ge @!p0 [sflag:s8], $0x0  }
0x24: {  	s3 =	sadd.s32 $0x88, s3;
	s6 =	simm.s32 @!p1 $0x1082;
	[sflag:s4] =	ssyncset.s32 $0xFFFFF086  }
0x25: {  	[simem:s6], [sflag:s4] =	dma.local [hbm:s3], $0xF7A  }
0x26: {  	[smem:$0x3F94] =	sst s1;
	(tag) =	ssettag s2;
	_ =	strace s9  }
0x27: {  	s1 =	sld [smem:$0x3FA4]  }
0x28: {  	s2 =	sld [smem:$0x3FA5]  }
0x29: {  	s4 =	sld [smem:$0x3FA7]  }
0x2a: {  	p0 =	seq.s32 s5, $0x0;
	s5 =	sld [smem:$0x3FA8]  }
0x2b: {  	s6 =	sld [smem:$0x3FA9]  }
0x2c: {  	s7 =	sld [smem:$0x3FAA]  }
0x2d: {  	s3 =	simm.s32 $0x108;
	s8 =	sld [smem:$0x3FAB]  }
0x2e: {  	s3 =	simm.s32 @!p0 $0x1082;
	s9 =	sld [smem:$0x3FAC]  }
0x2f: {  	lr =	sadd.s32 s0, s3;
	s0 =	sld [smem:$0x3FA3]  }
0x30: {  	s3 =	sld [smem:$0x3FA6]  }
0x31: {  	[smem:$0x3FAF] =	sst s10  }
0x32: {  	s10 =	sld [smem:$0x3FAD];
	_ =	sdelay $0x3  }
0x33: {  	p0 =	seq.s32 s10, $0x1;
	s10 =	sld [smem:$0x3FAF];
	_ =	sdelay $0x3  }
0x34: {  	[smem:$0x3FAF] =	sst s10  }
0x35: {  	s10 =	sld [smem:$0x3FAE];
	_ =	sdelay $0x3  }
0x36: {  	p1 =	seq.s32 s10, $0x1;
	s10 =	sld [smem:$0x3FAF];
	_ =	sdelay $0x3  }
0x37: {  	[smem:$0x3FAF] =	sst s10  }
0x38: {  	s10 =	sld [smem:$0x3FB0]  }
0x39: {  	_ = 	snop;
	(pc) =	sbr.ind lr, $3  }
0x3a: {  	_ = 	snop  }
0x3b: {  	_ = 	snop  }
0x3c: {  	p2 =	seq.s32 s10, $0x1;
	s10 =	sld [smem:$0x3FAF]  }
0x3d: {  	_ =	shalt  }
0x3e: {  	_ =	shalt  }
0x3f: {  	_ =	shalt  }
0x40: {  	_ =	shalt  }
0x41: {  	_ =	shalt  }
0x42: {  	_ =	shalt  }
0x43: {  	_ =	shalt  }
0x44: {  	_ =	shalt  }
0x45: {  	_ =	shalt  }
0x46: {  	_ =	shalt  }
0x47: {  	_ =	shalt  }
0x48: {  	_ =	shalt  }
0x49: {  	_ =	shalt  }
0x4a: {  	_ =	shalt  }
0x4b: {  	_ =	shalt  }
0x4c: {  	_ =	shalt  }
0x4d: {  	_ =	shalt  }
0x4e: {  	_ =	shalt  }
0x4f: {  	_ =	shalt  }
0x50: {  	_ =	shalt  }
0x51: {  	_ =	shalt  }
0x52: {  	_ =	shalt  }
0x53: {  	_ =	shalt  }
0x54: {  	_ =	shalt  }
0x55: {  	_ =	shalt  }
0x56: {  	_ =	shalt  }
0x57: {  	_ =	shalt  }
0x58: {  	_ =	shalt  }
0x59: {  	_ =	shalt  }
0x5a: {  	_ =	shalt  }
0x5b: {  	_ =	shalt  }
0x5c: {  	_ =	shalt  }
0x5d: {  	_ =	shalt  }
0x5e: {  	_ =	shalt  }
0x5f: {  	_ =	shalt  }
0x60: {  	_ =	shalt  }
0x61: {  	_ =	shalt  }
0x62: {  	_ =	shalt  }
0x63: {  	_ =	shalt  }
0x64: {  	_ =	shalt  }
0x65: {  	_ =	shalt  }
0x66: {  	_ =	shalt  }
0x67: {  	_ =	shalt  }
0x68: {  	_ =	shalt  }
0x69: {  	_ =	shalt  }
0x6a: {  	_ =	shalt  }
0x6b: {  	_ =	shalt  }
0x6c: {  	_ =	shalt  }
0x6d: {  	_ =	shalt  }
0x6e: {  	_ =	shalt  }
0x6f: {  	_ =	shalt  }
0x70: {  	_ =	shalt  }
0x71: {  	_ =	shalt  }
0x72: {  	_ =	shalt  }
0x73: {  	_ =	shalt  }
0x74: {  	_ =	shalt  }
0x75: {  	_ =	shalt  }
0x76: {  	_ =	shalt  }
0x77: {  	_ =	shalt  }
0x78: {  	_ =	shalt  }
0x79: {  	_ =	shalt  }
0x7a: {  	_ =	shalt  }
0x7b: {  	_ =	shalt  }
0x7c: {  	_ =	shalt  }
0x7d: {  	_ =	shalt  }
0x7e: {  	_ =	shalt  }
0x7f: {  	_ =	shalt  }
0x80: {  	_ =	shalt  }
0x81: {  	_ =	shalt  }
0x82: {  	_ =	shalt  }
0x83: {  	_ =	shalt  }
0x84: {  	_ =	shalt  }
0x85: {  	_ =	shalt  }
0x86: {  	_ =	shalt  }
0x87: {  	_ =	shalt  }
.Lfunc_end0:
.L_simem_size_0:
called_computation.1_lowered:
.L_overlay_start_0:
0x88: {  	s2 =	sld [smem:$0x3FD9]  }
0x89: {  	s3 =	sld [smem:$0x3FFE];
	_ =	sdelay $0x1  }
0x8a: {  	s1 =	srdreg.scid  }
0x8b: {  	s0 =	sand.u32 $0x1, s1  }
0x8c: {  	s16 =	sshll.u32 s0, $0xA;
	s2 =	sadd.s32 s3, s2  }
0x8d: {  	s2 =	sadd.s32 s2, s16  }
0x8e: {  	[smem:$0x3FBB] =	sst s2  }
0x8f: {  	_ = 	snop  }
0x90: {  	(tm) =	ssettm $0x1  }
0x91: {  	s17 =	sld [smem:$0x3FFB];
	_ =	sdelay $0x3  }
0x92: {  	_ =	strace s17  }
0x93: {  	s2 =	sld [smem:$0x3FFC];
	_ =	sdelay $0x3  }
0x94: {  	_ =	strace s2  }
0x95: {  	s2 =	sld [smem:$0x3FFD];
	_ =	sdelay $0x3  }
0x96: {  	_ =	strace s2  }
0x97: {  	_ =	strace $0x8FFFFFFF  }
0x98: {  	s18 =	sld [smem:$0x3FDB];
	_ =	sdelay $0x1  }
0x99: {  	s19 =	simm.s32 $_scs_section_size  }
0x9a: {  	s4 =	simm.s32 $_size__tile_overlayer_lowered;
	s5 =	simm.s32 $_tile_overlayer_lowered  }
0x9b: {  	s22 =	simm.s32 $0x1BFF;
	s21 =	sshll.u32 s5, $0x1;
	s2 =	sadd.s32 s19, s18  }
0x9c: {  	s6 =	simm.s32 $0x0;
	s20 =	sshll.u32 s4, $0x1;
	s4 =	sadd.s32 s21, s2  }
0x9d: {  	[timem:s6], [sflag:s22] =	dma.local [hbm:s4], s20  }
0x9e: {  	_ =	swait.ge [sflag:s22], s20  }
0x9f: {  	s3 =	ssub.s32 $0x0, s20;
	[sflag:s22] =	ssyncset.done $0x0  }
0xa0: {  	[sflag:s22] =	ssyncadd.s32 s3;
	_ =	sdelay $0x1  }
0xa1: {  	s23 =	simm.s32 $0x1B8B  }
0xa2: {  	_ =	swait.ge [sflag:s23], $0x1  }
0xa3: {  	[sflag:s23] =	ssyncset.done $0x0  }
0xa4: {  	s25 =	simm.s32 $0x1B8E;
	s24 =	sld [smem:$0x3FFE];
	[sflag:s23] =	ssyncadd.s32 $0xFFFFFFFF  }
0xa5: {  	s26 =	simm.s32 $execute0_lowered;
	[smem:$0x3FD2] =	sst s25  }
0xa6: {  	s4 =	sshll.u32 s26, $0x1;
	_ =	strace $0x80000049;
	[dreg:$0x1] =	wrdreg $0xFFFFFFFF  }
0xa7: {  	s28 =	simm.s32 $_size_execute0_lowered;
	s2 =	sadd.s32 s2, s4;
	[dreg:$0x0] =	wrdreg $0x0  }
0xa8: {  	s4 =	sshll.u32 s28, $0x1;
	[dreg:$0x2] =	wrdreg s2  }
0xa9: {  	[dreg:$0x3] =	wrdreg s4  }
0xaa: {  	[dreg:$0x4] =	wrdreg $0xC0  }
0xab: {  	_ =	task [dreg:s6], $0x5FFFF  }
0xac: {  	[dreg:$0x1] =	wrdreg $0xFFFFFFFF  }
0xad: {  	[dreg:$0x0] =	wrdreg $0x60  }
0xae: {  	[dreg:$0x2] =	wrdreg s24  }
0xaf: {  	[dreg:$0x3] =	wrdreg $0xB0000  }
0xb0: {  	[dreg:$0x4] =	wrdreg $0x9  }
0xb1: {  	_ =	task.clear_ibuf [dreg:s6], $0x5FFFF;
	_ =	strace $0x90000049  }
0xb2: {  	s29 =	simm.s32 $0x9;
	_ =	strace $0x8000004B  }
0xb3: {  	_ =	swait.ge [sflag:s29], $0x1  }
0xb4: {  	[sflag:s29] =	ssyncadd.s32 $0xFFFFFFFF  }
0xb5: {  	_ =	strace $0x9000004B  }
0xb6: {  	_ =	sfence  }
0xb7: {  	s30 =	sld [smem:$0x0];
	_ =	sdelay $0x2  }
0xb8: {  	s31 =	sshll.u32 s1, $0xD;
	s1 =	sshrl.u32 s1, $0x2  }
0xb9: {  	s3 =	sand.u32 $0x4000, s31;
	s1 =	sadd.s32 s1, s30  }
0xba: {  	s0 =	sor.u32 s3, s0;
	s1 =	sshll.u32 s1, $0x11  }
0xbb: {  	s0 =	sor.u32 s1, s0  }
0xbc: {  	s0 =	sadd.s32 $0x8F2B, s0  }
0xbd: {  	[sflag:s0] =	ssyncadd.remote.s32 $0x1  }
0xbe: {  	_ =	sfence.sel $0xFFFF  }
0xbf: {  	[dreg:$0x0] =	wrdreg $0xFFFFFFFF;
	(pc) =	sbr.abs _section_cstart, $3  }
0xc0: {  	[dreg:$0x1] =	wrdreg $0xFFFFFFFF  }
0xc1: {  	_ =	task.clear_ibuf [dreg:s6], $0x2FFFF;
	_ =	strace $0x9FFFFFFF  }
0xc2: {  	(tm) =	ssettm $0x7FFFFFFF  }
0xc3: {  	_ =	shalt  }
tec
execute0_lowered:
.L_overlay_start_1:
0x0: {  	(tag) =	ssettag $0x1  }
0x1: {  	s1 =	rddreg [dreg:$0x0]  }
0x2: {  	s0 =	srdreg.scid;
	s2 =	rddreg [dreg:$0x1]  }
0x3: {  	s12 =	stileid.u32;
	s3 =	simm.s32 $0x0;
	s28 =	simm.s32 $0x2  }
0x4: {  	s29 =	simm.s32 $0x80;
	s30 =	simm.s32 $0x7000;
	s31 =	simm.s32 $0x5  }
0x5: {  	s0 =	sand.u32 $0x1, s0;
	[smem:$0x7FF] =	sst s3;
	s11 =	smul.u32 $0x50000, s12  }
0x6: {  	s5 =	sadd.s32 $0x17A00, s1;
	s6 =	sadd.s32 $0x3A00, s1;
	s14 =	smul.u32 $0x14000, s12  }
0x7: {  	s4 =	sshll.u32 s0, $0x4;
	_ =	strace $0x8000004A;
	s8 =	ssub.s32 $0x2, s0  }
0x8: {  	s0 =	smul.u32 $0x140000, s0;
	s4 =	sor.u32 s12, s4;
	s10 =	sshrl.u32 s8, $0x1  }
0x9: {  	s21 =	sshrl.u32 s11, $0x2;
	s22 =	sadd.s32 $0x4000, s14;
	s23 =	sadd.s32 $0x8000, s14  }
0xa: {  	s15 =	sadd.s32 $0xC000, s14;
	s16 =	sadd.s32 $0x10000, s14;
	s4 =	smul.u32 $0x2800, s4  }
0xb: {  	s8 =	ssub.s32 s8, s10;
	s10 =	sadd.s32 s21, s2;
	s11 =	sadd.s32 s22, s2  }
0xc: {  	s12 =	sadd.s32 s23, s2;
	s13 =	sadd.s32 s15, s2;
	s17 =	sadd.s32 s14, s0  }
0xd: {  	s14 =	sadd.s32 s16, s2;
	s24 =	sadd.s32 s0, s23;
	s25 =	sadd.s32 s0, s15  }
0xe: {  	s21 =	simm.s32 $0x7;
	s23 =	simm.s32 $0x2C00;
	s17 =	sshrl.u32 s17, $0x3  }
0xf: {  	s26 =	sshrl.u32 s25, $0x3;
	s25 =	simm.s32 $0x1;
	s7 =	sshrl.u32 s4, $0x3  }
0x10: {  	s9 =	sadd.s32 s7, s1;
	s1 =	sadd.s32 $0x3FA00, s1;
	s20 =	sadd.s32 s6, s7  }
0x11: {  	s7 =	sadd.s32 s0, s22;
	s9 =	sadd.s32 $0xDA00, s9;
	[dreg:$0x4] =	wrdreg s20  }
0x12: {  	s0 =	sadd.s32 s0, s16;
	s17 =	sadd.s32 s1, s17;
	[dreg:$0x3] =	wrdreg s9  }
0x13: {  	s7 =	sshrl.u32 s7, $0x3;
	s9 =	sadd.s32 $0x10, s20;
	[dreg:$0x6] =	wrdreg s17  }
0x14: {  	s0 =	sshrl.u32 s0, $0x3;
	s7 =	sadd.s32 s1, s7;
	[dreg:$0x5] =	wrdreg s9  }
0x15: {  	s22 =	simm.s32 $0x2800;
	s0 =	sadd.s32 s1, s0;
	[dreg:$0x7] =	wrdreg s7  }
0x16: {  	s20 =	smax.u32 s8, $0x1;
	s7 =	sshrl.u32 s24, $0x3;
	[dreg:$0xa] =	wrdreg s0  }
0x17: {  	s24 =	simm.s32 $0x3000;
	s0 =	simm.s32 $0x4;
	s7 =	sadd.s32 s1, s7  }
0x18: {  	[dreg:$0x8] =	wrdreg s7;
	s7 =	sadd.s32 s1, s26;
	s26 =	simm.s32 $0x3  }
0x19: {  	v0 =	vimm.f32 $0.0e+00;
	s1 =	simm.s32 $0x6;
	[dreg:$0x9] =	wrdreg s7;
	s7 =	simm.s32 $0x0  }
.LBB2_1:
0x1a: {  	s8 =	rddreg [dreg:$0x3]  }
0x1b: {  	[tilespmem:s3], [sflag:$0x7] =	stream.linear.gather [hbm4b:s8+s3], $0x2800, $0x38;
	[tilespmem:$0x1F000] =	vst v63  }
0x1c: {  	_ =	swait.ge [sflag:s21], $0x2800  }
0x1d: {  	[sflag:s21] =	ssyncset.done $0x0  }
0x1e: {  	s18 =	rddreg [dreg:$0x4];
	[sflag:s21] =	ssyncadd.s32 $0xFFFFD800  }
0x1f: {  	[tilespmem:s22], [sflag:$0x1] =	stream.linear.gather [hbm4b:s18+s3], $0x80, $0x38;
	[tilespmem:$0x1F000] =	vst v63  }
0x20: {  	s9 =	simm.s32 $0x200;
	s8 =	simm.s32 $0x0;
	s19 =	rddreg [dreg:$0x5]  }
0x21: {  	[tilespmem:s23], [sflag:$0x2] =	stream.linear.gather [hbm4b:s19+s3], $0x80, $0x38;
	[tilespmem:$0x1F000] =	vst v63  }
.LBB2_2:
0x22: {  	p0 =	sne.s32 s9, $0xFE00;
	[tilespmem:s8+$0x3070] =	vst v0  }
0x23: {  	[tilespmem:s8+$0x3000] =	vst v0  }
0x24: {  	[tilespmem:s8+$0x3010] =	vst v0  }
.Ltmp0:
0x25: {  	[tilespmem:s8+$0x3020] =	vst v0;
	(pc) =	sbr.rel @p0 .LBB2_2-.Ltmp0, $4  }
0x26: {  	[tilespmem:s8+$0x3030] =	vst v0  }
0x27: {  	[tilespmem:s8+$0x3040] =	vst v0  }
0x28: {  	[tilespmem:s8+$0x3050] =	vst v0  }
0x29: {  	[tilespmem:s8+$0x3060] =	vst v0;
	s8 =	sshra.s32 s9, $0x2;
	s9 =	sadd.s32 $0x200, s9  }
0x2a: {  	[tilespmem:s8+$0x3070] =	vst v0  }
0x2b: {  	[tilespmem:s8+$0x3000] =	vst v0  }
0x2c: {  	[tilespmem:s8+$0x3010] =	vst v0  }
0x2d: {  	[tilespmem:s8+$0x3020] =	vst v0  }
0x2e: {  	[tilespmem:s8+$0x3030] =	vst v0  }
0x2f: {  	[tilespmem:s8+$0x3040] =	vst v0  }
0x30: {  	[tilespmem:s8+$0x3050] =	vst v0  }
0x31: {  	[tilespmem:s8+$0x3060] =	vst v0  }
0x32: {  	[spmem:s10] =	stream.linear.scatter [tilespmem:s24], [sflag:$0x7], $0x4000, $0x38;
	[tilespmem:$0x1F000] =	vst v63  }
0x33: {  	_ =	swait.ge [sflag:s21], $0x4000  }
0x34: {  	[sflag:s21] =	ssyncset.done $0x0  }
0x35: {  	[sflag:s21] =	ssyncadd.s32 $0xFFFFC000  }
0x36: {  	[spmem:s11] =	stream.linear.scatter [tilespmem:s24], [sflag:$0x7], $0x4000, $0x38;
	[tilespmem:$0x1F000] =	vst v63  }
0x37: {  	_ =	swait.ge [sflag:s21], $0x4000  }
0x38: {  	[sflag:s21] =	ssyncset.done $0x0  }
0x39: {  	[sflag:s21] =	ssyncadd.s32 $0xFFFFC000  }
0x3a: {  	[spmem:s12] =	stream.linear.scatter [tilespmem:s24], [sflag:$0x7], $0x4000, $0x38;
	[tilespmem:$0x1F000] =	vst v63  }
0x3b: {  	_ =	swait.ge [sflag:s21], $0x4000  }
0x3c: {  	[sflag:s21] =	ssyncset.done $0x0  }
0x3d: {  	[sflag:s21] =	ssyncadd.s32 $0xFFFFC000  }
0x3e: {  	[spmem:s13] =	stream.linear.scatter [tilespmem:s24], [sflag:$0x7], $0x4000, $0x38;
	[tilespmem:$0x1F000] =	vst v63  }
0x3f: {  	_ =	swait.ge [sflag:s21], $0x4000  }
0x40: {  	[sflag:s21] =	ssyncset.done $0x0  }
0x41: {  	[sflag:s21] =	ssyncadd.s32 $0xFFFFC000  }
0x42: {  	[spmem:s14] =	stream.linear.scatter [tilespmem:s24], [sflag:$0x7], $0x4000, $0x38;
	[tilespmem:$0x1F000] =	vst v63  }
0x43: {  	_ =	swait.ge [sflag:s21], $0x4000  }
0x44: {  	[sflag:s21] =	ssyncset.done $0x0  }
0x45: {  	[sflag:s21] =	ssyncadd.s32 $0xFFFFC000  }
0x46: {  	[bflag:$0x0] =	sbarrier.arrive $0xFFFF  }
0x47: {  	s9 =	simm.s32 $0x100;
	_ =	swait.ge [sflag:s25], $0x80  }
0x48: {  	s16 =	simm.s32 $0x80;
	s15 =	sand.u32 $0x7C00, s9;
	[sflag:s25] =	ssyncset.done $0x0  }
0x49: {  	s9 =	sand.u32 $0x300, s9;
	s15 =	sadd.s32 s4, s15;
	[sflag:s25] =	ssyncadd.s32 $0xFFFFFF80  }
0x4a: {  	[tilespmem:s24], [sflag:$0x3] =	stream.indirect.gather [hbm4b:s5+s16], $0x80, s22, s16, $0xb8;
	[tilespmem:$0x1F000] =	vst v63  }
0x4b: {  	s9 =	sor.u32 s9, s15;
	_ =	swait.ge [sflag:s26], $0x4000  }
0x4c: {  	s9 =	sshrl.u32 s9, $0x3;
	[sflag:s26] =	ssyncset.done $0x0  }
0x4d: {  	s9 =	sadd.s32 s6, s9;
	[sflag:s26] =	ssyncadd.s32 $0xFFFFC000  }
0x4e: {  	[tilespmem:s22], [sflag:$0x1] =	stream.linear.gather [hbm4b:s9+s3], $0x80, $0x38;
	[tilespmem:$0x1F000] =	vst v63  }
0x4f: {  	_ =	swait.ge [sflag:s28], $0x80  }
0x50: {  	[sflag:s28] =	ssyncset.done $0x0  }
0x51: {  	[sflag:s28] =	ssyncadd.s32 $0xFFFFFF80  }
0x52: {  	[tilespmem:s30], [sflag:$0x4] =	stream.indirect.gather [hbm4b:s5+s29], $0x80, s23, s29, $0xb8;
	[tilespmem:$0x1F000] =	vst v63  }
0x53: {  	s17 =	simm.s32 $0x0  }
0x54: {  	[spmem:s2] =	stream.indirect.scatter.add.f32 [tilespmem:s24], [sflag:$0x5], $0x80, s17, s29, $0xb8;
	[tilespmem:$0x1F000] =	vst v63  }
0x55: {  	s18 =	simm.s32 $0x180;
	_ =	swait.ge [sflag:s31], $0x4000  }
0x56: {  	s19 =	sand.u32 $0x7C00, s18;
	[sflag:s31] =	ssyncset.done $0x0  }
0x57: {  	s15 =	sadd.s32 s4, s19;
	s9 =	sand.u32 $0x380, s18;
	[sflag:s31] =	ssyncadd.s32 $0xFFFFC000  }
0x58: {  	s9 =	sor.u32 s9, s15;
	_ =	swait.ge [sflag:s0], $0x4000  }
0x59: {  	s9 =	sshrl.u32 s9, $0x3;
	[sflag:s0] =	ssyncset.done $0x0  }
0x5a: {  	s9 =	sadd.s32 s6, s9;
	[sflag:s0] =	ssyncadd.s32 $0xFFFFC000  }
0x5b: {  	[tilespmem:s23], [sflag:$0x2] =	stream.linear.gather [hbm4b:s9+s3], $0x80, $0x38;
	[tilespmem:$0x1F000] =	vst v63  }
0x5c: {  	_ =	swait.ge [sflag:s25], $0x80  }
0x5d: {  	[sflag:s25] =	ssyncset.done $0x0  }
0x5e: {  	[sflag:s25] =	ssyncadd.s32 $0xFFFFFF80  }
0x5f: {  	[tilespmem:s24], [sflag:$0x3] =	stream.indirect.gather [hbm4b:s5+s29], $0x80, s22, s29, $0xb8;
	[tilespmem:$0x1F000] =	vst v63  }
0x60: {  	_ = 	snop  }
0x61: {  	[spmem:s2] =	stream.indirect.scatter.add.f32 [tilespmem:s30], [sflag:$0x6], $0x80, s16, s29, $0xb8;
	[tilespmem:$0x1F000] =	vst v63  }
0x62: {  	s8 =	simm.s32 $0x280;
	s15 =	simm.s32 $0x380;
	_ =	swait.ge [sflag:s1], $0x4000  }
0x63: {  	s9 =	simm.s32 $0x180;
	s16 =	simm.s32 $0x200;
	[sflag:s1] =	ssyncset.done $0x0  }
.LBB2_4:
0x64: {  	s18 =	sand.u32 $0x7C00, s16  }
0x65: {  	[sflag:s1] =	ssyncadd.s32 $0xFFFFC000;
	s19 =	smov.u32 s15;
	s17 =	sadd.s32 $0x100, s15  }
0x66: {  	p0 =	sne.s32 s15, $0x2780;
	s16 =	sand.u32 $0x300, s16;
	s15 =	sadd.s32 s4, s18  }
0x67: {  	_ =	swait.ge [sflag:s26], $0x4000;
	s15 =	sor.u32 s16, s15  }
0x68: {  	[sflag:s26] =	ssyncset.done $0x0;
	s15 =	sshrl.u32 s15, $0x3  }
0x69: {  	[sflag:s26] =	ssyncadd.s32 $0xFFFFC000;
	s15 =	sadd.s32 s6, s15  }
0x6a: {  	[tilespmem:s22], [sflag:$0x1] =	stream.linear.gather [hbm4b:s15+s3], $0x80, $0x38;
	[tilespmem:$0x1F000] =	vst v63  }
0x6b: {  	_ =	swait.ge [sflag:s28], $0x80  }
0x6c: {  	[sflag:s28] =	ssyncset.done $0x0  }
0x6d: {  	[sflag:s28] =	ssyncadd.s32 $0xFFFFFF80  }
0x6e: {  	[tilespmem:s30], [sflag:$0x4] =	stream.indirect.gather [hbm4b:s5+s29], $0x80, s23, s29, $0xb8;
	[tilespmem:$0x1F000] =	vst v63  }
0x6f: {  	s15 =	sadd.s32 $0xFFFFFF80, s9  }
0x70: {  	[spmem:s2] =	stream.indirect.scatter.add.f32 [tilespmem:s24], [sflag:$0x5], $0x80, s15, s29, $0xb8;
	[tilespmem:$0x1F000] =	vst v63  }
0x71: {  	_ =	swait.ge [sflag:s31], $0x4000  }
0x72: {  	s15 =	sand.u32 $0x7C00, s8;
	[sflag:s31] =	ssyncset.done $0x0  }
0x73: {  	s8 =	sand.u32 $0x380, s8;
	s15 =	sadd.s32 s4, s15;
	[sflag:s31] =	ssyncadd.s32 $0xFFFFC000  }
0x74: {  	s15 =	sor.u32 s8, s15;
	s8 =	smov.u32 s19;
	_ =	swait.ge [sflag:s0], $0x4000  }
0x75: {  	s15 =	sshrl.u32 s15, $0x3;
	[sflag:s0] =	ssyncset.done $0x0  }
0x76: {  	s15 =	sadd.s32 s6, s15;
	[sflag:s0] =	ssyncadd.s32 $0xFFFFC000  }
0x77: {  	[tilespmem:s23], [sflag:$0x2] =	stream.linear.gather [hbm4b:s15+s3], $0x80, $0x38;
	[tilespmem:$0x1F000] =	vst v63  }
0x78: {  	_ =	swait.ge [sflag:s25], $0x80  }
0x79: {  	[sflag:s25] =	ssyncset.done $0x0  }
0x7a: {  	[sflag:s25] =	ssyncadd.s32 $0xFFFFFF80  }
0x7b: {  	[tilespmem:s24], [sflag:$0x3] =	stream.indirect.gather [hbm4b:s5+s29], $0x80, s22, s29, $0xb8;
	[tilespmem:$0x1F000] =	vst v63  }
.Ltmp1:
0x7c: {  	_ = 	snop;
	(pc) =	sbr.rel @p0 .LBB2_4-.Ltmp1, $4  }
0x7d: {  	_ = 	snop  }
0x7e: {  	[spmem:s2] =	stream.indirect.scatter.add.f32 [tilespmem:s30], [sflag:$0x6], $0x80, s9, s29, $0xb8;
	[tilespmem:$0x1F000] =	vst v63  }
0x7f: {  	s16 =	sadd.s32 $0xFFFFFF80, s8;
	_ =	swait.ge [sflag:s1], $0x4000  }
0x80: {  	s15 =	smov.u32 s17;
	s9 =	sadd.s32 $0x100, s9;
	[sflag:s1] =	ssyncset.done $0x0  }
0x81: {  	s15 =	sand.u32 $0x7C00, s16  }
0x82: {  	[sflag:s1] =	ssyncadd.s32 $0xFFFFC000;
	s19 =	sand.u32 $0x300, s16;
	s15 =	sadd.s32 s4, s15  }
0x83: {  	_ =	swait.ge [sflag:s26], $0x4000;
	s15 =	sor.u32 s19, s15  }
0x84: {  	[sflag:s26] =	ssyncset.done $0x0;
	s15 =	sshrl.u32 s15, $0x3  }
0x85: {  	[sflag:s26] =	ssyncadd.s32 $0xFFFFC000;
	s15 =	sadd.s32 s6, s15  }
0x86: {  	[tilespmem:s22], [sflag:$0x1] =	stream.linear.gather [hbm4b:s15+s3], $0x80, $0x38;
	[tilespmem:$0x1F000] =	vst v63  }
0x87: {  	_ =	swait.ge [sflag:s28], $0x80  }
0x88: {  	[sflag:s28] =	ssyncset.done $0x0  }
0x89: {  	[sflag:s28] =	ssyncadd.s32 $0xFFFFFF80  }
0x8a: {  	[tilespmem:s30], [sflag:$0x4] =	stream.indirect.gather [hbm4b:s5+s29], $0x80, s23, s29, $0xb8;
	[tilespmem:$0x1F000] =	vst v63  }
0x8b: {  	s16 =	sadd.s32 $0xFFFFFF80, s9  }
0x8c: {  	[spmem:s2] =	stream.indirect.scatter.add.f32 [tilespmem:s24], [sflag:$0x5], $0x80, s16, s29, $0xb8;
	[tilespmem:$0x1F000] =	vst v63  }
0x8d: {  	_ =	swait.ge [sflag:s31], $0x4000  }
0x8e: {  	s17 =	sand.u32 $0x7C00, s8;
	[sflag:s31] =	ssyncset.done $0x0  }
0x8f: {  	s18 =	sand.u32 $0x380, s8;
	s15 =	sadd.s32 s4, s17;
	[sflag:s31] =	ssyncadd.s32 $0xFFFFC000  }
0x90: {  	s8 =	sor.u32 s18, s15;
	_ =	swait.ge [sflag:s0], $0x4000  }
0x91: {  	s8 =	sshrl.u32 s8, $0x3;
	[sflag:s0] =	ssyncset.done $0x0  }
0x92: {  	s8 =	sadd.s32 s6, s8;
	[sflag:s0] =	ssyncadd.s32 $0xFFFFC000  }
0x93: {  	[tilespmem:s23], [sflag:$0x2] =	stream.linear.gather [hbm4b:s8+s3], $0x80, $0x38;
	[tilespmem:$0x1F000] =	vst v63  }
0x94: {  	_ =	swait.ge [sflag:s25], $0x80  }
0x95: {  	[sflag:s25] =	ssyncset.done $0x0  }
0x96: {  	[sflag:s25] =	ssyncadd.s32 $0xFFFFFF80  }
0x97: {  	[tilespmem:s24], [sflag:$0x3] =	stream.indirect.gather [hbm4b:s5+s29], $0x80, s22, s29, $0xb8;
	[tilespmem:$0x1F000] =	vst v63  }
0x98: {  	_ = 	snop  }
0x99: {  	[spmem:s2] =	stream.indirect.scatter.add.f32 [tilespmem:s30], [sflag:$0x6], $0x80, s9, s29, $0xb8;
	[tilespmem:$0x1F000] =	vst v63  }
0x9a: {  	_ =	swait.ge [sflag:s1], $0x4000  }
0x9b: {  	[sflag:s1] =	ssyncset.done $0x0  }
0x9c: {  	[sflag:s1] =	ssyncadd.s32 $0xFFFFC000  }
0x9d: {  	_ =	swait.ge [sflag:s26], $0x4000  }
0x9e: {  	[sflag:s26] =	ssyncset.done $0x0  }
0x9f: {  	[sflag:s26] =	ssyncadd.s32 $0xFFFFC000  }
0xa0: {  	_ =	swait.ge [sflag:s28], $0x80  }
0xa1: {  	[sflag:s28] =	ssyncset.done $0x0  }
0xa2: {  	[sflag:s28] =	ssyncadd.s32 $0xFFFFFF80  }
0xa3: {  	[tilespmem:s30], [sflag:$0x4] =	stream.indirect.gather [hbm4b:s5+s29], $0x80, s23, s29, $0xb8;
	[tilespmem:$0x1F000] =	vst v63  }
0xa4: {  	s19 =	simm.s32 $0x2700  }
0xa5: {  	[spmem:s2] =	stream.indirect.scatter.add.f32 [tilespmem:s24], [sflag:$0x5], $0x80, s19, s29, $0xb8;
	[tilespmem:$0x1F000] =	vst v63  }
0xa6: {  	_ =	swait.ge [sflag:s31], $0x4000  }
0xa7: {  	[sflag:s31] =	ssyncset.done $0x0  }
0xa8: {  	[sflag:s31] =	ssyncadd.s32 $0xFFFFC000  }
0xa9: {  	_ =	swait.ge [sflag:s0], $0x4000  }
0xaa: {  	[sflag:s0] =	ssyncset.done $0x0  }
0xab: {  	s9 =	simm.s32 $0x2780;
	[sflag:s0] =	ssyncadd.s32 $0xFFFFC000  }
0xac: {  	[spmem:s2] =	stream.indirect.scatter.add.f32 [tilespmem:s30], [sflag:$0x6], $0x80, s9, s29, $0xb8;
	[tilespmem:$0x1F000] =	vst v63  }
0xad: {  	_ =	swait.ge [sflag:s1], $0x4000  }
0xae: {  	[sflag:s1] =	ssyncset.done $0x0  }
0xaf: {  	[sflag:s1] =	ssyncadd.s32 $0xFFFFC000  }
0xb0: {  	[bflag:$0x0] =	sbarrier.arrive $0xFFFF  }
0xb1: {  	[tilespmem:s24], [sflag:$0x7] =	stream.linear.gather [spmem:s10], $0x4000, $0x38;
	[tilespmem:$0x1F000] =	vst v63  }
0xb2: {  	_ =	swait.ge [sflag:s21], $0x4000  }
0xb3: {  	[sflag:s21] =	ssyncset.done $0x0  }
0xb4: {  	s15 =	rddreg [dreg:$0x6];
	[sflag:s21] =	ssyncadd.s32 $0xFFFFC000  }
0xb5: {  	[hbm4b:s15+s3] =	stream.linear.scatter [tilespmem:s24], [sflag:$0x7], $0x4000, $0x38;
	[tilespmem:$0x1F000] =	vst v63  }
0xb6: {  	_ =	swait.ge [sflag:s21], $0x4000  }
0xb7: {  	[sflag:s21] =	ssyncset.done $0x0  }
0xb8: {  	[sflag:s21] =	ssyncadd.s32 $0xFFFFC000  }
0xb9: {  	[tilespmem:s24], [sflag:$0x7] =	stream.linear.gather [spmem:s11], $0x4000, $0x38;
	[tilespmem:$0x1F000] =	vst v63  }
0xba: {  	_ =	swait.ge [sflag:s21], $0x4000  }
0xbb: {  	[sflag:s21] =	ssyncset.done $0x0  }
0xbc: {  	s16 =	rddreg [dreg:$0x7];
	[sflag:s21] =	ssyncadd.s32 $0xFFFFC000  }
0xbd: {  	[hbm4b:s16+s3] =	stream.linear.scatter [tilespmem:s24], [sflag:$0x7], $0x4000, $0x38;
	[tilespmem:$0x1F000] =	vst v63  }
0xbe: {  	_ =	swait.ge [sflag:s21], $0x4000  }
0xbf: {  	[sflag:s21] =	ssyncset.done $0x0  }
0xc0: {  	[sflag:s21] =	ssyncadd.s32 $0xFFFFC000  }
0xc1: {  	[tilespmem:s24], [sflag:$0x7] =	stream.linear.gather [spmem:s12], $0x4000, $0x38;
	[tilespmem:$0x1F000] =	vst v63  }
0xc2: {  	_ =	swait.ge [sflag:s21], $0x4000  }
0xc3: {  	[sflag:s21] =	ssyncset.done $0x0  }
0xc4: {  	s17 =	rddreg [dreg:$0x8];
	[sflag:s21] =	ssyncadd.s32 $0xFFFFC000  }
0xc5: {  	[hbm4b:s17+s3] =	stream.linear.scatter [tilespmem:s24], [sflag:$0x7], $0x4000, $0x38;
	[tilespmem:$0x1F000] =	vst v63  }
0xc6: {  	_ =	swait.ge [sflag:s21], $0x4000  }
0xc7: {  	[sflag:s21] =	ssyncset.done $0x0  }
0xc8: {  	[sflag:s21] =	ssyncadd.s32 $0xFFFFC000  }
0xc9: {  	[tilespmem:s24], [sflag:$0x7] =	stream.linear.gather [spmem:s13], $0x4000, $0x38;
	[tilespmem:$0x1F000] =	vst v63  }
0xca: {  	_ =	swait.ge [sflag:s21], $0x4000  }
0xcb: {  	[sflag:s21] =	ssyncset.done $0x0  }
0xcc: {  	s18 =	rddreg [dreg:$0x9];
	[sflag:s21] =	ssyncadd.s32 $0xFFFFC000  }
0xcd: {  	[hbm4b:s18+s3] =	stream.linear.scatter [tilespmem:s24], [sflag:$0x7], $0x4000, $0x38;
	[tilespmem:$0x1F000] =	vst v63  }
0xce: {  	_ =	swait.ge [sflag:s21], $0x4000  }
0xcf: {  	[sflag:s21] =	ssyncset.done $0x0  }
0xd0: {  	[sflag:s21] =	ssyncadd.s32 $0xFFFFC000  }
0xd1: {  	[tilespmem:s24], [sflag:$0x7] =	stream.linear.gather [spmem:s14], $0x4000, $0x38;
	[tilespmem:$0x1F000] =	vst v63  }
0xd2: {  	s7 =	sadd.s32 $0x1, s7;
	_ =	swait.ge [sflag:s21], $0x4000  }
0xd3: {  	p0 =	sne.s32 s7, s20;
	[sflag:s21] =	ssyncset.done $0x0  }
.Ltmp2:
0xd4: {  	s19 =	rddreg [dreg:$0xa];
	[sflag:s21] =	ssyncadd.s32 $0xFFFFC000;
	(pc) =	sbr.rel @p0 .LBB2_1-.Ltmp2, $4  }
0xd5: {  	[hbm4b:s19+s3] =	stream.linear.scatter [tilespmem:s24], [sflag:$0x7], $0x4000, $0x38;
	[tilespmem:$0x1F000] =	vst v63  }
0xd6: {  	_ =	swait.ge [sflag:s21], $0x4000  }
0xd7: {  	[sflag:s21] =	ssyncset.done $0x0  }
0xd8: {  	[sflag:s21] =	ssyncadd.s32 $0xFFFFC000  }
0xd9: {  	_ =	sfence.sel $0x180000  }
0xda: {  	[bflag:$0x0] =	sbarrier.arrive $0xFFFF  }
0xdb: {  	_ =	strace $0x9000004A  }
0xdc: {  	s0 =	stileid.u32;
	[bflag:$0x2] =	sbarrier.arrive $0xFFFF  }
0xdd: {  	p0 =	sne.s32 s0, $0x0;
	s0 =	rddreg [dreg:$0x2]  }
0xde: {  	s0 =	sadd.s32 @!p0 $0x100000, s0  }
0xdf: {  	[sflag:s0] =	ssyncadd.tile.s32 @!p0 $0x1;
	_ =	shalt  }
.Lfunc_end2:
_tile_overlayer_lowered:
.L_overlay_start_2:
0xe0: {  	(tag) =	ssettag $0x2  }
0xe1: {  	s0 =	rddreg [dreg:$0x0];
	s2 =	stileid.u32  }
0xe2: {  	s1 =	rddreg [dreg:$0x1];
	p0 =	sne.s32 s2, $0x0  }
0xe3: {  	s3 =	rddreg [dreg:$0x2];
	[bflag:$0x3] =	sbarrier.arrive $0xFFFF;
	s2 =	simm.s32 @!p0 $0x1C07  }
0xe4: {  	[timem:s3], [sflag:s2] =	dma.local @!p0 [hbm:s0], s1  }
0xe5: {  	s0 =	simm.s32 @!p0 $0x7  }
0xe6: {  	_ =	swait.ge @!p0 [sflag:s0], s1  }
0xe7: {  	s1 =	ssub.s32 @!p0 $0x0, s1;
	[sflag:s0] =	ssyncset.done @!p0 $0x0  }
0xe8: {  	[sflag:s0] =	ssyncadd.s32 @!p0 s1  }
0xe9: {  	[bflag:$0x3] =	sbarrier.arrive $0xFFFF  }
0xea: {  	_ =	shalt  }

// kernel: kernel.15.cloned.1.call-start
scs
__scs_entry_jumppad:
0x0: {  	(pc) =	sbr.rel $0x88, $3  }
0x1: {  	(tag) =	ssettag $0x0;
	lr =	simm.s32 $0x1  }
0x2: {  	[smem:$0x3F94] =	sst lr;
	_ =	strace $0xD0000000  }
0x3: {  	_ = 	snop  }
0x4: {  	_ = 	snop  }
0x5: {  	_ = 	snop  }
0x6: {  	_ = 	snop  }
0x7: {  	_ = 	snop  }
__scs_overlays_trampoline_lowered:
0x8: {  	[smem:$0x3FA3] =	sst s0  }
0x9: {  	[smem:$0x3FA4] =	sst s1  }
0xa: {  	[smem:$0x3FA5] =	sst s2  }
0xb: {  	[smem:$0x3FA6] =	sst s3  }
0xc: {  	[smem:$0x3FA7] =	sst s4  }
0xd: {  	[smem:$0x3FA8] =	sst s5  }
0xe: {  	[smem:$0x3FA9] =	sst s6  }
0xf: {  	[smem:$0x3FAA] =	sst s7  }
0x10: {  	[smem:$0x3FAB] =	sst s8  }
0x11: {  	[smem:$0x3FAC] =	sst s9;
	s0 =	simm.s32 @!p0 $0x0  }
0x12: {  	s1 =	sld [smem:$0x3F92];
	s0 =	simm.s32 @p0 $0x1  }
0x13: {  	[smem:$0x3FAD] =	sst s0;
	s0 =	simm.s32 @!p1 $0x0  }
0x14: {  	s2 =	sld [smem:$0x3F91];
	s0 =	simm.s32 @p1 $0x1  }
0x15: {  	[smem:$0x3FAE] =	sst s0;
	s0 =	simm.s32 @!p2 $0x0  }
0x16: {  	s3 =	sld [smem:$0x3FDB];
	s0 =	simm.s32 @p2 $0x1  }
0x17: {  	s4 =	simm.s32 $0x1BF5;
	[smem:$0x3FB0] =	sst s0  }
0x18: {  	s0 =	sld [smem:$0x3F93];
	_ =	swait.ge [sflag:s4], $0x0  }
0x19: {  	s7 =	sld [smem:$0x3F94]  }
0x1a: {  	s8 =	sadd.s32 $0xFFFFE003, lr  }
0x1b: {  	s9 =	sadd.s32 $0xFFFFFEF7, lr;
	s5 =	simm.s32 $0xFFFFFFFF;
	p2 =	slt.u32 s8, $0xFFFFF086  }
0x1c: {  	p1 =	slt.u32 s9, $0xF7A;
	s5 =	simm.s32 @!p2 $0x0  }
0x1d: {  	s5 =	simm.s32 @p1 $0x1;
	p0 =	seq.s32 s7, s2  }
0x1e: {  	s7 =	smul.u32 @!p0 $0xF7A, s2;
	p2 =	seq.s32 @!p0 s5, $0x0  }
0x1f: {  	s9 =	smul.u32 $0xF7A, s1;
	s8 =	simm.s32 @!p0 $0x1BF5;
	p2 =	por !p2, p0  }
0x20: {  	[sflag:s8] =	ssyncset.s32 @!p0 $0xFFFFF086;
	s6 =	sadd.s32 @!p0 s3, s7;
	s7 =	simm.s32 @!p0 $0x108  }
0x21: {  	s3 =	sadd.s32 s3, s9;
	s6 =	sadd.s32 @!p0 $0x88, s6;
	s7 =	simm.s32 @p2 $0x1082  }
0x22: {  	[simem:s7], [sflag:s8] =	dma.local @!p0 [hbm:s6], $0xF7A  }
0x23: {  	s9 =	sor.u32 $0xD0000000, s2;
	s6 =	simm.s32 $0x108;
	_ =	swait.ge @!p0 [sflag:s8], $0x0  }
0x24: {  	s3 =	sadd.s32 $0x88, s3;
	s6 =	simm.s32 @!p1 $0x1082;
	[sflag:s4] =	ssyncset.s32 $0xFFFFF086  }
0x25: {  	[simem:s6], [sflag:s4] =	dma.local [hbm:s3], $0xF7A  }
0x26: {  	[smem:$0x3F94] =	sst s1;
	(tag) =	ssettag s2;
	_ =	strace s9  }
0x27: {  	s1 =	sld [smem:$0x3FA4]  }
0x28: {  	s2 =	sld [smem:$0x3FA5]  }
0x29: {  	s4 =	sld [smem:$0x3FA7]  }
0x2a: {  	p0 =	seq.s32 s5, $0x0;
	s5 =	sld [smem:$0x3FA8]  }
0x2b: {  	s6 =	sld [smem:$0x3FA9]  }
0x2c: {  	s7 =	sld [smem:$0x3FAA]  }
0x2d: {  	s3 =	simm.s32 $0x108;
	s8 =	sld [smem:$0x3FAB]  }
0x2e: {  	s3 =	simm.s32 @!p0 $0x1082;
	s9 =	sld [smem:$0x3FAC]  }
0x2f: {  	lr =	sadd.s32 s0, s3;
	s0 =	sld [smem:$0x3FA3]  }
0x30: {  	s3 =	sld [smem:$0x3FA6]  }
0x31: {  	[smem:$0x3FAF] =	sst s10  }
0x32: {  	s10 =	sld [smem:$0x3FAD];
	_ =	sdelay $0x3  }
0x33: {  	p0 =	seq.s32 s10, $0x1;
	s10 =	sld [smem:$0x3FAF];
	_ =	sdelay $0x3  }
0x34: {  	[smem:$0x3FAF] =	sst s10  }
0x35: {  	s10 =	sld [smem:$0x3FAE];
	_ =	sdelay $0x3  }
0x36: {  	p1 =	seq.s32 s10, $0x1;
	s10 =	sld [smem:$0x3FAF];
	_ =	sdelay $0x3  }
0x37: {  	[smem:$0x3FAF] =	sst s10  }
0x38: {  	s10 =	sld [smem:$0x3FB0]  }
0x39: {  	_ = 	snop;
	(pc) =	sbr.ind lr, $3  }
0x3a: {  	_ = 	snop  }
0x3b: {  	_ = 	snop  }
0x3c: {  	p2 =	seq.s32 s10, $0x1;
	s10 =	sld [smem:$0x3FAF]  }
0x3d: {  	_ =	shalt  }
0x3e: {  	_ =	shalt  }
0x3f: {  	_ =	shalt  }
0x40: {  	_ =	shalt  }
0x41: {  	_ =	shalt  }
0x42: {  	_ =	shalt  }
0x43: {  	_ =	shalt  }
0x44: {  	_ =	shalt  }
0x45: {  	_ =	shalt  }
0x46: {  	_ =	shalt  }
0x47: {  	_ =	shalt  }
0x48: {  	_ =	shalt  }
0x49: {  	_ =	shalt  }
0x4a: {  	_ =	shalt  }
0x4b: {  	_ =	shalt  }
0x4c: {  	_ =	shalt  }
0x4d: {  	_ =	shalt  }
0x4e: {  	_ =	shalt  }
0x4f: {  	_ =	shalt  }
0x50: {  	_ =	shalt  }
0x51: {  	_ =	shalt  }
0x52: {  	_ =	shalt  }
0x53: {  	_ =	shalt  }
0x54: {  	_ =	shalt  }
0x55: {  	_ =	shalt  }
0x56: {  	_ =	shalt  }
0x57: {  	_ =	shalt  }
0x58: {  	_ =	shalt  }
0x59: {  	_ =	shalt  }
0x5a: {  	_ =	shalt  }
0x5b: {  	_ =	shalt  }
0x5c: {  	_ =	shalt  }
0x5d: {  	_ =	shalt  }
0x5e: {  	_ =	shalt  }
0x5f: {  	_ =	shalt  }
0x60: {  	_ =	shalt  }
0x61: {  	_ =	shalt  }
0x62: {  	_ =	shalt  }
0x63: {  	_ =	shalt  }
0x64: {  	_ =	shalt  }
0x65: {  	_ =	shalt  }
0x66: {  	_ =	shalt  }
0x67: {  	_ =	shalt  }
0x68: {  	_ =	shalt  }
0x69: {  	_ =	shalt  }
0x6a: {  	_ =	shalt  }
0x6b: {  	_ =	shalt  }
0x6c: {  	_ =	shalt  }
0x6d: {  	_ =	shalt  }
0x6e: {  	_ =	shalt  }
0x6f: {  	_ =	shalt  }
0x70: {  	_ =	shalt  }
0x71: {  	_ =	shalt  }
0x72: {  	_ =	shalt  }
0x73: {  	_ =	shalt  }
0x74: {  	_ =	shalt  }
0x75: {  	_ =	shalt  }
0x76: {  	_ =	shalt  }
0x77: {  	_ =	shalt  }
0x78: {  	_ =	shalt  }
0x79: {  	_ =	shalt  }
0x7a: {  	_ =	shalt  }
0x7b: {  	_ =	shalt  }
0x7c: {  	_ =	shalt  }
0x7d: {  	_ =	shalt  }
0x7e: {  	_ =	shalt  }
0x7f: {  	_ =	shalt  }
0x80: {  	_ =	shalt  }
0x81: {  	_ =	shalt  }
0x82: {  	_ =	shalt  }
0x83: {  	_ =	shalt  }
0x84: {  	_ =	shalt  }
0x85: {  	_ =	shalt  }
0x86: {  	_ =	shalt  }
0x87: {  	_ =	shalt  }
.Lfunc_end0:
.L_simem_size_0:
called_computation.2_lowered:
.L_overlay_start_0:
0x88: {  	s2 =	sld [smem:$0x3FD9]  }
0x89: {  	s3 =	sld [smem:$0x3FFE];
	_ =	sdelay $0x1  }
0x8a: {  	s1 =	srdreg.scid  }
0x8b: {  	s0 =	sand.u32 $0x1, s1  }
0x8c: {  	s16 =	sshll.u32 s0, $0xA;
	s2 =	sadd.s32 s3, s2  }
0x8d: {  	s2 =	sadd.s32 s2, s16  }
0x8e: {  	[smem:$0x3FBB] =	sst s2  }
0x8f: {  	_ = 	snop  }
0x90: {  	(tm) =	ssettm $0x1  }
0x91: {  	s17 =	sld [smem:$0x3FFB];
	_ =	sdelay $0x3  }
0x92: {  	_ =	strace s17  }
0x93: {  	s2 =	sld [smem:$0x3FFC];
	_ =	sdelay $0x3  }
0x94: {  	_ =	strace s2  }
0x95: {  	s2 =	sld [smem:$0x3FFD];
	_ =	sdelay $0x3  }
0x96: {  	_ =	strace s2  }
0x97: {  	_ =	strace $0x8FFFFFFF  }
0x98: {  	s18 =	sld [smem:$0x3FDB];
	_ =	sdelay $0x1  }
0x99: {  	s19 =	simm.s32 $_scs_section_size  }
0x9a: {  	s4 =	simm.s32 $_size__tile_overlayer_lowered;
	s5 =	simm.s32 $_tile_overlayer_lowered  }
0x9b: {  	s22 =	simm.s32 $0x1BFF;
	s21 =	sshll.u32 s5, $0x1;
	s2 =	sadd.s32 s19, s18  }
0x9c: {  	s6 =	simm.s32 $0x0;
	s20 =	sshll.u32 s4, $0x1;
	s4 =	sadd.s32 s21, s2  }
0x9d: {  	[timem:s6], [sflag:s22] =	dma.local [hbm:s4], s20  }
0x9e: {  	_ =	swait.ge [sflag:s22], s20  }
0x9f: {  	s3 =	ssub.s32 $0x0, s20;
	[sflag:s22] =	ssyncset.done $0x0  }
0xa0: {  	[sflag:s22] =	ssyncadd.s32 s3;
	_ =	sdelay $0x1  }
0xa1: {  	s23 =	simm.s32 $0x1B8B  }
0xa2: {  	_ =	swait.ge [sflag:s23], $0x1  }
0xa3: {  	[sflag:s23] =	ssyncset.done $0x0  }
0xa4: {  	s25 =	simm.s32 $0x1B8E;
	s24 =	sld [smem:$0x3FFE];
	[sflag:s23] =	ssyncadd.s32 $0xFFFFFFFF  }
0xa5: {  	s26 =	simm.s32 $execute0_lowered;
	[smem:$0x3FD2] =	sst s25  }
0xa6: {  	s4 =	sshll.u32 s26, $0x1;
	_ =	strace $0x8000004C;
	[dreg:$0x1] =	wrdreg $0xFFFFFFFF  }
0xa7: {  	s28 =	simm.s32 $_size_execute0_lowered;
	s2 =	sadd.s32 s2, s4;
	[dreg:$0x0] =	wrdreg $0x0  }
0xa8: {  	s4 =	sshll.u32 s28, $0x1;
	[dreg:$0x2] =	wrdreg s2  }
0xa9: {  	[dreg:$0x3] =	wrdreg s4  }
0xaa: {  	[dreg:$0x4] =	wrdreg $0xC0  }
0xab: {  	_ =	task [dreg:s6], $0x5FFFF  }
0xac: {  	[dreg:$0x1] =	wrdreg $0xFFFFFFFF  }
0xad: {  	[dreg:$0x0] =	wrdreg $0x60  }
0xae: {  	[dreg:$0x2] =	wrdreg s24  }
0xaf: {  	[dreg:$0x3] =	wrdreg $0xB0000  }
0xb0: {  	[dreg:$0x4] =	wrdreg $0x9  }
0xb1: {  	_ =	task.clear_ibuf [dreg:s6], $0x5FFFF;
	_ =	strace $0x9000004C  }
0xb2: {  	s29 =	simm.s32 $0x9;
	_ =	strace $0x8000004E  }
0xb3: {  	_ =	swait.ge [sflag:s29], $0x1  }
0xb4: {  	[sflag:s29] =	ssyncadd.s32 $0xFFFFFFFF  }
0xb5: {  	_ =	strace $0x9000004E  }
0xb6: {  	_ =	sfence  }
0xb7: {  	s30 =	sld [smem:$0x0];
	_ =	sdelay $0x2  }
0xb8: {  	s31 =	sshll.u32 s1, $0xD;
	s1 =	sshrl.u32 s1, $0x2  }
0xb9: {  	s3 =	sand.u32 $0x4000, s31;
	s1 =	sadd.s32 s1, s30  }
0xba: {  	s0 =	sor.u32 s3, s0;
	s1 =	sshll.u32 s1, $0x11  }
0xbb: {  	s0 =	sor.u32 s1, s0  }
0xbc: {  	s0 =	sadd.s32 $0x8F2B, s0  }
0xbd: {  	[sflag:s0] =	ssyncadd.remote.s32 $0x1  }
0xbe: {  	_ =	sfence.sel $0xFFFF  }
0xbf: {  	[dreg:$0x0] =	wrdreg $0xFFFFFFFF;
	(pc) =	sbr.abs _section_cstart, $3  }
0xc0: {  	[dreg:$0x1] =	wrdreg $0xFFFFFFFF  }
0xc1: {  	_ =	task.clear_ibuf [dreg:s6], $0x2FFFF;
	_ =	strace $0x9FFFFFFF  }
0xc2: {  	(tm) =	ssettm $0x7FFFFFFF  }
0xc3: {  	_ =	shalt  }
tec
execute0_lowered:
.L_overlay_start_1:
0x0: {  	(tag) =	ssettag $0x1  }
0x1: {  	s1 =	rddreg [dreg:$0x0]  }
0x2: {  	s0 =	srdreg.scid;
	s2 =	rddreg [dreg:$0x1]  }
0x3: {  	s12 =	stileid.u32;
	s3 =	simm.s32 $0x0;
	s28 =	simm.s32 $0x2  }
0x4: {  	s29 =	simm.s32 $0x80;
	s30 =	simm.s32 $0x7000;
	s31 =	simm.s32 $0x5  }
0x5: {  	s0 =	sand.u32 $0x1, s0;
	[smem:$0x7FF] =	sst s3;
	s11 =	smul.u32 $0x50000, s12  }
0x6: {  	s5 =	sadd.s32 $0x17A00, s1;
	s6 =	sadd.s32 $0x3A00, s1;
	s14 =	smul.u32 $0x14000, s12  }
0x7: {  	s4 =	sshll.u32 s0, $0x4;
	_ =	strace $0x8000004D;
	s8 =	ssub.s32 $0x2, s0  }
0x8: {  	s0 =	smul.u32 $0x140000, s0;
	s4 =	sor.u32 s12, s4;
	s10 =	sshrl.u32 s8, $0x1  }
0x9: {  	s21 =	sshrl.u32 s11, $0x2;
	s22 =	sadd.s32 $0x4000, s14;
	s23 =	sadd.s32 $0x8000, s14  }
0xa: {  	s15 =	sadd.s32 $0xC000, s14;
	s16 =	sadd.s32 $0x10000, s14;
	s4 =	smul.u32 $0x2800, s4  }
0xb: {  	s8 =	ssub.s32 s8, s10;
	s10 =	sadd.s32 s21, s2;
	s11 =	sadd.s32 s22, s2  }
0xc: {  	s12 =	sadd.s32 s23, s2;
	s13 =	sadd.s32 s15, s2;
	s17 =	sadd.s32 s14, s0  }
0xd: {  	s14 =	sadd.s32 s16, s2;
	s24 =	sadd.s32 s0, s23;
	s25 =	sadd.s32 s0, s15  }
0xe: {  	s21 =	simm.s32 $0x7;
	s23 =	simm.s32 $0x2C00;
	s17 =	sshrl.u32 s17, $0x3  }
0xf: {  	s26 =	sshrl.u32 s25, $0x3;
	s25 =	simm.s32 $0x1;
	s7 =	sshrl.u32 s4, $0x3  }
0x10: {  	s9 =	sadd.s32 s7, s1;
	s1 =	sadd.s32 $0x3FA00, s1;
	s20 =	sadd.s32 s6, s7  }
0x11: {  	s7 =	sadd.s32 s0, s22;
	s9 =	sadd.s32 $0xDA00, s9;
	[dreg:$0x4] =	wrdreg s20  }
0x12: {  	s0 =	sadd.s32 s0, s16;
	s17 =	sadd.s32 s1, s17;
	[dreg:$0x3] =	wrdreg s9  }
0x13: {  	s7 =	sshrl.u32 s7, $0x3;
	s9 =	sadd.s32 $0x10, s20;
	[dreg:$0x6] =	wrdreg s17  }
0x14: {  	s0 =	sshrl.u32 s0, $0x3;
	s7 =	sadd.s32 s1, s7;
	[dreg:$0x5] =	wrdreg s9  }
0x15: {  	s22 =	simm.s32 $0x2800;
	s0 =	sadd.s32 s1, s0;
	[dreg:$0x7] =	wrdreg s7  }
0x16: {  	s20 =	smax.u32 s8, $0x1;
	s7 =	sshrl.u32 s24, $0x3;
	[dreg:$0xa] =	wrdreg s0  }
0x17: {  	s24 =	simm.s32 $0x3000;
	s0 =	simm.s32 $0x4;
	s7 =	sadd.s32 s1, s7  }
0x18: {  	[dreg:$0x8] =	wrdreg s7;
	s7 =	sadd.s32 s1, s26;
	s26 =	simm.s32 $0x3  }
0x19: {  	v0 =	vimm.f32 $0.0e+00;
	s1 =	simm.s32 $0x6;
	[dreg:$0x9] =	wrdreg s7;
	s7 =	simm.s32 $0x0  }
.LBB2_1:
0x1a: {  	s8 =	rddreg [dreg:$0x3]  }
0x1b: {  	[tilespmem:s3], [sflag:$0x7] =	stream.linear.gather [hbm4b:s8+s3], $0x2800, $0x38;
	[tilespmem:$0x1F000] =	vst v63  }
0x1c: {  	_ =	swait.ge [sflag:s21], $0x2800  }
0x1d: {  	[sflag:s21] =	ssyncset.done $0x0  }
0x1e: {  	s18 =	rddreg [dreg:$0x4];
	[sflag:s21] =	ssyncadd.s32 $0xFFFFD800  }
0x1f: {  	[tilespmem:s22], [sflag:$0x1] =	stream.linear.gather [hbm4b:s18+s3], $0x80, $0x38;
	[tilespmem:$0x1F000] =	vst v63  }
0x20: {  	s9 =	simm.s32 $0x200;
	s8 =	simm.s32 $0x0;
	s19 =	rddreg [dreg:$0x5]  }
0x21: {  	[tilespmem:s23], [sflag:$0x2] =	stream.linear.gather [hbm4b:s19+s3], $0x80, $0x38;
	[tilespmem:$0x1F000] =	vst v63  }
.LBB2_2:
0x22: {  	p0 =	sne.s32 s9, $0xFE00;
	[tilespmem:s8+$0x3070] =	vst v0  }
0x23: {  	[tilespmem:s8+$0x3000] =	vst v0  }
0x24: {  	[tilespmem:s8+$0x3010] =	vst v0  }
.Ltmp0:
0x25: {  	[tilespmem:s8+$0x3020] =	vst v0;
	(pc) =	sbr.rel @p0 .LBB2_2-.Ltmp0, $4  }
0x26: {  	[tilespmem:s8+$0x3030] =	vst v0  }
0x27: {  	[tilespmem:s8+$0x3040] =	vst v0  }
0x28: {  	[tilespmem:s8+$0x3050] =	vst v0  }
0x29: {  	[tilespmem:s8+$0x3060] =	vst v0;
	s8 =	sshra.s32 s9, $0x2;
	s9 =	sadd.s32 $0x200, s9  }
0x2a: {  	[tilespmem:s8+$0x3070] =	vst v0  }
0x2b: {  	[tilespmem:s8+$0x3000] =	vst v0  }
0x2c: {  	[tilespmem:s8+$0x3010] =	vst v0  }
0x2d: {  	[tilespmem:s8+$0x3020] =	vst v0  }
0x2e: {  	[tilespmem:s8+$0x3030] =	vst v0  }
0x2f: {  	[tilespmem:s8+$0x3040] =	vst v0  }
0x30: {  	[tilespmem:s8+$0x3050] =	vst v0  }
0x31: {  	[tilespmem:s8+$0x3060] =	vst v0  }
0x32: {  	[spmem:s10] =	stream.linear.scatter [tilespmem:s24], [sflag:$0x7], $0x4000, $0x38;
	[tilespmem:$0x1F000] =	vst v63  }
0x33: {  	_ =	swait.ge [sflag:s21], $0x4000  }
0x34: {  	[sflag:s21] =	ssyncset.done $0x0  }
0x35: {  	[sflag:s21] =	ssyncadd.s32 $0xFFFFC000  }
0x36: {  	[spmem:s11] =	stream.linear.scatter [tilespmem:s24], [sflag:$0x7], $0x4000, $0x38;
	[tilespmem:$0x1F000] =	vst v63  }
0x37: {  	_ =	swait.ge [sflag:s21], $0x4000  }
0x38: {  	[sflag:s21] =	ssyncset.done $0x0  }
0x39: {  	[sflag:s21] =	ssyncadd.s32 $0xFFFFC000  }
0x3a: {  	[spmem:s12] =	stream.linear.scatter [tilespmem:s24], [sflag:$0x7], $0x4000, $0x38;
	[tilespmem:$0x1F000] =	vst v63  }
0x3b: {  	_ =	swait.ge [sflag:s21], $0x4000  }
0x3c: {  	[sflag:s21] =	ssyncset.done $0x0  }
0x3d: {  	[sflag:s21] =	ssyncadd.s32 $0xFFFFC000  }
0x3e: {  	[spmem:s13] =	stream.linear.scatter [tilespmem:s24], [sflag:$0x7], $0x4000, $0x38;
	[tilespmem:$0x1F000] =	vst v63  }
0x3f: {  	_ =	swait.ge [sflag:s21], $0x4000  }
0x40: {  	[sflag:s21] =	ssyncset.done $0x0  }
0x41: {  	[sflag:s21] =	ssyncadd.s32 $0xFFFFC000  }
0x42: {  	[spmem:s14] =	stream.linear.scatter [tilespmem:s24], [sflag:$0x7], $0x4000, $0x38;
	[tilespmem:$0x1F000] =	vst v63  }
0x43: {  	_ =	swait.ge [sflag:s21], $0x4000  }
0x44: {  	[sflag:s21] =	ssyncset.done $0x0  }
0x45: {  	[sflag:s21] =	ssyncadd.s32 $0xFFFFC000  }
0x46: {  	[bflag:$0x0] =	sbarrier.arrive $0xFFFF  }
0x47: {  	s9 =	simm.s32 $0x100;
	_ =	swait.ge [sflag:s25], $0x80  }
0x48: {  	s16 =	simm.s32 $0x80;
	s15 =	sand.u32 $0x7C00, s9;
	[sflag:s25] =	ssyncset.done $0x0  }
0x49: {  	s9 =	sand.u32 $0x300, s9;
	s15 =	sadd.s32 s4, s15;
	[sflag:s25] =	ssyncadd.s32 $0xFFFFFF80  }
0x4a: {  	[tilespmem:s24], [sflag:$0x3] =	stream.indirect.gather [hbm4b:s5+s16], $0x80, s22, s16, $0xb8;
	[tilespmem:$0x1F000] =	vst v63  }
0x4b: {  	s9 =	sor.u32 s9, s15;
	_ =	swait.ge [sflag:s26], $0x4000  }
0x4c: {  	s9 =	sshrl.u32 s9, $0x3;
	[sflag:s26] =	ssyncset.done $0x0  }
0x4d: {  	s9 =	sadd.s32 s6, s9;
	[sflag:s26] =	ssyncadd.s32 $0xFFFFC000  }
0x4e: {  	[tilespmem:s22], [sflag:$0x1] =	stream.linear.gather [hbm4b:s9+s3], $0x80, $0x38;
	[tilespmem:$0x1F000] =	vst v63  }
0x4f: {  	_ =	swait.ge [sflag:s28], $0x80  }
0x50: {  	[sflag:s28] =	ssyncset.done $0x0  }
0x51: {  	[sflag:s28] =	ssyncadd.s32 $0xFFFFFF80  }
0x52: {  	[tilespmem:s30], [sflag:$0x4] =	stream.indirect.gather [hbm4b:s5+s29], $0x80, s23, s29, $0xb8;
	[tilespmem:$0x1F000] =	vst v63  }
0x53: {  	s17 =	simm.s32 $0x0  }
0x54: {  	[spmem:s2] =	stream.indirect.scatter.add.f32 [tilespmem:s24], [sflag:$0x5], $0x80, s17, s29, $0xb8;
	[tilespmem:$0x1F000] =	vst v63  }
0x55: {  	s18 =	simm.s32 $0x180;
	_ =	swait.ge [sflag:s31], $0x4000  }
0x56: {  	s19 =	sand.u32 $0x7C00, s18;
	[sflag:s31] =	ssyncset.done $0x0  }
0x57: {  	s15 =	sadd.s32 s4, s19;
	s9 =	sand.u32 $0x380, s18;
	[sflag:s31] =	ssyncadd.s32 $0xFFFFC000  }
0x58: {  	s9 =	sor.u32 s9, s15;
	_ =	swait.ge [sflag:s0], $0x4000  }
0x59: {  	s9 =	sshrl.u32 s9, $0x3;
	[sflag:s0] =	ssyncset.done $0x0  }
0x5a: {  	s9 =	sadd.s32 s6, s9;
	[sflag:s0] =	ssyncadd.s32 $0xFFFFC000  }
0x5b: {  	[tilespmem:s23], [sflag:$0x2] =	stream.linear.gather [hbm4b:s9+s3], $0x80, $0x38;
	[tilespmem:$0x1F000] =	vst v63  }
0x5c: {  	_ =	swait.ge [sflag:s25], $0x80  }
0x5d: {  	[sflag:s25] =	ssyncset.done $0x0  }
0x5e: {  	[sflag:s25] =	ssyncadd.s32 $0xFFFFFF80  }
0x5f: {  	[tilespmem:s24], [sflag:$0x3] =	stream.indirect.gather [hbm4b:s5+s29], $0x80, s22, s29, $0xb8;
	[tilespmem:$0x1F000] =	vst v63  }
0x60: {  	_ = 	snop  }
0x61: {  	[spmem:s2] =	stream.indirect.scatter.add.f32 [tilespmem:s30], [sflag:$0x6], $0x80, s16, s29, $0xb8;
	[tilespmem:$0x1F000] =	vst v63  }
0x62: {  	s8 =	simm.s32 $0x280;
	s15 =	simm.s32 $0x380;
	_ =	swait.ge [sflag:s1], $0x4000  }
0x63: {  	s9 =	simm.s32 $0x180;
	s16 =	simm.s32 $0x200;
	[sflag:s1] =	ssyncset.done $0x0  }
.LBB2_4:
0x64: {  	s18 =	sand.u32 $0x7C00, s16  }
0x65: {  	[sflag:s1] =	ssyncadd.s32 $0xFFFFC000;
	s19 =	smov.u32 s15;
	s17 =	sadd.s32 $0x100, s15  }
0x66: {  	p0 =	sne.s32 s15, $0x2780;
	s16 =	sand.u32 $0x300, s16;
	s15 =	sadd.s32 s4, s18  }
0x67: {  	_ =	swait.ge [sflag:s26], $0x4000;
	s15 =	sor.u32 s16, s15  }
0x68: {  	[sflag:s26] =	ssyncset.done $0x0;
	s15 =	sshrl.u32 s15, $0x3  }
0x69: {  	[sflag:s26] =	ssyncadd.s32 $0xFFFFC000;
	s15 =	sadd.s32 s6, s15  }
0x6a: {  	[tilespmem:s22], [sflag:$0x1] =	stream.linear.gather [hbm4b:s15+s3], $0x80, $0x38;
	[tilespmem:$0x1F000] =	vst v63  }
0x6b: {  	_ =	swait.ge [sflag:s28], $0x80  }
0x6c: {  	[sflag:s28] =	ssyncset.done $0x0  }
0x6d: {  	[sflag:s28] =	ssyncadd.s32 $0xFFFFFF80  }
0x6e: {  	[tilespmem:s30], [sflag:$0x4] =	stream.indirect.gather [hbm4b:s5+s29], $0x80, s23, s29, $0xb8;
	[tilespmem:$0x1F000] =	vst v63  }
0x6f: {  	s15 =	sadd.s32 $0xFFFFFF80, s9  }
0x70: {  	[spmem:s2] =	stream.indirect.scatter.add.f32 [tilespmem:s24], [sflag:$0x5], $0x80, s15, s29, $0xb8;
	[tilespmem:$0x1F000] =	vst v63  }
0x71: {  	_ =	swait.ge [sflag:s31], $0x4000  }
0x72: {  	s15 =	sand.u32 $0x7C00, s8;
	[sflag:s31] =	ssyncset.done $0x0  }
0x73: {  	s8 =	sand.u32 $0x380, s8;
	s15 =	sadd.s32 s4, s15;
	[sflag:s31] =	ssyncadd.s32 $0xFFFFC000  }
0x74: {  	s15 =	sor.u32 s8, s15;
	s8 =	smov.u32 s19;
	_ =	swait.ge [sflag:s0], $0x4000  }
0x75: {  	s15 =	sshrl.u32 s15, $0x3;
	[sflag:s0] =	ssyncset.done $0x0  }
0x76: {  	s15 =	sadd.s32 s6, s15;
	[sflag:s0] =	ssyncadd.s32 $0xFFFFC000  }
0x77: {  	[tilespmem:s23], [sflag:$0x2] =	stream.linear.gather [hbm4b:s15+s3], $0x80, $0x38;
	[tilespmem:$0x1F000] =	vst v63  }
0x78: {  	_ =	swait.ge [sflag:s25], $0x80  }
0x79: {  	[sflag:s25] =	ssyncset.done $0x0  }
0x7a: {  	[sflag:s25] =	ssyncadd.s32 $0xFFFFFF80  }
0x7b: {  	[tilespmem:s24], [sflag:$0x3] =	stream.indirect.gather [hbm4b:s5+s29], $0x80, s22, s29, $0xb8;
	[tilespmem:$0x1F000] =	vst v63  }
.Ltmp1:
0x7c: {  	_ = 	snop;
	(pc) =	sbr.rel @p0 .LBB2_4-.Ltmp1, $4  }
0x7d: {  	_ = 	snop  }
0x7e: {  	[spmem:s2] =	stream.indirect.scatter.add.f32 [tilespmem:s30], [sflag:$0x6], $0x80, s9, s29, $0xb8;
	[tilespmem:$0x1F000] =	vst v63  }
0x7f: {  	s16 =	sadd.s32 $0xFFFFFF80, s8;
	_ =	swait.ge [sflag:s1], $0x4000  }
0x80: {  	s15 =	smov.u32 s17;
	s9 =	sadd.s32 $0x100, s9;
	[sflag:s1] =	ssyncset.done $0x0  }
0x81: {  	s15 =	sand.u32 $0x7C00, s16  }
0x82: {  	[sflag:s1] =	ssyncadd.s32 $0xFFFFC000;
	s19 =	sand.u32 $0x300, s16;
	s15 =	sadd.s32 s4, s15  }
0x83: {  	_ =	swait.ge [sflag:s26], $0x4000;
	s15 =	sor.u32 s19, s15  }
0x84: {  	[sflag:s26] =	ssyncset.done $0x0;
	s15 =	sshrl.u32 s15, $0x3  }
0x85: {  	[sflag:s26] =	ssyncadd.s32 $0xFFFFC000;
	s15 =	sadd.s32 s6, s15  }
0x86: {  	[tilespmem:s22], [sflag:$0x1] =	stream.linear.gather [hbm4b:s15+s3], $0x80, $0x38;
	[tilespmem:$0x1F000] =	vst v63  }
0x87: {  	_ =	swait.ge [sflag:s28], $0x80  }
0x88: {  	[sflag:s28] =	ssyncset.done $0x0  }
0x89: {  	[sflag:s28] =	ssyncadd.s32 $0xFFFFFF80  }
0x8a: {  	[tilespmem:s30], [sflag:$0x4] =	stream.indirect.gather [hbm4b:s5+s29], $0x80, s23, s29, $0xb8;
	[tilespmem:$0x1F000] =	vst v63  }
0x8b: {  	s16 =	sadd.s32 $0xFFFFFF80, s9  }
0x8c: {  	[spmem:s2] =	stream.indirect.scatter.add.f32 [tilespmem:s24], [sflag:$0x5], $0x80, s16, s29, $0xb8;
	[tilespmem:$0x1F000] =	vst v63  }
0x8d: {  	_ =	swait.ge [sflag:s31], $0x4000  }
0x8e: {  	s17 =	sand.u32 $0x7C00, s8;
	[sflag:s31] =	ssyncset.done $0x0  }
0x8f: {  	s18 =	sand.u32 $0x380, s8;
	s15 =	sadd.s32 s4, s17;
	[sflag:s31] =	ssyncadd.s32 $0xFFFFC000  }
0x90: {  	s8 =	sor.u32 s18, s15;
	_ =	swait.ge [sflag:s0], $0x4000  }
0x91: {  	s8 =	sshrl.u32 s8, $0x3;
	[sflag:s0] =	ssyncset.done $0x0  }
0x92: {  	s8 =	sadd.s32 s6, s8;
	[sflag:s0] =	ssyncadd.s32 $0xFFFFC000  }
0x93: {  	[tilespmem:s23], [sflag:$0x2] =	stream.linear.gather [hbm4b:s8+s3], $0x80, $0x38;
	[tilespmem:$0x1F000] =	vst v63  }
0x94: {  	_ =	swait.ge [sflag:s25], $0x80  }
0x95: {  	[sflag:s25] =	ssyncset.done $0x0  }
0x96: {  	[sflag:s25] =	ssyncadd.s32 $0xFFFFFF80  }
0x97: {  	[tilespmem:s24], [sflag:$0x3] =	stream.indirect.gather [hbm4b:s5+s29], $0x80, s22, s29, $0xb8;
	[tilespmem:$0x1F000] =	vst v63  }
0x98: {  	_ = 	snop  }
0x99: {  	[spmem:s2] =	stream.indirect.scatter.add.f32 [tilespmem:s30], [sflag:$0x6], $0x80, s9, s29, $0xb8;
	[tilespmem:$0x1F000] =	vst v63  }
0x9a: {  	_ =	swait.ge [sflag:s1], $0x4000  }
0x9b: {  	[sflag:s1] =	ssyncset.done $0x0  }
0x9c: {  	[sflag:s1] =	ssyncadd.s32 $0xFFFFC000  }
0x9d: {  	_ =	swait.ge [sflag:s26], $0x4000  }
0x9e: {  	[sflag:s26] =	ssyncset.done $0x0  }
0x9f: {  	[sflag:s26] =	ssyncadd.s32 $0xFFFFC000  }
0xa0: {  	_ =	swait.ge [sflag:s28], $0x80  }
0xa1: {  	[sflag:s28] =	ssyncset.done $0x0  }
0xa2: {  	[sflag:s28] =	ssyncadd.s32 $0xFFFFFF80  }
0xa3: {  	[tilespmem:s30], [sflag:$0x4] =	stream.indirect.gather [hbm4b:s5+s29], $0x80, s23, s29, $0xb8;
	[tilespmem:$0x1F000] =	vst v63  }
0xa4: {  	s19 =	simm.s32 $0x2700  }
0xa5: {  	[spmem:s2] =	stream.indirect.scatter.add.f32 [tilespmem:s24], [sflag:$0x5], $0x80, s19, s29, $0xb8;
	[tilespmem:$0x1F000] =	vst v63  }
0xa6: {  	_ =	swait.ge [sflag:s31], $0x4000  }
0xa7: {  	[sflag:s31] =	ssyncset.done $0x0  }
0xa8: {  	[sflag:s31] =	ssyncadd.s32 $0xFFFFC000  }
0xa9: {  	_ =	swait.ge [sflag:s0], $0x4000  }
0xaa: {  	[sflag:s0] =	ssyncset.done $0x0  }
0xab: {  	s9 =	simm.s32 $0x2780;
	[sflag:s0] =	ssyncadd.s32 $0xFFFFC000  }
0xac: {  	[spmem:s2] =	stream.indirect.scatter.add.f32 [tilespmem:s30], [sflag:$0x6], $0x80, s9, s29, $0xb8;
	[tilespmem:$0x1F000] =	vst v63  }
0xad: {  	_ =	swait.ge [sflag:s1], $0x4000  }
0xae: {  	[sflag:s1] =	ssyncset.done $0x0  }
0xaf: {  	[sflag:s1] =	ssyncadd.s32 $0xFFFFC000  }
0xb0: {  	[bflag:$0x0] =	sbarrier.arrive $0xFFFF  }
0xb1: {  	[tilespmem:s24], [sflag:$0x7] =	stream.linear.gather [spmem:s10], $0x4000, $0x38;
	[tilespmem:$0x1F000] =	vst v63  }
0xb2: {  	_ =	swait.ge [sflag:s21], $0x4000  }
0xb3: {  	[sflag:s21] =	ssyncset.done $0x0  }
0xb4: {  	s15 =	rddreg [dreg:$0x6];
	[sflag:s21] =	ssyncadd.s32 $0xFFFFC000  }
0xb5: {  	[hbm4b:s15+s3] =	stream.linear.scatter [tilespmem:s24], [sflag:$0x7], $0x4000, $0x38;
	[tilespmem:$0x1F000] =	vst v63  }
0xb6: {  	_ =	swait.ge [sflag:s21], $0x4000  }
0xb7: {  	[sflag:s21] =	ssyncset.done $0x0  }
0xb8: {  	[sflag:s21] =	ssyncadd.s32 $0xFFFFC000  }
0xb9: {  	[tilespmem:s24], [sflag:$0x7] =	stream.linear.gather [spmem:s11], $0x4000, $0x38;
	[tilespmem:$0x1F000] =	vst v63  }
0xba: {  	_ =	swait.ge [sflag:s21], $0x4000  }
0xbb: {  	[sflag:s21] =	ssyncset.done $0x0  }
0xbc: {  	s16 =	rddreg [dreg:$0x7];
	[sflag:s21] =	ssyncadd.s32 $0xFFFFC000  }
0xbd: {  	[hbm4b:s16+s3] =	stream.linear.scatter [tilespmem:s24], [sflag:$0x7], $0x4000, $0x38;
	[tilespmem:$0x1F000] =	vst v63  }
0xbe: {  	_ =	swait.ge [sflag:s21], $0x4000  }
0xbf: {  	[sflag:s21] =	ssyncset.done $0x0  }
0xc0: {  	[sflag:s21] =	ssyncadd.s32 $0xFFFFC000  }
0xc1: {  	[tilespmem:s24], [sflag:$0x7] =	stream.linear.gather [spmem:s12], $0x4000, $0x38;
	[tilespmem:$0x1F000] =	vst v63  }
0xc2: {  	_ =	swait.ge [sflag:s21], $0x4000  }
0xc3: {  	[sflag:s21] =	ssyncset.done $0x0  }
0xc4: {  	s17 =	rddreg [dreg:$0x8];
	[sflag:s21] =	ssyncadd.s32 $0xFFFFC000  }
0xc5: {  	[hbm4b:s17+s3] =	stream.linear.scatter [tilespmem:s24], [sflag:$0x7], $0x4000, $0x38;
	[tilespmem:$0x1F000] =	vst v63  }
0xc6: {  	_ =	swait.ge [sflag:s21], $0x4000  }
0xc7: {  	[sflag:s21] =	ssyncset.done $0x0  }
0xc8: {  	[sflag:s21] =	ssyncadd.s32 $0xFFFFC000  }
0xc9: {  	[tilespmem:s24], [sflag:$0x7] =	stream.linear.gather [spmem:s13], $0x4000, $0x38;
	[tilespmem:$0x1F000] =	vst v63  }
0xca: {  	_ =	swait.ge [sflag:s21], $0x4000  }
0xcb: {  	[sflag:s21] =	ssyncset.done $0x0  }
0xcc: {  	s18 =	rddreg [dreg:$0x9];
	[sflag:s21] =	ssyncadd.s32 $0xFFFFC000  }
0xcd: {  	[hbm4b:s18+s3] =	stream.linear.scatter [tilespmem:s24], [sflag:$0x7], $0x4000, $0x38;
	[tilespmem:$0x1F000] =	vst v63  }
0xce: {  	_ =	swait.ge [sflag:s21], $0x4000  }
0xcf: {  	[sflag:s21] =	ssyncset.done $0x0  }
0xd0: {  	[sflag:s21] =	ssyncadd.s32 $0xFFFFC000  }
0xd1: {  	[tilespmem:s24], [sflag:$0x7] =	stream.linear.gather [spmem:s14], $0x4000, $0x38;
	[tilespmem:$0x1F000] =	vst v63  }
0xd2: {  	s7 =	sadd.s32 $0x1, s7;
	_ =	swait.ge [sflag:s21], $0x4000  }
0xd3: {  	p0 =	sne.s32 s7, s20;
	[sflag:s21] =	ssyncset.done $0x0  }
.Ltmp2:
0xd4: {  	s19 =	rddreg [dreg:$0xa];
	[sflag:s21] =	ssyncadd.s32 $0xFFFFC000;
	(pc) =	sbr.rel @p0 .LBB2_1-.Ltmp2, $4  }
0xd5: {  	[hbm4b:s19+s3] =	stream.linear.scatter [tilespmem:s24], [sflag:$0x7], $0x4000, $0x38;
	[tilespmem:$0x1F000] =	vst v63  }
0xd6: {  	_ =	swait.ge [sflag:s21], $0x4000  }
0xd7: {  	[sflag:s21] =	ssyncset.done $0x0  }
0xd8: {  	[sflag:s21] =	ssyncadd.s32 $0xFFFFC000  }
0xd9: {  	_ =	sfence.sel $0x180000  }
0xda: {  	[bflag:$0x0] =	sbarrier.arrive $0xFFFF  }
0xdb: {  	_ =	strace $0x9000004D  }
0xdc: {  	s0 =	stileid.u32;
	[bflag:$0x2] =	sbarrier.arrive $0xFFFF  }
0xdd: {  	p0 =	sne.s32 s0, $0x0;
	s0 =	rddreg [dreg:$0x2]  }
0xde: {  	s0 =	sadd.s32 @!p0 $0x100000, s0  }
0xdf: {  	[sflag:s0] =	ssyncadd.tile.s32 @!p0 $0x1;
	_ =	shalt  }
.Lfunc_end2:
_tile_overlayer_lowered:
.L_overlay_start_2:
0xe0: {  	(tag) =	ssettag $0x2  }
0xe1: {  	s0 =	rddreg [dreg:$0x0];
	s2 =	stileid.u32  }
0xe2: {  	s1 =	rddreg [dreg:$0x1];
	p0 =	sne.s32 s2, $0x0  }
0xe3: {  	s3 =	rddreg [dreg:$0x2];
	[bflag:$0x3] =	sbarrier.arrive $0xFFFF;
	s2 =	simm.s32 @!p0 $0x1C07  }
0xe4: {  	[timem:s3], [sflag:s2] =	dma.local @!p0 [hbm:s0], s1  }
0xe5: {  	s0 =	simm.s32 @!p0 $0x7  }
0xe6: {  	_ =	swait.ge @!p0 [sflag:s0], s1  }
0xe7: {  	s1 =	ssub.s32 @!p0 $0x0, s1;
	[sflag:s0] =	ssyncset.done @!p0 $0x0  }
0xe8: {  	[sflag:s0] =	ssyncadd.s32 @!p0 s1  }
0xe9: {  	[bflag:$0x3] =	sbarrier.arrive $0xFFFF  }
0xea: {  	_ =	shalt  }

// kernel: kernel.9.cloned.1.call-start
scs
__scs_entry_jumppad:
0x0: {  	(pc) =	sbr.rel $0x88, $3  }
0x1: {  	(tag) =	ssettag $0x0;
	lr =	simm.s32 $0x1  }
0x2: {  	[smem:$0x3F94] =	sst lr;
	_ =	strace $0xD0000000  }
0x3: {  	_ = 	snop  }
0x4: {  	_ = 	snop  }
0x5: {  	_ = 	snop  }
0x6: {  	_ = 	snop  }
0x7: {  	_ = 	snop  }
__scs_overlays_trampoline_lowered:
0x8: {  	[smem:$0x3FA3] =	sst s0  }
0x9: {  	[smem:$0x3FA4] =	sst s1  }
0xa: {  	[smem:$0x3FA5] =	sst s2  }
0xb: {  	[smem:$0x3FA6] =	sst s3  }
0xc: {  	[smem:$0x3FA7] =	sst s4  }
0xd: {  	[smem:$0x3FA8] =	sst s5  }
0xe: {  	[smem:$0x3FA9] =	sst s6  }
0xf: {  	[smem:$0x3FAA] =	sst s7  }
0x10: {  	[smem:$0x3FAB] =	sst s8  }
0x11: {  	[smem:$0x3FAC] =	sst s9;
	s0 =	simm.s32 @!p0 $0x0  }
0x12: {  	s1 =	sld [smem:$0x3F92];
	s0 =	simm.s32 @p0 $0x1  }
0x13: {  	[smem:$0x3FAD] =	sst s0;
	s0 =	simm.s32 @!p1 $0x0  }
0x14: {  	s2 =	sld [smem:$0x3F91];
	s0 =	simm.s32 @p1 $0x1  }
0x15: {  	[smem:$0x3FAE] =	sst s0;
	s0 =	simm.s32 @!p2 $0x0  }
0x16: {  	s3 =	sld [smem:$0x3FDB];
	s0 =	simm.s32 @p2 $0x1  }
0x17: {  	s4 =	simm.s32 $0x1BF5;
	[smem:$0x3FB0] =	sst s0  }
0x18: {  	s0 =	sld [smem:$0x3F93];
	_ =	swait.ge [sflag:s4], $0x0  }
0x19: {  	s7 =	sld [smem:$0x3F94]  }
0x1a: {  	s8 =	sadd.s32 $0xFFFFE003, lr  }
0x1b: {  	s9 =	sadd.s32 $0xFFFFFEF7, lr;
	s5 =	simm.s32 $0xFFFFFFFF;
	p2 =	slt.u32 s8, $0xFFFFF086  }
0x1c: {  	p1 =	slt.u32 s9, $0xF7A;
	s5 =	simm.s32 @!p2 $0x0  }
0x1d: {  	s5 =	simm.s32 @p1 $0x1;
	p0 =	seq.s32 s7, s2  }
0x1e: {  	s7 =	smul.u32 @!p0 $0xF7A, s2;
	p2 =	seq.s32 @!p0 s5, $0x0  }
0x1f: {  	s9 =	smul.u32 $0xF7A, s1;
	s8 =	simm.s32 @!p0 $0x1BF5;
	p2 =	por !p2, p0  }
0x20: {  	[sflag:s8] =	ssyncset.s32 @!p0 $0xFFFFF086;
	s6 =	sadd.s32 @!p0 s3, s7;
	s7 =	simm.s32 @!p0 $0x108  }
0x21: {  	s3 =	sadd.s32 s3, s9;
	s6 =	sadd.s32 @!p0 $0x88, s6;
	s7 =	simm.s32 @p2 $0x1082  }
0x22: {  	[simem:s7], [sflag:s8] =	dma.local @!p0 [hbm:s6], $0xF7A  }
0x23: {  	s9 =	sor.u32 $0xD0000000, s2;
	s6 =	simm.s32 $0x108;
	_ =	swait.ge @!p0 [sflag:s8], $0x0  }
0x24: {  	s3 =	sadd.s32 $0x88, s3;
	s6 =	simm.s32 @!p1 $0x1082;
	[sflag:s4] =	ssyncset.s32 $0xFFFFF086  }
0x25: {  	[simem:s6], [sflag:s4] =	dma.local [hbm:s3], $0xF7A  }
0x26: {  	[smem:$0x3F94] =	sst s1;
	(tag) =	ssettag s2;
	_ =	strace s9  }
0x27: {  	s1 =	sld [smem:$0x3FA4]  }
0x28: {  	s2 =	sld [smem:$0x3FA5]  }
0x29: {  	s4 =	sld [smem:$0x3FA7]  }
0x2a: {  	p0 =	seq.s32 s5, $0x0;
	s5 =	sld [smem:$0x3FA8]  }
0x2b: {  	s6 =	sld [smem:$0x3FA9]  }
0x2c: {  	s7 =	sld [smem:$0x3FAA]  }
0x2d: {  	s3 =	simm.s32 $0x108;
	s8 =	sld [smem:$0x3FAB]  }
0x2e: {  	s3 =	simm.s32 @!p0 $0x1082;
	s9 =	sld [smem:$0x3FAC]  }
0x2f: {  	lr =	sadd.s32 s0, s3;
	s0 =	sld [smem:$0x3FA3]  }
0x30: {  	s3 =	sld [smem:$0x3FA6]  }
0x31: {  	[smem:$0x3FAF] =	sst s10  }
0x32: {  	s10 =	sld [smem:$0x3FAD];
	_ =	sdelay $0x3  }
0x33: {  	p0 =	seq.s32 s10, $0x1;
	s10 =	sld [smem:$0x3FAF];
	_ =	sdelay $0x3  }
0x34: {  	[smem:$0x3FAF] =	sst s10  }
0x35: {  	s10 =	sld [smem:$0x3FAE];
	_ =	sdelay $0x3  }
0x36: {  	p1 =	seq.s32 s10, $0x1;
	s10 =	sld [smem:$0x3FAF];
	_ =	sdelay $0x3  }
0x37: {  	[smem:$0x3FAF] =	sst s10  }
0x38: {  	s10 =	sld [smem:$0x3FB0]  }
0x39: {  	_ = 	snop;
	(pc) =	sbr.ind lr, $3  }
0x3a: {  	_ = 	snop  }
0x3b: {  	_ = 	snop  }
0x3c: {  	p2 =	seq.s32 s10, $0x1;
	s10 =	sld [smem:$0x3FAF]  }
0x3d: {  	_ =	shalt  }
0x3e: {  	_ =	shalt  }
0x3f: {  	_ =	shalt  }
0x40: {  	_ =	shalt  }
0x41: {  	_ =	shalt  }
0x42: {  	_ =	shalt  }
0x43: {  	_ =	shalt  }
0x44: {  	_ =	shalt  }
0x45: {  	_ =	shalt  }
0x46: {  	_ =	shalt  }
0x47: {  	_ =	shalt  }
0x48: {  	_ =	shalt  }
0x49: {  	_ =	shalt  }
0x4a: {  	_ =	shalt  }
0x4b: {  	_ =	shalt  }
0x4c: {  	_ =	shalt  }
0x4d: {  	_ =	shalt  }
0x4e: {  	_ =	shalt  }
0x4f: {  	_ =	shalt  }
0x50: {  	_ =	shalt  }
0x51: {  	_ =	shalt  }
0x52: {  	_ =	shalt  }
0x53: {  	_ =	shalt  }
0x54: {  	_ =	shalt  }
0x55: {  	_ =	shalt  }
0x56: {  	_ =	shalt  }
0x57: {  	_ =	shalt  }
0x58: {  	_ =	shalt  }
0x59: {  	_ =	shalt  }
0x5a: {  	_ =	shalt  }
0x5b: {  	_ =	shalt  }
0x5c: {  	_ =	shalt  }
0x5d: {  	_ =	shalt  }
0x5e: {  	_ =	shalt  }
0x5f: {  	_ =	shalt  }
0x60: {  	_ =	shalt  }
0x61: {  	_ =	shalt  }
0x62: {  	_ =	shalt  }
0x63: {  	_ =	shalt  }
0x64: {  	_ =	shalt  }
0x65: {  	_ =	shalt  }
0x66: {  	_ =	shalt  }
0x67: {  	_ =	shalt  }
0x68: {  	_ =	shalt  }
0x69: {  	_ =	shalt  }
0x6a: {  	_ =	shalt  }
0x6b: {  	_ =	shalt  }
0x6c: {  	_ =	shalt  }
0x6d: {  	_ =	shalt  }
0x6e: {  	_ =	shalt  }
0x6f: {  	_ =	shalt  }
0x70: {  	_ =	shalt  }
0x71: {  	_ =	shalt  }
0x72: {  	_ =	shalt  }
0x73: {  	_ =	shalt  }
0x74: {  	_ =	shalt  }
0x75: {  	_ =	shalt  }
0x76: {  	_ =	shalt  }
0x77: {  	_ =	shalt  }
0x78: {  	_ =	shalt  }
0x79: {  	_ =	shalt  }
0x7a: {  	_ =	shalt  }
0x7b: {  	_ =	shalt  }
0x7c: {  	_ =	shalt  }
0x7d: {  	_ =	shalt  }
0x7e: {  	_ =	shalt  }
0x7f: {  	_ =	shalt  }
0x80: {  	_ =	shalt  }
0x81: {  	_ =	shalt  }
0x82: {  	_ =	shalt  }
0x83: {  	_ =	shalt  }
0x84: {  	_ =	shalt  }
0x85: {  	_ =	shalt  }
0x86: {  	_ =	shalt  }
0x87: {  	_ =	shalt  }
.Lfunc_end0:
.L_simem_size_0:
called_computation_lowered:
.L_overlay_start_0:
0x88: {  	s2 =	sld [smem:$0x3FD9]  }
0x89: {  	s3 =	sld [smem:$0x3FFE];
	_ =	sdelay $0x1  }
0x8a: {  	s1 =	srdreg.scid  }
0x8b: {  	s0 =	sand.u32 $0x1, s1  }
0x8c: {  	s16 =	sshll.u32 s0, $0xA;
	s2 =	sadd.s32 s3, s2  }
0x8d: {  	s2 =	sadd.s32 s2, s16  }
0x8e: {  	[smem:$0x3FBB] =	sst s2  }
0x8f: {  	_ = 	snop  }
0x90: {  	(tm) =	ssettm $0x1  }
0x91: {  	s17 =	sld [smem:$0x3FFB];
	_ =	sdelay $0x3  }
0x92: {  	_ =	strace s17  }
0x93: {  	s2 =	sld [smem:$0x3FFC];
	_ =	sdelay $0x3  }
0x94: {  	_ =	strace s2  }
0x95: {  	s2 =	sld [smem:$0x3FFD];
	_ =	sdelay $0x3  }
0x96: {  	_ =	strace s2  }
0x97: {  	_ =	strace $0x8FFFFFFF  }
0x98: {  	s18 =	sld [smem:$0x3FDB];
	_ =	sdelay $0x1  }
0x99: {  	s19 =	simm.s32 $_scs_section_size  }
0x9a: {  	s4 =	simm.s32 $_size__tile_overlayer_lowered;
	s5 =	simm.s32 $_tile_overlayer_lowered  }
0x9b: {  	s22 =	simm.s32 $0x1BFF;
	s21 =	sshll.u32 s5, $0x1;
	s2 =	sadd.s32 s19, s18  }
0x9c: {  	s6 =	simm.s32 $0x0;
	s20 =	sshll.u32 s4, $0x1;
	s4 =	sadd.s32 s21, s2  }
0x9d: {  	[timem:s6], [sflag:s22] =	dma.local [hbm:s4], s20  }
0x9e: {  	_ =	swait.ge [sflag:s22], s20  }
0x9f: {  	s3 =	ssub.s32 $0x0, s20;
	[sflag:s22] =	ssyncset.done $0x0  }
0xa0: {  	[sflag:s22] =	ssyncadd.s32 s3;
	_ =	sdelay $0x1  }
0xa1: {  	s23 =	simm.s32 $0x1B8B  }
0xa2: {  	_ =	swait.ge [sflag:s23], $0x1  }
0xa3: {  	[sflag:s23] =	ssyncset.done $0x0  }
0xa4: {  	s25 =	simm.s32 $0x1B8E;
	s24 =	sld [smem:$0x3FFE];
	[sflag:s23] =	ssyncadd.s32 $0xFFFFFFFF  }
0xa5: {  	s26 =	simm.s32 $execute0_lowered;
	[smem:$0x3FD2] =	sst s25  }
0xa6: {  	s4 =	sshll.u32 s26, $0x1;
	_ =	strace $0x80000046;
	[dreg:$0x1] =	wrdreg $0xFFFFFFFF  }
0xa7: {  	s28 =	simm.s32 $_size_execute0_lowered;
	s2 =	sadd.s32 s2, s4;
	[dreg:$0x0] =	wrdreg $0x0  }
0xa8: {  	s4 =	sshll.u32 s28, $0x1;
	[dreg:$0x2] =	wrdreg s2  }
0xa9: {  	[dreg:$0x3] =	wrdreg s4  }
0xaa: {  	[dreg:$0x4] =	wrdreg $0xC0  }
0xab: {  	_ =	task [dreg:s6], $0x5FFFF  }
0xac: {  	[dreg:$0x1] =	wrdreg $0xFFFFFFFF  }
0xad: {  	[dreg:$0x0] =	wrdreg $0x60  }
0xae: {  	[dreg:$0x2] =	wrdreg s24  }
0xaf: {  	[dreg:$0x3] =	wrdreg $0xB0000  }
0xb0: {  	[dreg:$0x4] =	wrdreg $0x9  }
0xb1: {  	_ =	task.clear_ibuf [dreg:s6], $0x5FFFF;
	_ =	strace $0x90000046  }
0xb2: {  	s29 =	simm.s32 $0x9;
	_ =	strace $0x80000048  }
0xb3: {  	_ =	swait.ge [sflag:s29], $0x1  }
0xb4: {  	[sflag:s29] =	ssyncadd.s32 $0xFFFFFFFF  }
0xb5: {  	_ =	strace $0x90000048  }
0xb6: {  	_ =	sfence  }
0xb7: {  	s30 =	sld [smem:$0x0];
	_ =	sdelay $0x2  }
0xb8: {  	s31 =	sshll.u32 s1, $0xD;
	s1 =	sshrl.u32 s1, $0x2  }
0xb9: {  	s3 =	sand.u32 $0x4000, s31;
	s1 =	sadd.s32 s1, s30  }
0xba: {  	s0 =	sor.u32 s3, s0;
	s1 =	sshll.u32 s1, $0x11  }
0xbb: {  	s0 =	sor.u32 s1, s0  }
0xbc: {  	s0 =	sadd.s32 $0x8F2B, s0  }
0xbd: {  	[sflag:s0] =	ssyncadd.remote.s32 $0x1  }
0xbe: {  	_ =	sfence.sel $0xFFFF  }
0xbf: {  	[dreg:$0x0] =	wrdreg $0xFFFFFFFF;
	(pc) =	sbr.abs _section_cstart, $3  }
0xc0: {  	[dreg:$0x1] =	wrdreg $0xFFFFFFFF  }
0xc1: {  	_ =	task.clear_ibuf [dreg:s6], $0x2FFFF;
	_ =	strace $0x9FFFFFFF  }
0xc2: {  	(tm) =	ssettm $0x7FFFFFFF  }
0xc3: {  	_ =	shalt  }
tec
execute0_lowered:
.L_overlay_start_1:
0x0: {  	(tag) =	ssettag $0x1  }
0x1: {  	s1 =	rddreg [dreg:$0x0]  }
0x2: {  	s0 =	srdreg.scid;
	s2 =	rddreg [dreg:$0x1]  }
0x3: {  	s12 =	stileid.u32;
	s3 =	simm.s32 $0x0;
	s28 =	simm.s32 $0x2  }
0x4: {  	s29 =	simm.s32 $0x80;
	s30 =	simm.s32 $0x7000;
	s31 =	simm.s32 $0x5  }
0x5: {  	s0 =	sand.u32 $0x1, s0;
	[smem:$0x7FF] =	sst s3;
	s11 =	smul.u32 $0x50000, s12  }
0x6: {  	s5 =	sadd.s32 $0x17A00, s1;
	s6 =	sadd.s32 $0x3A00, s1;
	s14 =	smul.u32 $0x14000, s12  }
0x7: {  	s4 =	sshll.u32 s0, $0x4;
	_ =	strace $0x80000047;
	s8 =	ssub.s32 $0x2, s0  }
0x8: {  	s0 =	smul.u32 $0x140000, s0;
	s4 =	sor.u32 s12, s4;
	s10 =	sshrl.u32 s8, $0x1  }
0x9: {  	s21 =	sshrl.u32 s11, $0x2;
	s22 =	sadd.s32 $0x4000, s14;
	s23 =	sadd.s32 $0x8000, s14  }
0xa: {  	s15 =	sadd.s32 $0xC000, s14;
	s16 =	sadd.s32 $0x10000, s14;
	s4 =	smul.u32 $0x2800, s4  }
0xb: {  	s8 =	ssub.s32 s8, s10;
	s10 =	sadd.s32 s21, s2;
	s11 =	sadd.s32 s22, s2  }
0xc: {  	s12 =	sadd.s32 s23, s2;
	s13 =	sadd.s32 s15, s2;
	s17 =	sadd.s32 s14, s0  }
0xd: {  	s14 =	sadd.s32 s16, s2;
	s24 =	sadd.s32 s0, s23;
	s25 =	sadd.s32 s0, s15  }
0xe: {  	s21 =	simm.s32 $0x7;
	s23 =	simm.s32 $0x2C00;
	s17 =	sshrl.u32 s17, $0x3  }
0xf: {  	s26 =	sshrl.u32 s25, $0x3;
	s25 =	simm.s32 $0x1;
	s7 =	sshrl.u32 s4, $0x3  }
0x10: {  	s9 =	sadd.s32 s7, s1;
	s1 =	sadd.s32 $0x3FA00, s1;
	s20 =	sadd.s32 s6, s7  }
0x11: {  	s7 =	sadd.s32 s0, s22;
	s9 =	sadd.s32 $0xDA00, s9;
	[dreg:$0x4] =	wrdreg s20  }
0x12: {  	s0 =	sadd.s32 s0, s16;
	s17 =	sadd.s32 s1, s17;
	[dreg:$0x3] =	wrdreg s9  }
0x13: {  	s7 =	sshrl.u32 s7, $0x3;
	s9 =	sadd.s32 $0x10, s20;
	[dreg:$0x6] =	wrdreg s17  }
0x14: {  	s0 =	sshrl.u32 s0, $0x3;
	s7 =	sadd.s32 s1, s7;
	[dreg:$0x5] =	wrdreg s9  }
0x15: {  	s22 =	simm.s32 $0x2800;
	s0 =	sadd.s32 s1, s0;
	[dreg:$0x7] =	wrdreg s7  }
0x16: {  	s20 =	smax.u32 s8, $0x1;
	s7 =	sshrl.u32 s24, $0x3;
	[dreg:$0xa] =	wrdreg s0  }
0x17: {  	s24 =	simm.s32 $0x3000;
	s0 =	simm.s32 $0x4;
	s7 =	sadd.s32 s1, s7  }
0x18: {  	[dreg:$0x8] =	wrdreg s7;
	s7 =	sadd.s32 s1, s26;
	s26 =	simm.s32 $0x3  }
0x19: {  	v0 =	vimm.f32 $0.0e+00;
	s1 =	simm.s32 $0x6;
	[dreg:$0x9] =	wrdreg s7;
	s7 =	simm.s32 $0x0  }
.LBB2_1:
0x1a: {  	s8 =	rddreg [dreg:$0x3]  }
0x1b: {  	[tilespmem:s3], [sflag:$0x7] =	stream.linear.gather [hbm4b:s8+s3], $0x2800, $0x38;
	[tilespmem:$0x1F000] =	vst v63  }
0x1c: {  	_ =	swait.ge [sflag:s21], $0x2800  }
0x1d: {  	[sflag:s21] =	ssyncset.done $0x0  }
0x1e: {  	s18 =	rddreg [dreg:$0x4];
	[sflag:s21] =	ssyncadd.s32 $0xFFFFD800  }
0x1f: {  	[tilespmem:s22], [sflag:$0x1] =	stream.linear.gather [hbm4b:s18+s3], $0x80, $0x38;
	[tilespmem:$0x1F000] =	vst v63  }
0x20: {  	s9 =	simm.s32 $0x200;
	s8 =	simm.s32 $0x0;
	s19 =	rddreg [dreg:$0x5]  }
0x21: {  	[tilespmem:s23], [sflag:$0x2] =	stream.linear.gather [hbm4b:s19+s3], $0x80, $0x38;
	[tilespmem:$0x1F000] =	vst v63  }
.LBB2_2:
0x22: {  	p0 =	sne.s32 s9, $0xFE00;
	[tilespmem:s8+$0x3070] =	vst v0  }
0x23: {  	[tilespmem:s8+$0x3000] =	vst v0  }
0x24: {  	[tilespmem:s8+$0x3010] =	vst v0  }
.Ltmp0:
0x25: {  	[tilespmem:s8+$0x3020] =	vst v0;
	(pc) =	sbr.rel @p0 .LBB2_2-.Ltmp0, $4  }
0x26: {  	[tilespmem:s8+$0x3030] =	vst v0  }
0x27: {  	[tilespmem:s8+$0x3040] =	vst v0  }
0x28: {  	[tilespmem:s8+$0x3050] =	vst v0  }
0x29: {  	[tilespmem:s8+$0x3060] =	vst v0;
	s8 =	sshra.s32 s9, $0x2;
	s9 =	sadd.s32 $0x200, s9  }
0x2a: {  	[tilespmem:s8+$0x3070] =	vst v0  }
0x2b: {  	[tilespmem:s8+$0x3000] =	vst v0  }
0x2c: {  	[tilespmem:s8+$0x3010] =	vst v0  }
0x2d: {  	[tilespmem:s8+$0x3020] =	vst v0  }
0x2e: {  	[tilespmem:s8+$0x3030] =	vst v0  }
0x2f: {  	[tilespmem:s8+$0x3040] =	vst v0  }
0x30: {  	[tilespmem:s8+$0x3050] =	vst v0  }
0x31: {  	[tilespmem:s8+$0x3060] =	vst v0  }
0x32: {  	[spmem:s10] =	stream.linear.scatter [tilespmem:s24], [sflag:$0x7], $0x4000, $0x38;
	[tilespmem:$0x1F000] =	vst v63  }
0x33: {  	_ =	swait.ge [sflag:s21], $0x4000  }
0x34: {  	[sflag:s21] =	ssyncset.done $0x0  }
0x35: {  	[sflag:s21] =	ssyncadd.s32 $0xFFFFC000  }
0x36: {  	[spmem:s11] =	stream.linear.scatter [tilespmem:s24], [sflag:$0x7], $0x4000, $0x38;
	[tilespmem:$0x1F000] =	vst v63  }
0x37: {  	_ =	swait.ge [sflag:s21], $0x4000  }
0x38: {  	[sflag:s21] =	ssyncset.done $0x0  }
0x39: {  	[sflag:s21] =	ssyncadd.s32 $0xFFFFC000  }
0x3a: {  	[spmem:s12] =	stream.linear.scatter [tilespmem:s24], [sflag:$0x7], $0x4000, $0x38;
	[tilespmem:$0x1F000] =	vst v63  }
0x3b: {  	_ =	swait.ge [sflag:s21], $0x4000  }
0x3c: {  	[sflag:s21] =	ssyncset.done $0x0  }
0x3d: {  	[sflag:s21] =	ssyncadd.s32 $0xFFFFC000  }
0x3e: {  	[spmem:s13] =	stream.linear.scatter [tilespmem:s24], [sflag:$0x7], $0x4000, $0x38;
	[tilespmem:$0x1F000] =	vst v63  }
0x3f: {  	_ =	swait.ge [sflag:s21], $0x4000  }
0x40: {  	[sflag:s21] =	ssyncset.done $0x0  }
0x41: {  	[sflag:s21] =	ssyncadd.s32 $0xFFFFC000  }
0x42: {  	[spmem:s14] =	stream.linear.scatter [tilespmem:s24], [sflag:$0x7], $0x4000, $0x38;
	[tilespmem:$0x1F000] =	vst v63  }
0x43: {  	_ =	swait.ge [sflag:s21], $0x4000  }
0x44: {  	[sflag:s21] =	ssyncset.done $0x0  }
0x45: {  	[sflag:s21] =	ssyncadd.s32 $0xFFFFC000  }
0x46: {  	[bflag:$0x0] =	sbarrier.arrive $0xFFFF  }
0x47: {  	s9 =	simm.s32 $0x100;
	_ =	swait.ge [sflag:s25], $0x80  }
0x48: {  	s16 =	simm.s32 $0x80;
	s15 =	sand.u32 $0x7C00, s9;
	[sflag:s25] =	ssyncset.done $0x0  }
0x49: {  	s9 =	sand.u32 $0x300, s9;
	s15 =	sadd.s32 s4, s15;
	[sflag:s25] =	ssyncadd.s32 $0xFFFFFF80  }
0x4a: {  	[tilespmem:s24], [sflag:$0x3] =	stream.indirect.gather [hbm4b:s5+s16], $0x80, s22, s16, $0xb8;
	[tilespmem:$0x1F000] =	vst v63  }
0x4b: {  	s9 =	sor.u32 s9, s15;
	_ =	swait.ge [sflag:s26], $0x4000  }
0x4c: {  	s9 =	sshrl.u32 s9, $0x3;
	[sflag:s26] =	ssyncset.done $0x0  }
0x4d: {  	s9 =	sadd.s32 s6, s9;
	[sflag:s26] =	ssyncadd.s32 $0xFFFFC000  }
0x4e: {  	[tilespmem:s22], [sflag:$0x1] =	stream.linear.gather [hbm4b:s9+s3], $0x80, $0x38;
	[tilespmem:$0x1F000] =	vst v63  }
0x4f: {  	_ =	swait.ge [sflag:s28], $0x80  }
0x50: {  	[sflag:s28] =	ssyncset.done $0x0  }
0x51: {  	[sflag:s28] =	ssyncadd.s32 $0xFFFFFF80  }
0x52: {  	[tilespmem:s30], [sflag:$0x4] =	stream.indirect.gather [hbm4b:s5+s29], $0x80, s23, s29, $0xb8;
	[tilespmem:$0x1F000] =	vst v63  }
0x53: {  	s17 =	simm.s32 $0x0  }
0x54: {  	[spmem:s2] =	stream.indirect.scatter.add.f32 [tilespmem:s24], [sflag:$0x5], $0x80, s17, s29, $0xb8;
	[tilespmem:$0x1F000] =	vst v63  }
0x55: {  	s18 =	simm.s32 $0x180;
	_ =	swait.ge [sflag:s31], $0x4000  }
0x56: {  	s19 =	sand.u32 $0x7C00, s18;
	[sflag:s31] =	ssyncset.done $0x0  }
0x57: {  	s15 =	sadd.s32 s4, s19;
	s9 =	sand.u32 $0x380, s18;
	[sflag:s31] =	ssyncadd.s32 $0xFFFFC000  }
0x58: {  	s9 =	sor.u32 s9, s15;
	_ =	swait.ge [sflag:s0], $0x4000  }
0x59: {  	s9 =	sshrl.u32 s9, $0x3;
	[sflag:s0] =	ssyncset.done $0x0  }
0x5a: {  	s9 =	sadd.s32 s6, s9;
	[sflag:s0] =	ssyncadd.s32 $0xFFFFC000  }
0x5b: {  	[tilespmem:s23], [sflag:$0x2] =	stream.linear.gather [hbm4b:s9+s3], $0x80, $0x38;
	[tilespmem:$0x1F000] =	vst v63  }
0x5c: {  	_ =	swait.ge [sflag:s25], $0x80  }
0x5d: {  	[sflag:s25] =	ssyncset.done $0x0  }
0x5e: {  	[sflag:s25] =	ssyncadd.s32 $0xFFFFFF80  }
0x5f: {  	[tilespmem:s24], [sflag:$0x3] =	stream.indirect.gather [hbm4b:s5+s29], $0x80, s22, s29, $0xb8;
	[tilespmem:$0x1F000] =	vst v63  }
0x60: {  	_ = 	snop  }
0x61: {  	[spmem:s2] =	stream.indirect.scatter.add.f32 [tilespmem:s30], [sflag:$0x6], $0x80, s16, s29, $0xb8;
	[tilespmem:$0x1F000] =	vst v63  }
0x62: {  	s8 =	simm.s32 $0x280;
	s15 =	simm.s32 $0x380;
	_ =	swait.ge [sflag:s1], $0x4000  }
0x63: {  	s9 =	simm.s32 $0x180;
	s16 =	simm.s32 $0x200;
	[sflag:s1] =	ssyncset.done $0x0  }
.LBB2_4:
0x64: {  	s18 =	sand.u32 $0x7C00, s16  }
0x65: {  	[sflag:s1] =	ssyncadd.s32 $0xFFFFC000;
	s19 =	smov.u32 s15;
	s17 =	sadd.s32 $0x100, s15  }
0x66: {  	p0 =	sne.s32 s15, $0x2780;
	s16 =	sand.u32 $0x300, s16;
	s15 =	sadd.s32 s4, s18  }
0x67: {  	_ =	swait.ge [sflag:s26], $0x4000;
	s15 =	sor.u32 s16, s15  }
0x68: {  	[sflag:s26] =	ssyncset.done $0x0;
	s15 =	sshrl.u32 s15, $0x3  }
0x69: {  	[sflag:s26] =	ssyncadd.s32 $0xFFFFC000;
	s15 =	sadd.s32 s6, s15  }
0x6a: {  	[tilespmem:s22], [sflag:$0x1] =	stream.linear.gather [hbm4b:s15+s3], $0x80, $0x38;
	[tilespmem:$0x1F000] =	vst v63  }
0x6b: {  	_ =	swait.ge [sflag:s28], $0x80  }
0x6c: {  	[sflag:s28] =	ssyncset.done $0x0  }
0x6d: {  	[sflag:s28] =	ssyncadd.s32 $0xFFFFFF80  }
0x6e: {  	[tilespmem:s30], [sflag:$0x4] =	stream.indirect.gather [hbm4b:s5+s29], $0x80, s23, s29, $0xb8;
	[tilespmem:$0x1F000] =	vst v63  }
0x6f: {  	s15 =	sadd.s32 $0xFFFFFF80, s9  }
0x70: {  	[spmem:s2] =	stream.indirect.scatter.add.f32 [tilespmem:s24], [sflag:$0x5], $0x80, s15, s29, $0xb8;
	[tilespmem:$0x1F000] =	vst v63  }
0x71: {  	_ =	swait.ge [sflag:s31], $0x4000  }
0x72: {  	s15 =	sand.u32 $0x7C00, s8;
	[sflag:s31] =	ssyncset.done $0x0  }
0x73: {  	s8 =	sand.u32 $0x380, s8;
	s15 =	sadd.s32 s4, s15;
	[sflag:s31] =	ssyncadd.s32 $0xFFFFC000  }
0x74: {  	s15 =	sor.u32 s8, s15;
	s8 =	smov.u32 s19;
	_ =	swait.ge [sflag:s0], $0x4000  }
0x75: {  	s15 =	sshrl.u32 s15, $0x3;
	[sflag:s0] =	ssyncset.done $0x0  }
0x76: {  	s15 =	sadd.s32 s6, s15;
	[sflag:s0] =	ssyncadd.s32 $0xFFFFC000  }
0x77: {  	[tilespmem:s23], [sflag:$0x2] =	stream.linear.gather [hbm4b:s15+s3], $0x80, $0x38;
	[tilespmem:$0x1F000] =	vst v63  }
0x78: {  	_ =	swait.ge [sflag:s25], $0x80  }
0x79: {  	[sflag:s25] =	ssyncset.done $0x0  }
0x7a: {  	[sflag:s25] =	ssyncadd.s32 $0xFFFFFF80  }
0x7b: {  	[tilespmem:s24], [sflag:$0x3] =	stream.indirect.gather [hbm4b:s5+s29], $0x80, s22, s29, $0xb8;
	[tilespmem:$0x1F000] =	vst v63  }
.Ltmp1:
0x7c: {  	_ = 	snop;
	(pc) =	sbr.rel @p0 .LBB2_4-.Ltmp1, $4  }
0x7d: {  	_ = 	snop  }
0x7e: {  	[spmem:s2] =	stream.indirect.scatter.add.f32 [tilespmem:s30], [sflag:$0x6], $0x80, s9, s29, $0xb8;
	[tilespmem:$0x1F000] =	vst v63  }
0x7f: {  	s16 =	sadd.s32 $0xFFFFFF80, s8;
	_ =	swait.ge [sflag:s1], $0x4000  }
0x80: {  	s15 =	smov.u32 s17;
	s9 =	sadd.s32 $0x100, s9;
	[sflag:s1] =	ssyncset.done $0x0  }
0x81: {  	s15 =	sand.u32 $0x7C00, s16  }
0x82: {  	[sflag:s1] =	ssyncadd.s32 $0xFFFFC000;
	s19 =	sand.u32 $0x300, s16;
	s15 =	sadd.s32 s4, s15  }
0x83: {  	_ =	swait.ge [sflag:s26], $0x4000;
	s15 =	sor.u32 s19, s15  }
0x84: {  	[sflag:s26] =	ssyncset.done $0x0;
	s15 =	sshrl.u32 s15, $0x3  }
0x85: {  	[sflag:s26] =	ssyncadd.s32 $0xFFFFC000;
	s15 =	sadd.s32 s6, s15  }
0x86: {  	[tilespmem:s22], [sflag:$0x1] =	stream.linear.gather [hbm4b:s15+s3], $0x80, $0x38;
	[tilespmem:$0x1F000] =	vst v63  }
0x87: {  	_ =	swait.ge [sflag:s28], $0x80  }
0x88: {  	[sflag:s28] =	ssyncset.done $0x0  }
0x89: {  	[sflag:s28] =	ssyncadd.s32 $0xFFFFFF80  }
0x8a: {  	[tilespmem:s30], [sflag:$0x4] =	stream.indirect.gather [hbm4b:s5+s29], $0x80, s23, s29, $0xb8;
	[tilespmem:$0x1F000] =	vst v63  }
0x8b: {  	s16 =	sadd.s32 $0xFFFFFF80, s9  }
0x8c: {  	[spmem:s2] =	stream.indirect.scatter.add.f32 [tilespmem:s24], [sflag:$0x5], $0x80, s16, s29, $0xb8;
	[tilespmem:$0x1F000] =	vst v63  }
0x8d: {  	_ =	swait.ge [sflag:s31], $0x4000  }
0x8e: {  	s17 =	sand.u32 $0x7C00, s8;
	[sflag:s31] =	ssyncset.done $0x0  }
0x8f: {  	s18 =	sand.u32 $0x380, s8;
	s15 =	sadd.s32 s4, s17;
	[sflag:s31] =	ssyncadd.s32 $0xFFFFC000  }
0x90: {  	s8 =	sor.u32 s18, s15;
	_ =	swait.ge [sflag:s0], $0x4000  }
0x91: {  	s8 =	sshrl.u32 s8, $0x3;
	[sflag:s0] =	ssyncset.done $0x0  }
0x92: {  	s8 =	sadd.s32 s6, s8;
	[sflag:s0] =	ssyncadd.s32 $0xFFFFC000  }
0x93: {  	[tilespmem:s23], [sflag:$0x2] =	stream.linear.gather [hbm4b:s8+s3], $0x80, $0x38;
	[tilespmem:$0x1F000] =	vst v63  }
0x94: {  	_ =	swait.ge [sflag:s25], $0x80  }
0x95: {  	[sflag:s25] =	ssyncset.done $0x0  }
0x96: {  	[sflag:s25] =	ssyncadd.s32 $0xFFFFFF80  }
0x97: {  	[tilespmem:s24], [sflag:$0x3] =	stream.indirect.gather [hbm4b:s5+s29], $0x80, s22, s29, $0xb8;
	[tilespmem:$0x1F000] =	vst v63  }
0x98: {  	_ = 	snop  }
0x99: {  	[spmem:s2] =	stream.indirect.scatter.add.f32 [tilespmem:s30], [sflag:$0x6], $0x80, s9, s29, $0xb8;
	[tilespmem:$0x1F000] =	vst v63  }
0x9a: {  	_ =	swait.ge [sflag:s1], $0x4000  }
0x9b: {  	[sflag:s1] =	ssyncset.done $0x0  }
0x9c: {  	[sflag:s1] =	ssyncadd.s32 $0xFFFFC000  }
0x9d: {  	_ =	swait.ge [sflag:s26], $0x4000  }
0x9e: {  	[sflag:s26] =	ssyncset.done $0x0  }
0x9f: {  	[sflag:s26] =	ssyncadd.s32 $0xFFFFC000  }
0xa0: {  	_ =	swait.ge [sflag:s28], $0x80  }
0xa1: {  	[sflag:s28] =	ssyncset.done $0x0  }
0xa2: {  	[sflag:s28] =	ssyncadd.s32 $0xFFFFFF80  }
0xa3: {  	[tilespmem:s30], [sflag:$0x4] =	stream.indirect.gather [hbm4b:s5+s29], $0x80, s23, s29, $0xb8;
	[tilespmem:$0x1F000] =	vst v63  }
0xa4: {  	s19 =	simm.s32 $0x2700  }
0xa5: {  	[spmem:s2] =	stream.indirect.scatter.add.f32 [tilespmem:s24], [sflag:$0x5], $0x80, s19, s29, $0xb8;
	[tilespmem:$0x1F000] =	vst v63  }
0xa6: {  	_ =	swait.ge [sflag:s31], $0x4000  }
0xa7: {  	[sflag:s31] =	ssyncset.done $0x0  }
0xa8: {  	[sflag:s31] =	ssyncadd.s32 $0xFFFFC000  }
0xa9: {  	_ =	swait.ge [sflag:s0], $0x4000  }
0xaa: {  	[sflag:s0] =	ssyncset.done $0x0  }
0xab: {  	s9 =	simm.s32 $0x2780;
	[sflag:s0] =	ssyncadd.s32 $0xFFFFC000  }
0xac: {  	[spmem:s2] =	stream.indirect.scatter.add.f32 [tilespmem:s30], [sflag:$0x6], $0x80, s9, s29, $0xb8;
	[tilespmem:$0x1F000] =	vst v63  }
0xad: {  	_ =	swait.ge [sflag:s1], $0x4000  }
0xae: {  	[sflag:s1] =	ssyncset.done $0x0  }
0xaf: {  	[sflag:s1] =	ssyncadd.s32 $0xFFFFC000  }
0xb0: {  	[bflag:$0x0] =	sbarrier.arrive $0xFFFF  }
0xb1: {  	[tilespmem:s24], [sflag:$0x7] =	stream.linear.gather [spmem:s10], $0x4000, $0x38;
	[tilespmem:$0x1F000] =	vst v63  }
0xb2: {  	_ =	swait.ge [sflag:s21], $0x4000  }
0xb3: {  	[sflag:s21] =	ssyncset.done $0x0  }
0xb4: {  	s15 =	rddreg [dreg:$0x6];
	[sflag:s21] =	ssyncadd.s32 $0xFFFFC000  }
0xb5: {  	[hbm4b:s15+s3] =	stream.linear.scatter [tilespmem:s24], [sflag:$0x7], $0x4000, $0x38;
	[tilespmem:$0x1F000] =	vst v63  }
0xb6: {  	_ =	swait.ge [sflag:s21], $0x4000  }
0xb7: {  	[sflag:s21] =	ssyncset.done $0x0  }
0xb8: {  	[sflag:s21] =	ssyncadd.s32 $0xFFFFC000  }
0xb9: {  	[tilespmem:s24], [sflag:$0x7] =	stream.linear.gather [spmem:s11], $0x4000, $0x38;
	[tilespmem:$0x1F000] =	vst v63  }
0xba: {  	_ =	swait.ge [sflag:s21], $0x4000  }
0xbb: {  	[sflag:s21] =	ssyncset.done $0x0  }
0xbc: {  	s16 =	rddreg [dreg:$0x7];
	[sflag:s21] =	ssyncadd.s32 $0xFFFFC000  }
0xbd: {  	[hbm4b:s16+s3] =	stream.linear.scatter [tilespmem:s24], [sflag:$0x7], $0x4000, $0x38;
	[tilespmem:$0x1F000] =	vst v63  }
0xbe: {  	_ =	swait.ge [sflag:s21], $0x4000  }
0xbf: {  	[sflag:s21] =	ssyncset.done $0x0  }
0xc0: {  	[sflag:s21] =	ssyncadd.s32 $0xFFFFC000  }
0xc1: {  	[tilespmem:s24], [sflag:$0x7] =	stream.linear.gather [spmem:s12], $0x4000, $0x38;
	[tilespmem:$0x1F000] =	vst v63  }
0xc2: {  	_ =	swait.ge [sflag:s21], $0x4000  }
0xc3: {  	[sflag:s21] =	ssyncset.done $0x0  }
0xc4: {  	s17 =	rddreg [dreg:$0x8];
	[sflag:s21] =	ssyncadd.s32 $0xFFFFC000  }
0xc5: {  	[hbm4b:s17+s3] =	stream.linear.scatter [tilespmem:s24], [sflag:$0x7], $0x4000, $0x38;
	[tilespmem:$0x1F000] =	vst v63  }
0xc6: {  	_ =	swait.ge [sflag:s21], $0x4000  }
0xc7: {  	[sflag:s21] =	ssyncset.done $0x0  }
0xc8: {  	[sflag:s21] =	ssyncadd.s32 $0xFFFFC000  }
0xc9: {  	[tilespmem:s24], [sflag:$0x7] =	stream.linear.gather [spmem:s13], $0x4000, $0x38;
	[tilespmem:$0x1F000] =	vst v63  }
0xca: {  	_ =	swait.ge [sflag:s21], $0x4000  }
0xcb: {  	[sflag:s21] =	ssyncset.done $0x0  }
0xcc: {  	s18 =	rddreg [dreg:$0x9];
	[sflag:s21] =	ssyncadd.s32 $0xFFFFC000  }
0xcd: {  	[hbm4b:s18+s3] =	stream.linear.scatter [tilespmem:s24], [sflag:$0x7], $0x4000, $0x38;
	[tilespmem:$0x1F000] =	vst v63  }
0xce: {  	_ =	swait.ge [sflag:s21], $0x4000  }
0xcf: {  	[sflag:s21] =	ssyncset.done $0x0  }
0xd0: {  	[sflag:s21] =	ssyncadd.s32 $0xFFFFC000  }
0xd1: {  	[tilespmem:s24], [sflag:$0x7] =	stream.linear.gather [spmem:s14], $0x4000, $0x38;
	[tilespmem:$0x1F000] =	vst v63  }
0xd2: {  	s7 =	sadd.s32 $0x1, s7;
	_ =	swait.ge [sflag:s21], $0x4000  }
0xd3: {  	p0 =	sne.s32 s7, s20;
	[sflag:s21] =	ssyncset.done $0x0  }
.Ltmp2:
0xd4: {  	s19 =	rddreg [dreg:$0xa];
	[sflag:s21] =	ssyncadd.s32 $0xFFFFC000;
	(pc) =	sbr.rel @p0 .LBB2_1-.Ltmp2, $4  }
0xd5: {  	[hbm4b:s19+s3] =	stream.linear.scatter [tilespmem:s24], [sflag:$0x7], $0x4000, $0x38;
	[tilespmem:$0x1F000] =	vst v63  }
0xd6: {  	_ =	swait.ge [sflag:s21], $0x4000  }
0xd7: {  	[sflag:s21] =	ssyncset.done $0x0  }
0xd8: {  	[sflag:s21] =	ssyncadd.s32 $0xFFFFC000  }
0xd9: {  	_ =	sfence.sel $0x180000  }
0xda: {  	[bflag:$0x0] =	sbarrier.arrive $0xFFFF  }
0xdb: {  	_ =	strace $0x90000047  }
0xdc: {  	s0 =	stileid.u32;
	[bflag:$0x2] =	sbarrier.arrive $0xFFFF  }
0xdd: {  	p0 =	sne.s32 s0, $0x0;
	s0 =	rddreg [dreg:$0x2]  }
0xde: {  	s0 =	sadd.s32 @!p0 $0x100000, s0  }
0xdf: {  	[sflag:s0] =	ssyncadd.tile.s32 @!p0 $0x1;
	_ =	shalt  }
.Lfunc_end2:
_tile_overlayer_lowered:
.L_overlay_start_2:
0xe0: {  	(tag) =	ssettag $0x2  }
0xe1: {  	s0 =	rddreg [dreg:$0x0];
	s2 =	stileid.u32  }
0xe2: {  	s1 =	rddreg [dreg:$0x1];
	p0 =	sne.s32 s2, $0x0  }
0xe3: {  	s3 =	rddreg [dreg:$0x2];
	[bflag:$0x3] =	sbarrier.arrive $0xFFFF;
	s2 =	simm.s32 @!p0 $0x1C07  }
0xe4: {  	[timem:s3], [sflag:s2] =	dma.local @!p0 [hbm:s0], s1  }
0xe5: {  	s0 =	simm.s32 @!p0 $0x7  }
0xe6: {  	_ =	swait.ge @!p0 [sflag:s0], s1  }
0xe7: {  	s1 =	ssub.s32 @!p0 $0x0, s1;
	[sflag:s0] =	ssyncset.done @!p0 $0x0  }
0xe8: {  	[sflag:s0] =	ssyncadd.s32 @!p0 s1  }
0xe9: {  	[bflag:$0x3] =	sbarrier.arrive $0xFFFF  }
0xea: {  	_ =	shalt  }

</sc_bundles>
